<compile_context>
chip_gen: v7x
topology: tpu7x:2x2x1
jax: 0.10.2.dev20260603
libtpu: 0.0.44.dev20260713+nightly
codegen_flags: <defaults>
</compile_context>

<pallas_src>
import jax
import jax.numpy as jnp
from jax import lax
from jax.experimental import pallas as pl
from jax.experimental.pallas import tpu as pltpu
from jax.experimental.pallas import tpu_sc as plsc

GT_POS = 0.01
GT_NEG = 0.02
UNMATCHED = -1
IGNORE = -2

N = 2048
KT = 256
NC, NS, L = 2, 16, 16
NW = NC * NS
QPW = (8 * N) // NW


def _reproject(kpts, T):
    B, n, _ = kpts.shape
    h = jnp.concatenate([kpts, jnp.ones((B, n, 1), kpts.dtype)], axis=-1)
    h = jnp.einsum('bij,bnj->bni', T, h)
    z = h[..., 2]
    zs = jnp.where(jnp.abs(z) < 1e-8, 1e-8, z)
    pts = h[..., :2] / zs[..., None]
    mask = (z > 1e-8) & (pts[..., 0] >= 0.0) & (pts[..., 0] <= 1.0) \
           & (pts[..., 1] >= 0.0) & (pts[..., 1] <= 1.0)
    return pts, mask


def _dist_kernel(qall_ref, kt_ref, md_ref, nn_ref, kxc, kyc):
    r = pl.program_id(0)
    sub16 = lax.broadcasted_iota(jnp.int32, (16, 1), 0)
    qa = qall_ref[...]
    qx = jnp.sum(jnp.where(sub16 == 2 * r, qa, 0.0), axis=0, keepdims=True)
    qy = jnp.sum(jnp.where(sub16 == 2 * r + 1, qa, 0.0), axis=0, keepdims=True)
    lane16 = lax.broadcasted_iota(jnp.int32, (1, 16), 1)
    kt = kt_ref[...]
    kxc[...] = jnp.sum(jnp.where(lane16 == 2 * r, kt, 0.0),
                       axis=1, keepdims=True)
    kyc[...] = jnp.sum(jnp.where(lane16 == 2 * r + 1, kt, 0.0),
                       axis=1, keepdims=True)

    subk = lax.broadcasted_iota(jnp.int32, (KT, 1), 0)

    acc_v = jnp.full((KT, N), jnp.inf, jnp.float32)
    acc_i = jnp.zeros((KT, N), jnp.int32)
    for i in range(N // KT):
        kx = kxc[pl.ds(i * KT, KT), :]
        ky = kyc[pl.ds(i * KT, KT), :]
        dx = qx - kx
        dy = qy - ky
        e = dx * dx + dy * dy + 1e-12
        d = e * lax.rsqrt(e)
        lt = d < acc_v
        acc_v = jnp.minimum(acc_v, d)
        acc_i = jnp.where(lt, i * KT + subk, acc_i)

    mind = jnp.min(acc_v, axis=0, keepdims=True)
    idx = jnp.min(jnp.where(acc_v == mind, acc_i, N),
                  axis=0, keepdims=True)
    md_ref[pl.ds(r, 1), :] = mind
    nn_ref[pl.ds(r, 1), :] = idx


def _sc_cross_kernel(nn_hbm, md_hbm, mk_hbm, gt0_hbm, gt1_hbm,
                     idx_v, mdq_v, mkq_v, nnp_v, mdp_v, mkp_v, out_v, sem):
    c = lax.axis_index("c")
    s = lax.axis_index("s")
    wid = s * NC + c
    row = wid // 4
    part = wid % 4
    row_p = jnp.where(row >= 4, row - 4, row + 4)
    qoff = row * N + part * QPW
    poff = row_p * N

    copies = [
        pltpu.async_copy(nn_hbm.at[pl.ds(qoff, QPW)], idx_v, sem),
        pltpu.async_copy(md_hbm.at[pl.ds(qoff, QPW)], mdq_v, sem),
        pltpu.async_copy(mk_hbm.at[pl.ds(qoff, QPW)], mkq_v, sem),
        pltpu.async_copy(nn_hbm.at[pl.ds(poff, N)], nnp_v, sem),
        pltpu.async_copy(md_hbm.at[pl.ds(poff, N)], mdp_v, sem),
        pltpu.async_copy(mk_hbm.at[pl.ds(poff, N)], mkp_v, sem),
    ]
    for cp in copies:
        cp.wait()

    qbase = part * QPW + lax.broadcasted_iota(jnp.int32, (L,), 0)
    for i in range(QPW // L):
        sl = pl.ds(i * L, L)
        idx16 = idx_v[sl]
        g_nn = plsc.load_gather(nnp_v, [idx16])
        g_md = plsc.load_gather(mdp_v, [idx16])
        g_mk = plsc.load_gather(mkp_v, [idx16])
        qi = qbase + i * L
        cc = g_nn == qi
        sym = 0.5 * (mdq_v[sl] + g_md)
        gt = jnp.where(cc, idx16, UNMATCHED)
        gt = jnp.where(cc & (sym > GT_POS), IGNORE, gt)
        gt = jnp.where(cc & (sym > GT_NEG), UNMATCHED, gt)
        gt = jnp.where(mkq_v[sl] > 0.5, gt, IGNORE)
        gt = jnp.where(g_mk > 0.5, gt, IGNORE)
        out_v[sl] = gt

    half = (row - 4) * N + part * QPW

    @pl.when(row < 4)
    def _():
        pltpu.sync_copy(out_v, gt0_hbm.at[pl.ds(qoff, QPW)])

    @pl.when(row >= 4)
    def _():
        pltpu.sync_copy(out_v, gt1_hbm.at[pl.ds(half, QPW)])


def _sc_copy_kernel(d0_hbm, d1_hbm, o0_hbm, o1_hbm, buf):
    c = lax.axis_index("c")
    s = lax.axis_index("s")
    wid = s * NC + c
    b = wid // 8
    r0 = (wid % 8) * 32
    pltpu.sync_copy(d0_hbm.at[b, pl.ds(r0, 32), :], buf)
    pltpu.sync_copy(buf, o0_hbm.at[b, pl.ds(r0, 32), :])
    pltpu.sync_copy(d1_hbm.at[b, pl.ds(r0, 32), :], buf)
    pltpu.sync_copy(buf, o1_hbm.at[b, pl.ds(r0, 32), :])


def kernel(kpts0, kpts1, desc0, desc1, scores0, scores1, transformation):
    T = transformation
    T_inv = jnp.linalg.inv(T)

    k0t, mask0 = _reproject(kpts0, T)
    k1t, mask1 = _reproject(kpts1, T_inv)

    qcat = jnp.concatenate([k0t, k1t])
    qall = qcat.transpose(0, 2, 1).reshape(16, N)
    kcat = jnp.concatenate([kpts1, kpts0])
    kall_t = kcat.transpose(1, 0, 2).reshape(N, 16)
    maskq = jnp.concatenate([mask0, mask1]).astype(jnp.float32)

    md, nn = pl.pallas_call(
        _dist_kernel,
        grid=(8,),
        in_specs=[pl.BlockSpec((16, N), lambda r: (0, 0)),
                  pl.BlockSpec((N, 16), lambda r: (0, 0))],
        out_specs=[pl.BlockSpec((8, N), lambda r: (0, 0)),
                   pl.BlockSpec((8, N), lambda r: (0, 0))],
        out_shape=[jax.ShapeDtypeStruct((8, N), jnp.float32),
                   jax.ShapeDtypeStruct((8, N), jnp.int32)],
        scratch_shapes=[pltpu.VMEM((N, 1), jnp.float32),
                        pltpu.VMEM((N, 1), jnp.float32)],
    )(qall, kall_t)

    nn_flat = nn.reshape(8 * N)
    md_flat = md.reshape(8 * N)
    mk_flat = maskq.reshape(8 * N)

    mesh = plsc.VectorSubcoreMesh(core_axis_name="c", subcore_axis_name="s")
    gt0, gt1 = pl.kernel(
        _sc_cross_kernel,
        out_type=(jax.ShapeDtypeStruct((4 * N,), jnp.int32),
                  jax.ShapeDtypeStruct((4 * N,), jnp.int32)),
        mesh=mesh,
        compiler_params=pltpu.CompilerParams(needs_layout_passes=False),
        scratch_types=[
            pltpu.VMEM((QPW,), jnp.int32),
            pltpu.VMEM((QPW,), jnp.float32),
            pltpu.VMEM((QPW,), jnp.float32),
            pltpu.VMEM((N,), jnp.int32),
            pltpu.VMEM((N,), jnp.float32),
            pltpu.VMEM((N,), jnp.float32),
            pltpu.VMEM((QPW,), jnp.int32),
            pltpu.SemaphoreType.DMA,
        ],
    )(nn_flat, md_flat, mk_flat)

    gt0 = gt0.reshape(4, N)
    gt1 = gt1.reshape(4, N)

    mesh2 = plsc.VectorSubcoreMesh(core_axis_name="c", subcore_axis_name="s")
    desc0_o, desc1_o = pl.kernel(
        _sc_copy_kernel,
        out_type=(jax.ShapeDtypeStruct(desc0.shape, desc0.dtype),
                  jax.ShapeDtypeStruct(desc1.shape, desc1.dtype)),
        mesh=mesh2,
        scratch_types=[pltpu.VMEM((32, N), jnp.float32)],
    )(desc0, desc1)

    return (kpts0, kpts1, desc0_o, desc1_o, scores0, scores1, gt0, gt1)

# --- scband reference (transcript-rebuilt; emitter-appended) ---
"""Pipeline reference for scband-super-point-matches-generator-58067957842194 (READ-ONLY COPY).

The authoritative reference and input builder live on the scoring server;
editing this copy changes nothing except your own understanding.
"""

import jax, jax.numpy as jnp
import numpy as np

GT_POS = 0.01
GT_NEG = 0.02
UNMATCHED = -1
IGNORE = -2


def _reproject(kpts, T):
    # Homography reprojection of keypoints, with validity mask.
    B, N, _ = kpts.shape
    h = jnp.concatenate([kpts, jnp.ones((B, N, 1), kpts.dtype)], axis=-1)
    h = jnp.einsum('bij,bnj->bni', T, h)
    z = h[..., 2]
    zs = jnp.where(jnp.abs(z) < 1e-8, 1e-8, z)
    pts = h[..., :2] / zs[..., None]
    mask = (z > 1e-8) & (pts[..., 0] >= 0.0) & (pts[..., 0] <= 1.0) \
           & (pts[..., 1] >= 0.0) & (pts[..., 1] <= 1.0)
    return pts, mask


def _cdist(a, b):
    # torch.cdist(p=2) equivalent: [B, N0, N1]
    d = a[:, :, None, :] - b[:, None, :, :]
    return jnp.sqrt(jnp.sum(d * d, axis=-1) + 1e-12)


def setup_inputs(seed: int = 0):
    key = jax.random.key(seed)
    ks = jax.random.split(key, 8)
    B, N0, N1, D = 4, 2048, 2048, 256
    kpts0 = jax.random.uniform(ks[0], (B, N0, 2), jnp.float32)
    kpts1 = jax.random.uniform(ks[1], (B, N1, 2), jnp.float32)
    desc0 = jax.random.normal(ks[2], (B, D, N0), jnp.float32)
    desc1 = jax.random.normal(ks[3], (B, D, N1), jnp.float32)
    scores0 = jax.random.uniform(ks[4], (B, N0), jnp.float32)
    scores1 = jax.random.uniform(ks[5], (B, N1), jnp.float32)
    # well-conditioned near-identity homography per pair
    transformation = jnp.eye(3, dtype=jnp.float32)[None] + \
        0.02 * jax.random.normal(ks[6], (B, 3, 3), jnp.float32)
    return {"kpts0": kpts0, "kpts1": kpts1, "desc0": desc0, "desc1": desc1,
            "scores0": scores0, "scores1": scores1, "transformation": transformation}


def reference(kpts0, kpts1, desc0, desc1, scores0, scores1, transformation):
    T = transformation
    T_inv = jnp.linalg.inv(T)
    num0 = kpts0.shape[1]
    num1 = kpts1.shape[1]

    k0t, mask0 = _reproject(kpts0, T)
    k1t, mask1 = _reproject(kpts1, T_inv)

    err01 = _cdist(k0t, kpts1)   # [B, N0, N1]
    err10 = _cdist(k1t, kpts0)   # [B, N1, N0]

    min_dist0 = jnp.min(err01, axis=2)
    nn0 = jnp.argmin(err01, axis=2)
    min_dist1 = jnp.min(err10, axis=2)
    nn1 = jnp.argmin(err10, axis=2)

    # mutual (cross-check) consistency; matches torch control flow order
    cc0 = jnp.arange(num0)[None, :] == jnp.take_along_axis(nn1, nn0, axis=1)
    gt0 = jnp.where(cc0, nn0, UNMATCHED)
    cc1 = jnp.arange(num1)[None, :] == jnp.take_along_axis(gt0, nn1, axis=1)
    gt1 = jnp.where(cc1, nn1, UNMATCHED)

    # symmetric reprojection error per consistent match
    sym0 = 0.5 * (min_dist0 + jnp.take_along_axis(min_dist1, nn0, axis=1))
    sym1 = 0.5 * (min_dist1 + jnp.take_along_axis(min_dist0, nn1, axis=1))
    gt0 = jnp.where(cc0 & (sym0 > GT_POS), IGNORE, gt0)
    gt0 = jnp.where(cc0 & (sym0 > GT_NEG), UNMATCHED, gt0)
    gt1 = jnp.where(cc1 & (sym1 > GT_POS), IGNORE, gt1)
    gt1 = jnp.where(cc1 & (sym1 > GT_NEG), UNMATCHED, gt1)

    # visibility masks
    gt0 = jnp.where(mask0, gt0, IGNORE)
    gt1 = jnp.where(mask1, gt1, IGNORE)
    gt0 = jnp.where(jnp.take_along_axis(mask1, nn0, axis=1), gt0, IGNORE)
    gt1 = jnp.where(jnp.take_along_axis(mask0, nn1, axis=1), gt1, IGNORE)

    return (kpts0, kpts1, desc0, desc1, scores0, scores1, gt0, gt1)

if __name__ == "__main__":
    import jax
    _d = setup_inputs()
    print(jax.jit(kernel)(*tuple(_d.values())))

</pallas_src>

<mosaic_0001>
#map = affine_map<(d0, d1) -> (0)>
module attributes {stable_mosaic.version = 14 : i64} {
  func.func @_sc_cross_kernel(%arg0: i32, %arg1: i32, %arg2: memref<16384xi32, #tpu.memory_space<hbm>>, %arg3: memref<16384xf32, #tpu.memory_space<hbm>>, %arg4: memref<16384xf32, #tpu.memory_space<hbm>>, %arg5: memref<8192xi32, #tpu.memory_space<hbm>>, %arg6: memref<8192xi32, #tpu.memory_space<hbm>>, %arg7: memref<512xi32, #tpu.memory_space<vmem>>, %arg8: memref<512xf32, #tpu.memory_space<vmem>>, %arg9: memref<512xf32, #tpu.memory_space<vmem>>, %arg10: memref<2048xi32, #tpu.memory_space<vmem>>, %arg11: memref<2048xf32, #tpu.memory_space<vmem>>, %arg12: memref<2048xf32, #tpu.memory_space<vmem>>, %arg13: memref<512xi32, #tpu.memory_space<vmem>>, %arg14: memref<!tpu.dma_semaphore, #tpu.memory_space<semaphore_mem>>) attributes {dimension_semantics = [#tpu.dimension_semantics<core_parallel>, #tpu.dimension_semantics<subcore_parallel>], iteration_bounds = array<i64: 2, 16>, scalar_prefetch = 0 : i64, scratch_operands = 8 : i64, tpu.core_type = #tpu.core_type<sc_vector_subcore>, window_params = [{transform_indices = #map}, {transform_indices = #map}, {transform_indices = #map}, {transform_indices = #map}, {transform_indices = #map}]} {
    %mul3A = arith.constant 2 : i32
    %mul3A_0 = arith.muli %arg1, %mul3A : i32
    %add3A = arith.addi %mul3A_0, %arg0 : i32
    %jit3A = arith.constant 4 : i32
    %div3A = arith.divsi %add3A, %jit3A : i32
    %sign3A = arith.constant 0 : i32
    %sign3A_1 = arith.cmpi sgt, %add3A, %sign3A : i32
    %sign3A_2 = arith.extui %sign3A_1 : i1 to i32
    %sign3A_3 = arith.constant 0 : i32
    %sign3A_4 = arith.cmpi slt, %add3A, %sign3A_3 : i32
    %sign3A_5 = arith.extui %sign3A_4 : i1 to i32
    %sign3A_6 = arith.subi %sign3A_2, %sign3A_5 : i32
    %sign3A_7 = arith.constant 0 : i32
    %sign3A_8 = arith.cmpi sgt, %jit3A, %sign3A_7 : i32
    %sign3A_9 = arith.extui %sign3A_8 : i1 to i32
    %sign3A_10 = arith.constant 0 : i32
    %sign3A_11 = arith.cmpi slt, %jit3A, %sign3A_10 : i32
    %sign3A_12 = arith.extui %sign3A_11 : i1 to i32
    %sign3A_13 = arith.subi %sign3A_9, %sign3A_12 : i32
    %ne3A = arith.cmpi ne, %sign3A_6, %sign3A_13 : i32
    %rem3A = arith.remsi %add3A, %jit3A : i32
    %ne3A_14 = arith.constant 0 : i32
    %ne3A_15 = arith.cmpi ne, %rem3A, %ne3A_14 : i32
    %and3A = arith.andi %ne3A, %ne3A_15 : i1
    %sub3A = arith.constant 1 : i32
    %sub3A_16 = arith.subi %div3A, %sub3A : i32
    %select_n3A = arith.select %and3A, %sub3A_16, %div3A : i32
    %jit3A_17 = arith.constant 4 : i32
    %eq3A = arith.constant 0 : i32
    %eq3A_18 = arith.cmpi eq, %jit3A_17, %eq3A : i32
    %jit3A_19 = arith.constant 1 : i32
    %select_n3A_20 = arith.select %eq3A_18, %jit3A_19, %jit3A_17 : i32
    %rem3A_21 = arith.remsi %add3A, %select_n3A_20 : i32
    %ne3A_22 = arith.constant 0 : i32
    %ne3A_23 = arith.cmpi ne, %rem3A_21, %ne3A_22 : i32
    %lt3A = arith.constant 0 : i32
    %lt3A_24 = arith.cmpi slt, %rem3A_21, %lt3A : i32
    %lt3A_25 = arith.constant 0 : i32
    %lt3A_26 = arith.cmpi slt, %select_n3A_20, %lt3A_25 : i32
    %ne3A_27 = arith.xori %lt3A_24, %lt3A_26 : i1
    %and3A_28 = arith.andi %ne3A_27, %ne3A_23 : i1
    %add3A_29 = arith.addi %rem3A_21, %select_n3A_20 : i32
    %select_n3A_30 = arith.select %and3A_28, %add3A_29, %rem3A_21 : i32
    %ge3A = arith.constant 4 : i32
    %ge3A_31 = arith.cmpi sge, %select_n3A, %ge3A : i32
    %sub3A_32 = arith.constant 4 : i32
    %sub3A_33 = arith.subi %select_n3A, %sub3A_32 : i32
    %add3A_34 = arith.constant 4 : i32
    %add3A_35 = arith.addi %select_n3A, %add3A_34 : i32
    %select_n3A_36 = arith.select %ge3A_31, %sub3A_33, %add3A_35 : i32
    %mul3A_37 = arith.constant 2048 : i32
    %mul3A_38 = arith.muli %select_n3A, %mul3A_37 : i32
    %mul3A_39 = arith.constant 512 : i32
    %mul3A_40 = arith.muli %select_n3A_30, %mul3A_39 : i32
    %add3A_41 = arith.addi %mul3A_38, %mul3A_40 : i32
    %mul3A_42 = arith.constant 2048 : i32
    %mul3A_43 = arith.muli %select_n3A_36, %mul3A_42 : i32
    %dma_start3A = tpu.memref_slice %arg2[%add3A_41] : memref<16384xi32, #tpu.memory_space<hbm>> -> memref<512xi32, #tpu.memory_space<hbm>>
    %dma_start3A_44 = tpu.memref_slice %arg2[%add3A_41] : memref<16384xi32, #tpu.memory_space<hbm>> -> memref<512xi32, #tpu.memory_space<hbm>>
    tpu.enqueue_dma source(%dma_start3A_44 : memref<512xi32, #tpu.memory_space<hbm>>) target(%arg7 : memref<512xi32, #tpu.memory_space<vmem>>) target_semaphore(%arg14 : memref<!tpu.dma_semaphore, #tpu.memory_space<semaphore_mem>>)
    %dma_start3A_45 = tpu.memref_slice %arg3[%add3A_41] : memref<16384xf32, #tpu.memory_space<hbm>> -> memref<512xf32, #tpu.memory_space<hbm>>
    %dma_start3A_46 = tpu.memref_slice %arg3[%add3A_41] : memref<16384xf32, #tpu.memory_space<hbm>> -> memref<512xf32, #tpu.memory_space<hbm>>
    tpu.enqueue_dma source(%dma_start3A_46 : memref<512xf32, #tpu.memory_space<hbm>>) target(%arg8 : memref<512xf32, #tpu.memory_space<vmem>>) target_semaphore(%arg14 : memref<!tpu.dma_semaphore, #tpu.memory_space<semaphore_mem>>)
    %dma_start3A_47 = tpu.memref_slice %arg4[%add3A_41] : memref<16384xf32, #tpu.memory_space<hbm>> -> memref<512xf32, #tpu.memory_space<hbm>>
    %dma_start3A_48 = tpu.memref_slice %arg4[%add3A_41] : memref<16384xf32, #tpu.memory_space<hbm>> -> memref<512xf32, #tpu.memory_space<hbm>>
    tpu.enqueue_dma source(%dma_start3A_48 : memref<512xf32, #tpu.memory_space<hbm>>) target(%arg9 : memref<512xf32, #tpu.memory_space<vmem>>) target_semaphore(%arg14 : memref<!tpu.dma_semaphore, #tpu.memory_space<semaphore_mem>>)
    %dma_start3A_49 = tpu.memref_slice %arg2[%mul3A_43] : memref<16384xi32, #tpu.memory_space<hbm>> -> memref<2048xi32, #tpu.memory_space<hbm>>
    %dma_start3A_50 = tpu.memref_slice %arg2[%mul3A_43] : memref<16384xi32, #tpu.memory_space<hbm>> -> memref<2048xi32, #tpu.memory_space<hbm>>
    tpu.enqueue_dma source(%dma_start3A_50 : memref<2048xi32, #tpu.memory_space<hbm>>) target(%arg10 : memref<2048xi32, #tpu.memory_space<vmem>>) target_semaphore(%arg14 : memref<!tpu.dma_semaphore, #tpu.memory_space<semaphore_mem>>)
    %dma_start3A_51 = tpu.memref_slice %arg3[%mul3A_43] : memref<16384xf32, #tpu.memory_space<hbm>> -> memref<2048xf32, #tpu.memory_space<hbm>>
    %dma_start3A_52 = tpu.memref_slice %arg3[%mul3A_43] : memref<16384xf32, #tpu.memory_space<hbm>> -> memref<2048xf32, #tpu.memory_space<hbm>>
    tpu.enqueue_dma source(%dma_start3A_52 : memref<2048xf32, #tpu.memory_space<hbm>>) target(%arg11 : memref<2048xf32, #tpu.memory_space<vmem>>) target_semaphore(%arg14 : memref<!tpu.dma_semaphore, #tpu.memory_space<semaphore_mem>>)
    %dma_start3A_53 = tpu.memref_slice %arg4[%mul3A_43] : memref<16384xf32, #tpu.memory_space<hbm>> -> memref<2048xf32, #tpu.memory_space<hbm>>
    %dma_start3A_54 = tpu.memref_slice %arg4[%mul3A_43] : memref<16384xf32, #tpu.memory_space<hbm>> -> memref<2048xf32, #tpu.memory_space<hbm>>
    tpu.enqueue_dma source(%dma_start3A_54 : memref<2048xf32, #tpu.memory_space<hbm>>) target(%arg12 : memref<2048xf32, #tpu.memory_space<vmem>>) target_semaphore(%arg14 : memref<!tpu.dma_semaphore, #tpu.memory_space<semaphore_mem>>)
    %dma_wait3A = tpu.memref_slice %arg2[%add3A_41] : memref<16384xi32, #tpu.memory_space<hbm>> -> memref<512xi32, #tpu.memory_space<hbm>>
    %dma_wait3A_55 = tpu.memref_slice %arg2[%add3A_41] : memref<16384xi32, #tpu.memory_space<hbm>> -> memref<512xi32, #tpu.memory_space<hbm>>
    tpu.wait_dma2 semaphore(%arg14 : memref<!tpu.dma_semaphore, #tpu.memory_space<semaphore_mem>>) src(%dma_wait3A_55 : memref<512xi32, #tpu.memory_space<hbm>>) dst(%arg7 : memref<512xi32, #tpu.memory_space<vmem>>)
    %dma_wait3A_56 = tpu.memref_slice %arg3[%add3A_41] : memref<16384xf32, #tpu.memory_space<hbm>> -> memref<512xf32, #tpu.memory_space<hbm>>
    %dma_wait3A_57 = tpu.memref_slice %arg3[%add3A_41] : memref<16384xf32, #tpu.memory_space<hbm>> -> memref<512xf32, #tpu.memory_space<hbm>>
    tpu.wait_dma2 semaphore(%arg14 : memref<!tpu.dma_semaphore, #tpu.memory_space<semaphore_mem>>) src(%dma_wait3A_57 : memref<512xf32, #tpu.memory_space<hbm>>) dst(%arg8 : memref<512xf32, #tpu.memory_space<vmem>>)
    %dma_wait3A_58 = tpu.memref_slice %arg4[%add3A_41] : memref<16384xf32, #tpu.memory_space<hbm>> -> memref<512xf32, #tpu.memory_space<hbm>>
    %dma_wait3A_59 = tpu.memref_slice %arg4[%add3A_41] : memref<16384xf32, #tpu.memory_space<hbm>> -> memref<512xf32, #tpu.memory_space<hbm>>
    tpu.wait_dma2 semaphore(%arg14 : memref<!tpu.dma_semaphore, #tpu.memory_space<semaphore_mem>>) src(%dma_wait3A_59 : memref<512xf32, #tpu.memory_space<hbm>>) dst(%arg9 : memref<512xf32, #tpu.memory_space<vmem>>)
    %dma_wait3A_60 = tpu.memref_slice %arg2[%mul3A_43] : memref<16384xi32, #tpu.memory_space<hbm>> -> memref<2048xi32, #tpu.memory_space<hbm>>
    %dma_wait3A_61 = tpu.memref_slice %arg2[%mul3A_43] : memref<16384xi32, #tpu.memory_space<hbm>> -> memref<2048xi32, #tpu.memory_space<hbm>>
    tpu.wait_dma2 semaphore(%arg14 : memref<!tpu.dma_semaphore, #tpu.memory_space<semaphore_mem>>) src(%dma_wait3A_61 : memref<2048xi32, #tpu.memory_space<hbm>>) dst(%arg10 : memref<2048xi32, #tpu.memory_space<vmem>>)
    %dma_wait3A_62 = tpu.memref_slice %arg3[%mul3A_43] : memref<16384xf32, #tpu.memory_space<hbm>> -> memref<2048xf32, #tpu.memory_space<hbm>>
    %dma_wait3A_63 = tpu.memref_slice %arg3[%mul3A_43] : memref<16384xf32, #tpu.memory_space<hbm>> -> memref<2048xf32, #tpu.memory_space<hbm>>
    tpu.wait_dma2 semaphore(%arg14 : memref<!tpu.dma_semaphore, #tpu.memory_space<semaphore_mem>>) src(%dma_wait3A_63 : memref<2048xf32, #tpu.memory_space<hbm>>) dst(%arg11 : memref<2048xf32, #tpu.memory_space<vmem>>)
    %dma_wait3A_64 = tpu.memref_slice %arg4[%mul3A_43] : memref<16384xf32, #tpu.memory_space<hbm>> -> memref<2048xf32, #tpu.memory_space<hbm>>
    %dma_wait3A_65 = tpu.memref_slice %arg4[%mul3A_43] : memref<16384xf32, #tpu.memory_space<hbm>> -> memref<2048xf32, #tpu.memory_space<hbm>>
    tpu.wait_dma2 semaphore(%arg14 : memref<!tpu.dma_semaphore, #tpu.memory_space<semaphore_mem>>) src(%dma_wait3A_65 : memref<2048xf32, #tpu.memory_space<hbm>>) dst(%arg12 : memref<2048xf32, #tpu.memory_space<vmem>>)
    %mul3A_66 = arith.constant 512 : i32
    %mul3A_67 = arith.muli %select_n3A_30, %mul3A_66 : i32
    %iota3A = tpu.iota {dimensions = array<i32: 0>} : vector<16xi32>
    %add3A_68 = vector.broadcast %mul3A_67 : i32 to vector<16xi32>
    %add3A_69 = arith.addi %add3A_68, %iota3A : vector<16xi32>
    %get3A = arith.constant 0 : index
    %get3A_70 = tpu.vector_load %arg7[%get3A] {strides = array<i32>} : memref<512xi32, #tpu.memory_space<vmem>>, vector<16xi32>,
    %gather3A = tpu.vector_load_idx %arg10[%get3A_70] : memref<2048xi32, #tpu.memory_space<vmem>>[vector<16xi32>], vector<16xi32>,
    %gather3A_71 = tpu.vector_load_idx %arg11[%get3A_70] : memref<2048xf32, #tpu.memory_space<vmem>>[vector<16xi32>], vector<16xf32>,
    %gather3A_72 = tpu.vector_load_idx %arg12[%get3A_70] : memref<2048xf32, #tpu.memory_space<vmem>>[vector<16xi32>], vector<16xf32>,
    %add3A_73 = arith.constant 0 : i32
    %add3A_74 = vector.broadcast %add3A_73 : i32 to vector<16xi32>
    %add3A_75 = arith.addi %add3A_69, %add3A_74 : vector<16xi32>
    %eq3A_76 = arith.cmpi eq, %gather3A, %add3A_75 : vector<16xi32>
    %get3A_77 = arith.constant 0 : index
    %get3A_78 = tpu.vector_load %arg8[%get3A_77] {strides = array<i32>} : memref<512xf32, #tpu.memory_space<vmem>>, vector<16xf32>,
    %add3A_79 = arith.addf %get3A_78, %gather3A_71 : vector<16xf32>
    %mul3A_80 = arith.constant 5.000000e-01 : f32
    %mul3A_81 = vector.broadcast %mul3A_80 : f32 to vector<16xf32>
    %mul3A_82 = arith.mulf %mul3A_81, %add3A_79 : vector<16xf32>
    %jit3A_83 = arith.constant -1 : i32
    %broadcast_in_dim3A = vector.broadcast %jit3A_83 : i32 to vector<16xi32>
    %select_n3A_84 = arith.select %eq3A_76, %get3A_70, %broadcast_in_dim3A : vector<16xi1>, vector<16xi32>
    %gt3A = arith.constant 0.00999999977 : f32
    %gt3A_85 = vector.broadcast %gt3A : f32 to vector<16xf32>
    %gt3A_86 = arith.cmpf ogt, %mul3A_82, %gt3A_85 : vector<16xf32>
    %and3A_87 = arith.andi %eq3A_76, %gt3A_86 : vector<16xi1>
    %jit3A_88 = arith.constant -2 : i32
    %broadcast_in_dim3A_89 = vector.broadcast %jit3A_88 : i32 to vector<16xi32>
    %select_n3A_90 = arith.select %and3A_87, %broadcast_in_dim3A_89, %select_n3A_84 : vector<16xi1>, vector<16xi32>
    %gt3A_91 = arith.constant 2.000000e-02 : f32
    %gt3A_92 = vector.broadcast %gt3A_91 : f32 to vector<16xf32>
    %gt3A_93 = arith.cmpf ogt, %mul3A_82, %gt3A_92 : vector<16xf32>
    %and3A_94 = arith.andi %eq3A_76, %gt3A_93 : vector<16xi1>
    %jit3A_95 = arith.constant -1 : i32
    %broadcast_in_dim3A_96 = vector.broadcast %jit3A_95 : i32 to vector<16xi32>
    %select_n3A_97 = arith.select %and3A_94, %broadcast_in_dim3A_96, %select_n3A_90 : vector<16xi1>, vector<16xi32>
    %get3A_98 = arith.constant 0 : index
    %get3A_99 = tpu.vector_load %arg9[%get3A_98] {strides = array<i32>} : memref<512xf32, #tpu.memory_space<vmem>>, vector<16xf32>,
    %gt3A_100 = arith.constant 5.000000e-01 : f32
    %gt3A_101 = vector.broadcast %gt3A_100 : f32 to vector<16xf32>
    %gt3A_102 = arith.cmpf ogt, %get3A_99, %gt3A_101 : vector<16xf32>
    %jit3A_103 = arith.constant -2 : i32
    %broadcast_in_dim3A_104 = vector.broadcast %jit3A_103 : i32 to vector<16xi32>
    %select_n3A_105 = arith.select %gt3A_102, %select_n3A_97, %broadcast_in_dim3A_104 : vector<16xi1>, vector<16xi32>
    %gt3A_106 = arith.constant 5.000000e-01 : f32
    %gt3A_107 = vector.broadcast %gt3A_106 : f32 to vector<16xf32>
    %gt3A_108 = arith.cmpf ogt, %gather3A_72, %gt3A_107 : vector<16xf32>
    %jit3A_109 = arith.constant -2 : i32
    %broadcast_in_dim3A_110 = vector.broadcast %jit3A_109 : i32 to vector<16xi32>
    %select_n3A_111 = arith.select %gt3A_108, %select_n3A_105, %broadcast_in_dim3A_110 : vector<16xi1>, vector<16xi32>
    %swap3A = arith.constant 0 : index
    %swap3A_112 = tpu.vector_load %arg13[%swap3A] {strides = array<i32>} : memref<512xi32, #tpu.memory_space<vmem>>, vector<16xi32>,
    tpu.vector_store %arg13[%swap3A], %select_n3A_111 {strides = array<i32>} : memref<512xi32, #tpu.memory_space<vmem>>, vector<16xi32>,
    %get3A_113 = arith.constant 16 : index
    %get3A_114 = tpu.vector_load %arg7[%get3A_113] {strides = array<i32>} : memref<512xi32, #tpu.memory_space<vmem>>, vector<16xi32>,
    %gather3A_115 = tpu.vector_load_idx %arg10[%get3A_114] : memref<2048xi32, #tpu.memory_space<vmem>>[vector<16xi32>], vector<16xi32>,
    %gather3A_116 = tpu.vector_load_idx %arg11[%get3A_114] : memref<2048xf32, #tpu.memory_space<vmem>>[vector<16xi32>], vector<16xf32>,
    %gather3A_117 = tpu.vector_load_idx %arg12[%get3A_114] : memref<2048xf32, #tpu.memory_space<vmem>>[vector<16xi32>], vector<16xf32>,
    %add3A_118 = arith.constant 16 : i32
    %add3A_119 = vector.broadcast %add3A_118 : i32 to vector<16xi32>
    %add3A_120 = arith.addi %add3A_69, %add3A_119 : vector<16xi32>
    %eq3A_121 = arith.cmpi eq, %gather3A_115, %add3A_120 : vector<16xi32>
    %get3A_122 = arith.constant 16 : index
    %get3A_123 = tpu.vector_load %arg8[%get3A_122] {strides = array<i32>} : memref<512xf32, #tpu.memory_space<vmem>>, vector<16xf32>,
    %add3A_124 = arith.addf %get3A_123, %gather3A_116 : vector<16xf32>
    %mul3A_125 = arith.constant 5.000000e-01 : f32
    %mul3A_126 = vector.broadcast %mul3A_125 : f32 to vector<16xf32>
    %mul3A_127 = arith.mulf %mul3A_126, %add3A_124 : vector<16xf32>
    %jit3A_128 = arith.constant -1 : i32
    %broadcast_in_dim3A_129 = vector.broadcast %jit3A_128 : i32 to vector<16xi32>
    %select_n3A_130 = arith.select %eq3A_121, %get3A_114, %broadcast_in_dim3A_129 : vector<16xi1>, vector<16xi32>
    %gt3A_131 = arith.constant 0.00999999977 : f32
    %gt3A_132 = vector.broadcast %gt3A_131 : f32 to vector<16xf32>
    %gt3A_133 = arith.cmpf ogt, %mul3A_127, %gt3A_132 : vector<16xf32>
    %and3A_134 = arith.andi %eq3A_121, %gt3A_133 : vector<16xi1>
    %jit3A_135 = arith.constant -2 : i32
    %broadcast_in_dim3A_136 = vector.broadcast %jit3A_135 : i32 to vector<16xi32>
    %select_n3A_137 = arith.select %and3A_134, %broadcast_in_dim3A_136, %select_n3A_130 : vector<16xi1>, vector<16xi32>
    %gt3A_138 = arith.constant 2.000000e-02 : f32
    %gt3A_139 = vector.broadcast %gt3A_138 : f32 to vector<16xf32>
    %gt3A_140 = arith.cmpf ogt, %mul3A_127, %gt3A_139 : vector<16xf32>
    %and3A_141 = arith.andi %eq3A_121, %gt3A_140 : vector<16xi1>
    %jit3A_142 = arith.constant -1 : i32
    %broadcast_in_dim3A_143 = vector.broadcast %jit3A_142 : i32 to vector<16xi32>
    %select_n3A_144 = arith.select %and3A_141, %broadcast_in_dim3A_143, %select_n3A_137 : vector<16xi1>, vector<16xi32>
    %get3A_145 = arith.constant 16 : index
    %get3A_146 = tpu.vector_load %arg9[%get3A_145] {strides = array<i32>} : memref<512xf32, #tpu.memory_space<vmem>>, vector<16xf32>,
    %gt3A_147 = arith.constant 5.000000e-01 : f32
    %gt3A_148 = vector.broadcast %gt3A_147 : f32 to vector<16xf32>
    %gt3A_149 = arith.cmpf ogt, %get3A_146, %gt3A_148 : vector<16xf32>
    %jit3A_150 = arith.constant -2 : i32
    %broadcast_in_dim3A_151 = vector.broadcast %jit3A_150 : i32 to vector<16xi32>
    %select_n3A_152 = arith.select %gt3A_149, %select_n3A_144, %broadcast_in_dim3A_151 : vector<16xi1>, vector<16xi32>
    %gt3A_153 = arith.constant 5.000000e-01 : f32
    %gt3A_154 = vector.broadcast %gt3A_153 : f32 to vector<16xf32>
    %gt3A_155 = arith.cmpf ogt, %gather3A_117, %gt3A_154 : vector<16xf32>
    %jit3A_156 = arith.constant -2 : i32
    %broadcast_in_dim3A_157 = vector.broadcast %jit3A_156 : i32 to vector<16xi32>
    %select_n3A_158 = arith.select %gt3A_155, %select_n3A_152, %broadcast_in_dim3A_157 : vector<16xi1>, vector<16xi32>
    %swap3A_159 = arith.constant 16 : index
    %swap3A_160 = tpu.vector_load %arg13[%swap3A_159] {strides = array<i32>} : memref<512xi32, #tpu.memory_space<vmem>>, vector<16xi32>,
    tpu.vector_store %arg13[%swap3A_159], %select_n3A_158 {strides = array<i32>} : memref<512xi32, #tpu.memory_space<vmem>>, vector<16xi32>,
    %get3A_161 = arith.constant 32 : index
    %get3A_162 = tpu.vector_load %arg7[%get3A_161] {strides = array<i32>} : memref<512xi32, #tpu.memory_space<vmem>>, vector<16xi32>,
    %gather3A_163 = tpu.vector_load_idx %arg10[%get3A_162] : memref<2048xi32, #tpu.memory_space<vmem>>[vector<16xi32>], vector<16xi32>,
    %gather3A_164 = tpu.vector_load_idx %arg11[%get3A_162] : memref<2048xf32, #tpu.memory_space<vmem>>[vector<16xi32>], vector<16xf32>,
    %gather3A_165 = tpu.vector_load_idx %arg12[%get3A_162] : memref<2048xf32, #tpu.memory_space<vmem>>[vector<16xi32>], vector<16xf32>,
    %add3A_166 = arith.constant 32 : i32
    %add3A_167 = vector.broadcast %add3A_166 : i32 to vector<16xi32>
    %add3A_168 = arith.addi %add3A_69, %add3A_167 : vector<16xi32>
    %eq3A_169 = arith.cmpi eq, %gather3A_163, %add3A_168 : vector<16xi32>
    %get3A_170 = arith.constant 32 : index
    %get3A_171 = tpu.vector_load %arg8[%get3A_170] {strides = array<i32>} : memref<512xf32, #tpu.memory_space<vmem>>, vector<16xf32>,
    %add3A_172 = arith.addf %get3A_171, %gather3A_164 : vector<16xf32>
    %mul3A_173 = arith.constant 5.000000e-01 : f32
    %mul3A_174 = vector.broadcast %mul3A_173 : f32 to vector<16xf32>
    %mul3A_175 = arith.mulf %mul3A_174, %add3A_172 : vector<16xf32>
    %jit3A_176 = arith.constant -1 : i32
    %broadcast_in_dim3A_177 = vector.broadcast %jit3A_176 : i32 to vector<16xi32>
    %select_n3A_178 = arith.select %eq3A_169, %get3A_162, %broadcast_in_dim3A_177 : vector<16xi1>, vector<16xi32>
    %gt3A_179 = arith.constant 0.00999999977 : f32
    %gt3A_180 = vector.broadcast %gt3A_179 : f32 to vector<16xf32>
    %gt3A_181 = arith.cmpf ogt, %mul3A_175, %gt3A_180 : vector<16xf32>
    %and3A_182 = arith.andi %eq3A_169, %gt3A_181 : vector<16xi1>
    %jit3A_183 = arith.constant -2 : i32
    %broadcast_in_dim3A_184 = vector.broadcast %jit3A_183 : i32 to vector<16xi32>
    %select_n3A_185 = arith.select %and3A_182, %broadcast_in_dim3A_184, %select_n3A_178 : vector<16xi1>, vector<16xi32>
    %gt3A_186 = arith.constant 2.000000e-02 : f32
    %gt3A_187 = vector.broadcast %gt3A_186 : f32 to vector<16xf32>
    %gt3A_188 = arith.cmpf ogt, %mul3A_175, %gt3A_187 : vector<16xf32>
    %and3A_189 = arith.andi %eq3A_169, %gt3A_188 : vector<16xi1>
    %jit3A_190 = arith.constant -1 : i32
    %broadcast_in_dim3A_191 = vector.broadcast %jit3A_190 : i32 to vector<16xi32>
    %select_n3A_192 = arith.select %and3A_189, %broadcast_in_dim3A_191, %select_n3A_185 : vector<16xi1>, vector<16xi32>
    %get3A_193 = arith.constant 32 : index
    %get3A_194 = tpu.vector_load %arg9[%get3A_193] {strides = array<i32>} : memref<512xf32, #tpu.memory_space<vmem>>, vector<16xf32>,
    %gt3A_195 = arith.constant 5.000000e-01 : f32
    %gt3A_196 = vector.broadcast %gt3A_195 : f32 to vector<16xf32>
    %gt3A_197 = arith.cmpf ogt, %get3A_194, %gt3A_196 : vector<16xf32>
    %jit3A_198 = arith.constant -2 : i32
    %broadcast_in_dim3A_199 = vector.broadcast %jit3A_198 : i32 to vector<16xi32>
    %select_n3A_200 = arith.select %gt3A_197, %select_n3A_192, %broadcast_in_dim3A_199 : vector<16xi1>, vector<16xi32>
    %gt3A_201 = arith.constant 5.000000e-01 : f32
    %gt3A_202 = vector.broadcast %gt3A_201 : f32 to vector<16xf32>
    %gt3A_203 = arith.cmpf ogt, %gather3A_165, %gt3A_202 : vector<16xf32>
    %jit3A_204 = arith.constant -2 : i32
    %broadcast_in_dim3A_205 = vector.broadcast %jit3A_204 : i32 to vector<16xi32>
    %select_n3A_206 = arith.select %gt3A_203, %select_n3A_200, %broadcast_in_dim3A_205 : vector<16xi1>, vector<16xi32>
    %swap3A_207 = arith.constant 32 : index
    %swap3A_208 = tpu.vector_load %arg13[%swap3A_207] {strides = array<i32>} : memref<512xi32, #tpu.memory_space<vmem>>, vector<16xi32>,
    tpu.vector_store %arg13[%swap3A_207], %select_n3A_206 {strides = array<i32>} : memref<512xi32, #tpu.memory_space<vmem>>, vector<16xi32>,
    %get3A_209 = arith.constant 48 : index
    %get3A_210 = tpu.vector_load %arg7[%get3A_209] {strides = array<i32>} : memref<512xi32, #tpu.memory_space<vmem>>, vector<16xi32>,
    %gather3A_211 = tpu.vector_load_idx %arg10[%get3A_210] : memref<2048xi32, #tpu.memory_space<vmem>>[vector<16xi32>], vector<16xi32>,
    %gather3A_212 = tpu.vector_load_idx %arg11[%get3A_210] : memref<2048xf32, #tpu.memory_space<vmem>>[vector<16xi32>], vector<16xf32>,
    %gather3A_213 = tpu.vector_load_idx %arg12[%get3A_210] : memref<2048xf32, #tpu.memory_space<vmem>>[vector<16xi32>], vector<16xf32>,
    %add3A_214 = arith.constant 48 : i32
    %add3A_215 = vector.broadcast %add3A_214 : i32 to vector<16xi32>
    %add3A_216 = arith.addi %add3A_69, %add3A_215 : vector<16xi32>
    %eq3A_217 = arith.cmpi eq, %gather3A_211, %add3A_216 : vector<16xi32>
    %get3A_218 = arith.constant 48 : index
    %get3A_219 = tpu.vector_load %arg8[%get3A_218] {strides = array<i32>} : memref<512xf32, #tpu.memory_space<vmem>>, vector<16xf32>,
    %add3A_220 = arith.addf %get3A_219, %gather3A_212 : vector<16xf32>
    %mul3A_221 = arith.constant 5.000000e-01 : f32
    %mul3A_222 = vector.broadcast %mul3A_221 : f32 to vector<16xf32>
    %mul3A_223 = arith.mulf %mul3A_222, %add3A_220 : vector<16xf32>
    %jit3A_224 = arith.constant -1 : i32
    %broadcast_in_dim3A_225 = vector.broadcast %jit3A_224 : i32 to vector<16xi32>
    %select_n3A_226 = arith.select %eq3A_217, %get3A_210, %broadcast_in_dim3A_225 : vector<16xi1>, vector<16xi32>
    %gt3A_227 = arith.constant 0.00999999977 : f32
    %gt3A_228 = vector.broadcast %gt3A_227 : f32 to vector<16xf32>
    %gt3A_229 = arith.cmpf ogt, %mul3A_223, %gt3A_228 : vector<16xf32>
    %and3A_230 = arith.andi %eq3A_217, %gt3A_229 : vector<16xi1>
    %jit3A_231 = arith.constant -2 : i32
    %broadcast_in_dim3A_232 = vector.broadcast %jit3A_231 : i32 to vector<16xi32>
    %select_n3A_233 = arith.select %and3A_230, %broadcast_in_dim3A_232, %select_n3A_226 : vector<16xi1>, vector<16xi32>
    %gt3A_234 = arith.constant 2.000000e-02 : f32
    %gt3A_235 = vector.broadcast %gt3A_234 : f32 to vector<16xf32>
    %gt3A_236 = arith.cmpf ogt, %mul3A_223, %gt3A_235 : vector<16xf32>
    %and3A_237 = arith.andi %eq3A_217, %gt3A_236 : vector<16xi1>
    %jit3A_238 = arith.constant -1 : i32
    %broadcast_in_dim3A_239 = vector.broadcast %jit3A_238 : i32 to vector<16xi32>
    %select_n3A_240 = arith.select %and3A_237, %broadcast_in_dim3A_239, %select_n3A_233 : vector<16xi1>, vector<16xi32>
    %get3A_241 = arith.constant 48 : index
    %get3A_242 = tpu.vector_load %arg9[%get3A_241] {strides = array<i32>} : memref<512xf32, #tpu.memory_space<vmem>>, vector<16xf32>,
    %gt3A_243 = arith.constant 5.000000e-01 : f32
    %gt3A_244 = vector.broadcast %gt3A_243 : f32 to vector<16xf32>
    %gt3A_245 = arith.cmpf ogt, %get3A_242, %gt3A_244 : vector<16xf32>
    %jit3A_246 = arith.constant -2 : i32
    %broadcast_in_dim3A_247 = vector.broadcast %jit3A_246 : i32 to vector<16xi32>
    %select_n3A_248 = arith.select %gt3A_245, %select_n3A_240, %broadcast_in_dim3A_247 : vector<16xi1>, vector<16xi32>
    %gt3A_249 = arith.constant 5.000000e-01 : f32
    %gt3A_250 = vector.broadcast %gt3A_249 : f32 to vector<16xf32>
    %gt3A_251 = arith.cmpf ogt, %gather3A_213, %gt3A_250 : vector<16xf32>
    %jit3A_252 = arith.constant -2 : i32
    %broadcast_in_dim3A_253 = vector.broadcast %jit3A_252 : i32 to vector<16xi32>
    %select_n3A_254 = arith.select %gt3A_251, %select_n3A_248, %broadcast_in_dim3A_253 : vector<16xi1>, vector<16xi32>
    %swap3A_255 = arith.constant 48 : index
    %swap3A_256 = tpu.vector_load %arg13[%swap3A_255] {strides = array<i32>} : memref<512xi32, #tpu.memory_space<vmem>>, vector<16xi32>,
    tpu.vector_store %arg13[%swap3A_255], %select_n3A_254 {strides = array<i32>} : memref<512xi32, #tpu.memory_space<vmem>>, vector<16xi32>,
    %get3A_257 = arith.constant 64 : index
    %get3A_258 = tpu.vector_load %arg7[%get3A_257] {strides = array<i32>} : memref<512xi32, #tpu.memory_space<vmem>>, vector<16xi32>,
    %gather3A_259 = tpu.vector_load_idx %arg10[%get3A_258] : memref<2048xi32, #tpu.memory_space<vmem>>[vector<16xi32>], vector<16xi32>,
    %gather3A_260 = tpu.vector_load_idx %arg11[%get3A_258] : memref<2048xf32, #tpu.memory_space<vmem>>[vector<16xi32>], vector<16xf32>,
    %gather3A_261 = tpu.vector_load_idx %arg12[%get3A_258] : memref<2048xf32, #tpu.memory_space<vmem>>[vector<16xi32>], vector<16xf32>,
    %add3A_262 = arith.constant 64 : i32
    %add3A_263 = vector.broadcast %add3A_262 : i32 to vector<16xi32>
    %add3A_264 = arith.addi %add3A_69, %add3A_263 : vector<16xi32>
    %eq3A_265 = arith.cmpi eq, %gather3A_259, %add3A_264 : vector<16xi32>
    %get3A_266 = arith.constant 64 : index
    %get3A_267 = tpu.vector_load %arg8[%get3A_266] {strides = array<i32>} : memref<512xf32, #tpu.memory_space<vmem>>, vector<16xf32>,
    %add3A_268 = arith.addf %get3A_267, %gather3A_260 : vector<16xf32>
    %mul3A_269 = arith.constant 5.000000e-01 : f32
    %mul3A_270 = vector.broadcast %mul3A_269 : f32 to vector<16xf32>
    %mul3A_271 = arith.mulf %mul3A_270, %add3A_268 : vector<16xf32>
    %jit3A_272 = arith.constant -1 : i32
    %broadcast_in_dim3A_273 = vector.broadcast %jit3A_272 : i32 to vector<16xi32>
    %select_n3A_274 = arith.select %eq3A_265, %get3A_258, %broadcast_in_dim3A_273 : vector<16xi1>, vector<16xi32>
    %gt3A_275 = arith.constant 0.00999999977 : f32
    %gt3A_276 = vector.broadcast %gt3A_275 : f32 to vector<16xf32>
    %gt3A_277 = arith.cmpf ogt, %mul3A_271, %gt3A_276 : vector<16xf32>
    %and3A_278 = arith.andi %eq3A_265, %gt3A_277 : vector<16xi1>
    %jit3A_279 = arith.constant -2 : i32
    %broadcast_in_dim3A_280 = vector.broadcast %jit3A_279 : i32 to vector<16xi32>
    %select_n3A_281 = arith.select %and3A_278, %broadcast_in_dim3A_280, %select_n3A_274 : vector<16xi1>, vector<16xi32>
    %gt3A_282 = arith.constant 2.000000e-02 : f32
    %gt3A_283 = vector.broadcast %gt3A_282 : f32 to vector<16xf32>
    %gt3A_284 = arith.cmpf ogt, %mul3A_271, %gt3A_283 : vector<16xf32>
    %and3A_285 = arith.andi %eq3A_265, %gt3A_284 : vector<16xi1>
    %jit3A_286 = arith.constant -1 : i32
    %broadcast_in_dim3A_287 = vector.broadcast %jit3A_286 : i32 to vector<16xi32>
    %select_n3A_288 = arith.select %and3A_285, %broadcast_in_dim3A_287, %select_n3A_281 : vector<16xi1>, vector<16xi32>
    %get3A_289 = arith.constant 64 : index
    %get3A_290 = tpu.vector_load %arg9[%get3A_289] {strides = array<i32>} : memref<512xf32, #tpu.memory_space<vmem>>, vector<16xf32>,
    %gt3A_291 = arith.constant 5.000000e-01 : f32
    %gt3A_292 = vector.broadcast %gt3A_291 : f32 to vector<16xf32>
    %gt3A_293 = arith.cmpf ogt, %get3A_290, %gt3A_292 : vector<16xf32>
    %jit3A_294 = arith.constant -2 : i32
    %broadcast_in_dim3A_295 = vector.broadcast %jit3A_294 : i32 to vector<16xi32>
    %select_n3A_296 = arith.select %gt3A_293, %select_n3A_288, %broadcast_in_dim3A_295 : vector<16xi1>, vector<16xi32>
    %gt3A_297 = arith.constant 5.000000e-01 : f32
    %gt3A_298 = vector.broadcast %gt3A_297 : f32 to vector<16xf32>
    %gt3A_299 = arith.cmpf ogt, %gather3A_261, %gt3A_298 : vector<16xf32>
    %jit3A_300 = arith.constant -2 : i32
    %broadcast_in_dim3A_301 = vector.broadcast %jit3A_300 : i32 to vector<16xi32>
    %select_n3A_302 = arith.select %gt3A_299, %select_n3A_296, %broadcast_in_dim3A_301 : vector<16xi1>, vector<16xi32>
    %swap3A_303 = arith.constant 64 : index
    %swap3A_304 = tpu.vector_load %arg13[%swap3A_303] {strides = array<i32>} : memref<512xi32, #tpu.memory_space<vmem>>, vector<16xi32>,
    tpu.vector_store %arg13[%swap3A_303], %select_n3A_302 {strides = array<i32>} : memref<512xi32, #tpu.memory_space<vmem>>, vector<16xi32>,
    %get3A_305 = arith.constant 80 : index
    %get3A_306 = tpu.vector_load %arg7[%get3A_305] {strides = array<i32>} : memref<512xi32, #tpu.memory_space<vmem>>, vector<16xi32>,
    %gather3A_307 = tpu.vector_load_idx %arg10[%get3A_306] : memref<2048xi32, #tpu.memory_space<vmem>>[vector<16xi32>], vector<16xi32>,
    %gather3A_308 = tpu.vector_load_idx %arg11[%get3A_306] : memref<2048xf32, #tpu.memory_space<vmem>>[vector<16xi32>], vector<16xf32>,
    %gather3A_309 = tpu.vector_load_idx %arg12[%get3A_306] : memref<2048xf32, #tpu.memory_space<vmem>>[vector<16xi32>], vector<16xf32>,
    %add3A_310 = arith.constant 80 : i32
    %add3A_311 = vector.broadcast %add3A_310 : i32 to vector<16xi32>
    %add3A_312 = arith.addi %add3A_69, %add3A_311 : vector<16xi32>
    %eq3A_313 = arith.cmpi eq, %gather3A_307, %add3A_312 : vector<16xi32>
    %get3A_314 = arith.constant 80 : index
    %get3A_315 = tpu.vector_load %arg8[%get3A_314] {strides = array<i32>} : memref<512xf32, #tpu.memory_space<vmem>>, vector<16xf32>,
    %add3A_316 = arith.addf %get3A_315, %gather3A_308 : vector<16xf32>
    %mul3A_317 = arith.constant 5.000000e-01 : f32
    %mul3A_318 = vector.broadcast %mul3A_317 : f32 to vector<16xf32>
    %mul3A_319 = arith.mulf %mul3A_318, %add3A_316 : vector<16xf32>
    %jit3A_320 = arith.constant -1 : i32
    %broadcast_in_dim3A_321 = vector.broadcast %jit3A_320 : i32 to vector<16xi32>
    %select_n3A_322 = arith.select %eq3A_313, %get3A_306, %broadcast_in_dim3A_321 : vector<16xi1>, vector<16xi32>
    %gt3A_323 = arith.constant 0.00999999977 : f32
    %gt3A_324 = vector.broadcast %gt3A_323 : f32 to vector<16xf32>
    %gt3A_325 = arith.cmpf ogt, %mul3A_319, %gt3A_324 : vector<16xf32>
    %and3A_326 = arith.andi %eq3A_313, %gt3A_325 : vector<16xi1>
    %jit3A_327 = arith.constant -2 : i32
    %broadcast_in_dim3A_328 = vector.broadcast %jit3A_327 : i32 to vector<16xi32>
    %select_n3A_329 = arith.select %and3A_326, %broadcast_in_dim3A_328, %select_n3A_322 : vector<16xi1>, vector<16xi32>
    %gt3A_330 = arith.constant 2.000000e-02 : f32
    %gt3A_331 = vector.broadcast %gt3A_330 : f32 to vector<16xf32>
    %gt3A_332 = arith.cmpf ogt, %mul3A_319, %gt3A_331 : vector<16xf32>
    %and3A_333 = arith.andi %eq3A_313, %gt3A_332 : vector<16xi1>
    %jit3A_334 = arith.constant -1 : i32
    %broadcast_in_dim3A_335 = vector.broadcast %jit3A_334 : i32 to vector<16xi32>
    %select_n3A_336 = arith.select %and3A_333, %broadcast_in_dim3A_335, %select_n3A_329 : vector<16xi1>, vector<16xi32>
    %get3A_337 = arith.constant 80 : index
    %get3A_338 = tpu.vector_load %arg9[%get3A_337] {strides = array<i32>} : memref<512xf32, #tpu.memory_space<vmem>>, vector<16xf32>,
    %gt3A_339 = arith.constant 5.000000e-01 : f32
    %gt3A_340 = vector.broadcast %gt3A_339 : f32 to vector<16xf32>
    %gt3A_341 = arith.cmpf ogt, %get3A_338, %gt3A_340 : vector<16xf32>
    %jit3A_342 = arith.constant -2 : i32
    %broadcast_in_dim3A_343 = vector.broadcast %jit3A_342 : i32 to vector<16xi32>
    %select_n3A_344 = arith.select %gt3A_341, %select_n3A_336, %broadcast_in_dim3A_343 : vector<16xi1>, vector<16xi32>
    %gt3A_345 = arith.constant 5.000000e-01 : f32
    %gt3A_346 = vector.broadcast %gt3A_345 : f32 to vector<16xf32>
    %gt3A_347 = arith.cmpf ogt, %gather3A_309, %gt3A_346 : vector<16xf32>
    %jit3A_348 = arith.constant -2 : i32
    %broadcast_in_dim3A_349 = vector.broadcast %jit3A_348 : i32 to vector<16xi32>
    %select_n3A_350 = arith.select %gt3A_347, %select_n3A_344, %broadcast_in_dim3A_349 : vector<16xi1>, vector<16xi32>
    %swap3A_351 = arith.constant 80 : index
    %swap3A_352 = tpu.vector_load %arg13[%swap3A_351] {strides = array<i32>} : memref<512xi32, #tpu.memory_space<vmem>>, vector<16xi32>,
    tpu.vector_store %arg13[%swap3A_351], %select_n3A_350 {strides = array<i32>} : memref<512xi32, #tpu.memory_space<vmem>>, vector<16xi32>,
    %get3A_353 = arith.constant 96 : index
    %get3A_354 = tpu.vector_load %arg7[%get3A_353] {strides = array<i32>} : memref<512xi32, #tpu.memory_space<vmem>>, vector<16xi32>,
    %gather3A_355 = tpu.vector_load_idx %arg10[%get3A_354] : memref<2048xi32, #tpu.memory_space<vmem>>[vector<16xi32>], vector<16xi32>,
    %gather3A_356 = tpu.vector_load_idx %arg11[%get3A_354] : memref<2048xf32, #tpu.memory_space<vmem>>[vector<16xi32>], vector<16xf32>,
    %gather3A_357 = tpu.vector_load_idx %arg12[%get3A_354] : memref<2048xf32, #tpu.memory_space<vmem>>[vector<16xi32>], vector<16xf32>,
    %add3A_358 = arith.constant 96 : i32
    %add3A_359 = vector.broadcast %add3A_358 : i32 to vector<16xi32>
    %add3A_360 = arith.addi %add3A_69, %add3A_359 : vector<16xi32>
    %eq3A_361 = arith.cmpi eq, %gather3A_355, %add3A_360 : vector<16xi32>
    %get3A_362 = arith.constant 96 : index
    %get3A_363 = tpu.vector_load %arg8[%get3A_362] {strides = array<i32>} : memref<512xf32, #tpu.memory_space<vmem>>, vector<16xf32>,
    %add3A_364 = arith.addf %get3A_363, %gather3A_356 : vector<16xf32>
    %mul3A_365 = arith.constant 5.000000e-01 : f32
    %mul3A_366 = vector.broadcast %mul3A_365 : f32 to vector<16xf32>
    %mul3A_367 = arith.mulf %mul3A_366, %add3A_364 : vector<16xf32>
    %jit3A_368 = arith.constant -1 : i32
    %broadcast_in_dim3A_369 = vector.broadcast %jit3A_368 : i32 to vector<16xi32>
    %select_n3A_370 = arith.select %eq3A_361, %get3A_354, %broadcast_in_dim3A_369 : vector<16xi1>, vector<16xi32>
    %gt3A_371 = arith.constant 0.00999999977 : f32
    %gt3A_372 = vector.broadcast %gt3A_371 : f32 to vector<16xf32>
    %gt3A_373 = arith.cmpf ogt, %mul3A_367, %gt3A_372 : vector<16xf32>
    %and3A_374 = arith.andi %eq3A_361, %gt3A_373 : vector<16xi1>
    %jit3A_375 = arith.constant -2 : i32
    %broadcast_in_dim3A_376 = vector.broadcast %jit3A_375 : i32 to vector<16xi32>
    %select_n3A_377 = arith.select %and3A_374, %broadcast_in_dim3A_376, %select_n3A_370 : vector<16xi1>, vector<16xi32>
    %gt3A_378 = arith.constant 2.000000e-02 : f32
    %gt3A_379 = vector.broadcast %gt3A_378 : f32 to vector<16xf32>
    %gt3A_380 = arith.cmpf ogt, %mul3A_367, %gt3A_379 : vector<16xf32>
    %and3A_381 = arith.andi %eq3A_361, %gt3A_380 : vector<16xi1>
    %jit3A_382 = arith.constant -1 : i32
    %broadcast_in_dim3A_383 = vector.broadcast %jit3A_382 : i32 to vector<16xi32>
    %select_n3A_384 = arith.select %and3A_381, %broadcast_in_dim3A_383, %select_n3A_377 : vector<16xi1>, vector<16xi32>
    %get3A_385 = arith.constant 96 : index
    %get3A_386 = tpu.vector_load %arg9[%get3A_385] {strides = array<i32>} : memref<512xf32, #tpu.memory_space<vmem>>, vector<16xf32>,
    %gt3A_387 = arith.constant 5.000000e-01 : f32
    %gt3A_388 = vector.broadcast %gt3A_387 : f32 to vector<16xf32>
    %gt3A_389 = arith.cmpf ogt, %get3A_386, %gt3A_388 : vector<16xf32>
    %jit3A_390 = arith.constant -2 : i32
    %broadcast_in_dim3A_391 = vector.broadcast %jit3A_390 : i32 to vector<16xi32>
    %select_n3A_392 = arith.select %gt3A_389, %select_n3A_384, %broadcast_in_dim3A_391 : vector<16xi1>, vector<16xi32>
    %gt3A_393 = arith.constant 5.000000e-01 : f32
    %gt3A_394 = vector.broadcast %gt3A_393 : f32 to vector<16xf32>
    %gt3A_395 = arith.cmpf ogt, %gather3A_357, %gt3A_394 : vector<16xf32>
    %jit3A_396 = arith.constant -2 : i32
    %broadcast_in_dim3A_397 = vector.broadcast %jit3A_396 : i32 to vector<16xi32>
    %select_n3A_398 = arith.select %gt3A_395, %select_n3A_392, %broadcast_in_dim3A_397 : vector<16xi1>, vector<16xi32>
    %swap3A_399 = arith.constant 96 : index
    %swap3A_400 = tpu.vector_load %arg13[%swap3A_399] {strides = array<i32>} : memref<512xi32, #tpu.memory_space<vmem>>, vector<16xi32>,
    tpu.vector_store %arg13[%swap3A_399], %select_n3A_398 {strides = array<i32>} : memref<512xi32, #tpu.memory_space<vmem>>, vector<16xi32>,
    %get3A_401 = arith.constant 112 : index
    %get3A_402 = tpu.vector_load %arg7[%get3A_401] {strides = array<i32>} : memref<512xi32, #tpu.memory_space<vmem>>, vector<16xi32>,
    %gather3A_403 = tpu.vector_load_idx %arg10[%get3A_402] : memref<2048xi32, #tpu.memory_space<vmem>>[vector<16xi32>], vector<16xi32>,
    %gather3A_404 = tpu.vector_load_idx %arg11[%get3A_402] : memref<2048xf32, #tpu.memory_space<vmem>>[vector<16xi32>], vector<16xf32>,
    %gather3A_405 = tpu.vector_load_idx %arg12[%get3A_402] : memref<2048xf32, #tpu.memory_space<vmem>>[vector<16xi32>], vector<16xf32>,
    %add3A_406 = arith.constant 112 : i32
    %add3A_407 = vector.broadcast %add3A_406 : i32 to vector<16xi32>
    %add3A_408 = arith.addi %add3A_69, %add3A_407 : vector<16xi32>
    %eq3A_409 = arith.cmpi eq, %gather3A_403, %add3A_408 : vector<16xi32>
    %get3A_410 = arith.constant 112 : index
    %get3A_411 = tpu.vector_load %arg8[%get3A_410] {strides = array<i32>} : memref<512xf32, #tpu.memory_space<vmem>>, vector<16xf32>,
    %add3A_412 = arith.addf %get3A_411, %gather3A_404 : vector<16xf32>
    %mul3A_413 = arith.constant 5.000000e-01 : f32
    %mul3A_414 = vector.broadcast %mul3A_413 : f32 to vector<16xf32>
    %mul3A_415 = arith.mulf %mul3A_414, %add3A_412 : vector<16xf32>
    %jit3A_416 = arith.constant -1 : i32
    %broadcast_in_dim3A_417 = vector.broadcast %jit3A_416 : i32 to vector<16xi32>
    %select_n3A_418 = arith.select %eq3A_409, %get3A_402, %broadcast_in_dim3A_417 : vector<16xi1>, vector<16xi32>
    %gt3A_419 = arith.constant 0.00999999977 : f32
    %gt3A_420 = vector.broadcast %gt3A_419 : f32 to vector<16xf32>
    %gt3A_421 = arith.cmpf ogt, %mul3A_415, %gt3A_420 : vector<16xf32>
    %and3A_422 = arith.andi %eq3A_409, %gt3A_421 : vector<16xi1>
    %jit3A_423 = arith.constant -2 : i32
    %broadcast_in_dim3A_424 = vector.broadcast %jit3A_423 : i32 to vector<16xi32>
    %select_n3A_425 = arith.select %and3A_422, %broadcast_in_dim3A_424, %select_n3A_418 : vector<16xi1>, vector<16xi32>
    %gt3A_426 = arith.constant 2.000000e-02 : f32
    %gt3A_427 = vector.broadcast %gt3A_426 : f32 to vector<16xf32>
    %gt3A_428 = arith.cmpf ogt, %mul3A_415, %gt3A_427 : vector<16xf32>
    %and3A_429 = arith.andi %eq3A_409, %gt3A_428 : vector<16xi1>
    %jit3A_430 = arith.constant -1 : i32
    %broadcast_in_dim3A_431 = vector.broadcast %jit3A_430 : i32 to vector<16xi32>
    %select_n3A_432 = arith.select %and3A_429, %broadcast_in_dim3A_431, %select_n3A_425 : vector<16xi1>, vector<16xi32>
    %get3A_433 = arith.constant 112 : index
    %get3A_434 = tpu.vector_load %arg9[%get3A_433] {strides = array<i32>} : memref<512xf32, #tpu.memory_space<vmem>>, vector<16xf32>,
    %gt3A_435 = arith.constant 5.000000e-01 : f32
    %gt3A_436 = vector.broadcast %gt3A_435 : f32 to vector<16xf32>
    %gt3A_437 = arith.cmpf ogt, %get3A_434, %gt3A_436 : vector<16xf32>
    %jit3A_438 = arith.constant -2 : i32
    %broadcast_in_dim3A_439 = vector.broadcast %jit3A_438 : i32 to vector<16xi32>
    %select_n3A_440 = arith.select %gt3A_437, %select_n3A_432, %broadcast_in_dim3A_439 : vector<16xi1>, vector<16xi32>
    %gt3A_441 = arith.constant 5.000000e-01 : f32
    %gt3A_442 = vector.broadcast %gt3A_441 : f32 to vector<16xf32>
    %gt3A_443 = arith.cmpf ogt, %gather3A_405, %gt3A_442 : vector<16xf32>
    %jit3A_444 = arith.constant -2 : i32
    %broadcast_in_dim3A_445 = vector.broadcast %jit3A_444 : i32 to vector<16xi32>
    %select_n3A_446 = arith.select %gt3A_443, %select_n3A_440, %broadcast_in_dim3A_445 : vector<16xi1>, vector<16xi32>
    %swap3A_447 = arith.constant 112 : index
    %swap3A_448 = tpu.vector_load %arg13[%swap3A_447] {strides = array<i32>} : memref<512xi32, #tpu.memory_space<vmem>>, vector<16xi32>,
    tpu.vector_store %arg13[%swap3A_447], %select_n3A_446 {strides = array<i32>} : memref<512xi32, #tpu.memory_space<vmem>>, vector<16xi32>,
    %get3A_449 = arith.constant 128 : index
    %get3A_450 = tpu.vector_load %arg7[%get3A_449] {strides = array<i32>} : memref<512xi32, #tpu.memory_space<vmem>>, vector<16xi32>,
    %gather3A_451 = tpu.vector_load_idx %arg10[%get3A_450] : memref<2048xi32, #tpu.memory_space<vmem>>[vector<16xi32>], vector<16xi32>,
    %gather3A_452 = tpu.vector_load_idx %arg11[%get3A_450] : memref<2048xf32, #tpu.memory_space<vmem>>[vector<16xi32>], vector<16xf32>,
    %gather3A_453 = tpu.vector_load_idx %arg12[%get3A_450] : memref<2048xf32, #tpu.memory_space<vmem>>[vector<16xi32>], vector<16xf32>,
    %add3A_454 = arith.constant 128 : i32
    %add3A_455 = vector.broadcast %add3A_454 : i32 to vector<16xi32>
    %add3A_456 = arith.addi %add3A_69, %add3A_455 : vector<16xi32>
    %eq3A_457 = arith.cmpi eq, %gather3A_451, %add3A_456 : vector<16xi32>
    %get3A_458 = arith.constant 128 : index
    %get3A_459 = tpu.vector_load %arg8[%get3A_458] {strides = array<i32>} : memref<512xf32, #tpu.memory_space<vmem>>, vector<16xf32>,
    %add3A_460 = arith.addf %get3A_459, %gather3A_452 : vector<16xf32>
    %mul3A_461 = arith.constant 5.000000e-01 : f32
    %mul3A_462 = vector.broadcast %mul3A_461 : f32 to vector<16xf32>
    %mul3A_463 = arith.mulf %mul3A_462, %add3A_460 : vector<16xf32>
    %jit3A_464 = arith.constant -1 : i32
    %broadcast_in_dim3A_465 = vector.broadcast %jit3A_464 : i32 to vector<16xi32>
    %select_n3A_466 = arith.select %eq3A_457, %get3A_450, %broadcast_in_dim3A_465 : vector<16xi1>, vector<16xi32>
    %gt3A_467 = arith.constant 0.00999999977 : f32
    %gt3A_468 = vector.broadcast %gt3A_467 : f32 to vector<16xf32>
    %gt3A_469 = arith.cmpf ogt, %mul3A_463, %gt3A_468 : vector<16xf32>
    %and3A_470 = arith.andi %eq3A_457, %gt3A_469 : vector<16xi1>
    %jit3A_471 = arith.constant -2 : i32
    %broadcast_in_dim3A_472 = vector.broadcast %jit3A_471 : i32 to vector<16xi32>
    %select_n3A_473 = arith.select %and3A_470, %broadcast_in_dim3A_472, %select_n3A_466 : vector<16xi1>, vector<16xi32>
    %gt3A_474 = arith.constant 2.000000e-02 : f32
    %gt3A_475 = vector.broadcast %gt3A_474 : f32 to vector<16xf32>
    %gt3A_476 = arith.cmpf ogt, %mul3A_463, %gt3A_475 : vector<16xf32>
    %and3A_477 = arith.andi %eq3A_457, %gt3A_476 : vector<16xi1>
    %jit3A_478 = arith.constant -1 : i32
    %broadcast_in_dim3A_479 = vector.broadcast %jit3A_478 : i32 to vector<16xi32>
    %select_n3A_480 = arith.select %and3A_477, %broadcast_in_dim3A_479, %select_n3A_473 : vector<16xi1>, vector<16xi32>
    %get3A_481 = arith.constant 128 : index
    %get3A_482 = tpu.vector_load %arg9[%get3A_481] {strides = array<i32>} : memref<512xf32, #tpu.memory_space<vmem>>, vector<16xf32>,
    %gt3A_483 = arith.constant 5.000000e-01 : f32
    %gt3A_484 = vector.broadcast %gt3A_483 : f32 to vector<16xf32>
    %gt3A_485 = arith.cmpf ogt, %get3A_482, %gt3A_484 : vector<16xf32>
    %jit3A_486 = arith.constant -2 : i32
    %broadcast_in_dim3A_487 = vector.broadcast %jit3A_486 : i32 to vector<16xi32>
    %select_n3A_488 = arith.select %gt3A_485, %select_n3A_480, %broadcast_in_dim3A_487 : vector<16xi1>, vector<16xi32>
    %gt3A_489 = arith.constant 5.000000e-01 : f32
    %gt3A_490 = vector.broadcast %gt3A_489 : f32 to vector<16xf32>
    %gt3A_491 = arith.cmpf ogt, %gather3A_453, %gt3A_490 : vector<16xf32>
    %jit3A_492 = arith.constant -2 : i32
    %broadcast_in_dim3A_493 = vector.broadcast %jit3A_492 : i32 to vector<16xi32>
    %select_n3A_494 = arith.select %gt3A_491, %select_n3A_488, %broadcast_in_dim3A_493 : vector<16xi1>, vector<16xi32>
    %swap3A_495 = arith.constant 128 : index
    %swap3A_496 = tpu.vector_load %arg13[%swap3A_495] {strides = array<i32>} : memref<512xi32, #tpu.memory_space<vmem>>, vector<16xi32>,
    tpu.vector_store %arg13[%swap3A_495], %select_n3A_494 {strides = array<i32>} : memref<512xi32, #tpu.memory_space<vmem>>, vector<16xi32>,
    %get3A_497 = arith.constant 144 : index
    %get3A_498 = tpu.vector_load %arg7[%get3A_497] {strides = array<i32>} : memref<512xi32, #tpu.memory_space<vmem>>, vector<16xi32>,
    %gather3A_499 = tpu.vector_load_idx %arg10[%get3A_498] : memref<2048xi32, #tpu.memory_space<vmem>>[vector<16xi32>], vector<16xi32>,
    %gather3A_500 = tpu.vector_load_idx %arg11[%get3A_498] : memref<2048xf32, #tpu.memory_space<vmem>>[vector<16xi32>], vector<16xf32>,
    %gather3A_501 = tpu.vector_load_idx %arg12[%get3A_498] : memref<2048xf32, #tpu.memory_space<vmem>>[vector<16xi32>], vector<16xf32>,
    %add3A_502 = arith.constant 144 : i32
    %add3A_503 = vector.broadcast %add3A_502 : i32 to vector<16xi32>
    %add3A_504 = arith.addi %add3A_69, %add3A_503 : vector<16xi32>
    %eq3A_505 = arith.cmpi eq, %gather3A_499, %add3A_504 : vector<16xi32>
    %get3A_506 = arith.constant 144 : index
    %get3A_507 = tpu.vector_load %arg8[%get3A_506] {strides = array<i32>} : memref<512xf32, #tpu.memory_space<vmem>>, vector<16xf32>,
    %add3A_508 = arith.addf %get3A_507, %gather3A_500 : vector<16xf32>
    %mul3A_509 = arith.constant 5.000000e-01 : f32
    %mul3A_510 = vector.broadcast %mul3A_509 : f32 to vector<16xf32>
    %mul3A_511 = arith.mulf %mul3A_510, %add3A_508 : vector<16xf32>
    %jit3A_512 = arith.constant -1 : i32
    %broadcast_in_dim3A_513 = vector.broadcast %jit3A_512 : i32 to vector<16xi32>
    %select_n3A_514 = arith.select %eq3A_505, %get3A_498, %broadcast_in_dim3A_513 : vector<16xi1>, vector<16xi32>
    %gt3A_515 = arith.constant 0.00999999977 : f32
    %gt3A_516 = vector.broadcast %gt3A_515 : f32 to vector<16xf32>
    %gt3A_517 = arith.cmpf ogt, %mul3A_511, %gt3A_516 : vector<16xf32>
    %and3A_518 = arith.andi %eq3A_505, %gt3A_517 : vector<16xi1>
    %jit3A_519 = arith.constant -2 : i32
    %broadcast_in_dim3A_520 = vector.broadcast %jit3A_519 : i32 to vector<16xi32>
    %select_n3A_521 = arith.select %and3A_518, %broadcast_in_dim3A_520, %select_n3A_514 : vector<16xi1>, vector<16xi32>
    %gt3A_522 = arith.constant 2.000000e-02 : f32
    %gt3A_523 = vector.broadcast %gt3A_522 : f32 to vector<16xf32>
    %gt3A_524 = arith.cmpf ogt, %mul3A_511, %gt3A_523 : vector<16xf32>
    %and3A_525 = arith.andi %eq3A_505, %gt3A_524 : vector<16xi1>
    %jit3A_526 = arith.constant -1 : i32
    %broadcast_in_dim3A_527 = vector.broadcast %jit3A_526 : i32 to vector<16xi32>
    %select_n3A_528 = arith.select %and3A_525, %broadcast_in_dim3A_527, %select_n3A_521 : vector<16xi1>, vector<16xi32>
    %get3A_529 = arith.constant 144 : index
    %get3A_530 = tpu.vector_load %arg9[%get3A_529] {strides = array<i32>} : memref<512xf32, #tpu.memory_space<vmem>>, vector<16xf32>,
    %gt3A_531 = arith.constant 5.000000e-01 : f32
    %gt3A_532 = vector.broadcast %gt3A_531 : f32 to vector<16xf32>
    %gt3A_533 = arith.cmpf ogt, %get3A_530, %gt3A_532 : vector<16xf32>
    %jit3A_534 = arith.constant -2 : i32
    %broadcast_in_dim3A_535 = vector.broadcast %jit3A_534 : i32 to vector<16xi32>
    %select_n3A_536 = arith.select %gt3A_533, %select_n3A_528, %broadcast_in_dim3A_535 : vector<16xi1>, vector<16xi32>
    %gt3A_537 = arith.constant 5.000000e-01 : f32
    %gt3A_538 = vector.broadcast %gt3A_537 : f32 to vector<16xf32>
    %gt3A_539 = arith.cmpf ogt, %gather3A_501, %gt3A_538 : vector<16xf32>
    %jit3A_540 = arith.constant -2 : i32
    %broadcast_in_dim3A_541 = vector.broadcast %jit3A_540 : i32 to vector<16xi32>
    %select_n3A_542 = arith.select %gt3A_539, %select_n3A_536, %broadcast_in_dim3A_541 : vector<16xi1>, vector<16xi32>
    %swap3A_543 = arith.constant 144 : index
    %swap3A_544 = tpu.vector_load %arg13[%swap3A_543] {strides = array<i32>} : memref<512xi32, #tpu.memory_space<vmem>>, vector<16xi32>,
    tpu.vector_store %arg13[%swap3A_543], %select_n3A_542 {strides = array<i32>} : memref<512xi32, #tpu.memory_space<vmem>>, vector<16xi32>,
    %get3A_545 = arith.constant 160 : index
    %get3A_546 = tpu.vector_load %arg7[%get3A_545] {strides = array<i32>} : memref<512xi32, #tpu.memory_space<vmem>>, vector<16xi32>,
    %gather3A_547 = tpu.vector_load_idx %arg10[%get3A_546] : memref<2048xi32, #tpu.memory_space<vmem>>[vector<16xi32>], vector<16xi32>,
    %gather3A_548 = tpu.vector_load_idx %arg11[%get3A_546] : memref<2048xf32, #tpu.memory_space<vmem>>[vector<16xi32>], vector<16xf32>,
    %gather3A_549 = tpu.vector_load_idx %arg12[%get3A_546] : memref<2048xf32, #tpu.memory_space<vmem>>[vector<16xi32>], vector<16xf32>,
    %add3A_550 = arith.constant 160 : i32
    %add3A_551 = vector.broadcast %add3A_550 : i32 to vector<16xi32>
    %add3A_552 = arith.addi %add3A_69, %add3A_551 : vector<16xi32>
    %eq3A_553 = arith.cmpi eq, %gather3A_547, %add3A_552 : vector<16xi32>
    %get3A_554 = arith.constant 160 : index
    %get3A_555 = tpu.vector_load %arg8[%get3A_554] {strides = array<i32>} : memref<512xf32, #tpu.memory_space<vmem>>, vector<16xf32>,
    %add3A_556 = arith.addf %get3A_555, %gather3A_548 : vector<16xf32>
    %mul3A_557 = arith.constant 5.000000e-01 : f32
    %mul3A_558 = vector.broadcast %mul3A_557 : f32 to vector<16xf32>
    %mul3A_559 = arith.mulf %mul3A_558, %add3A_556 : vector<16xf32>
    %jit3A_560 = arith.constant -1 : i32
    %broadcast_in_dim3A_561 = vector.broadcast %jit3A_560 : i32 to vector<16xi32>
    %select_n3A_562 = arith.select %eq3A_553, %get3A_546, %broadcast_in_dim3A_561 : vector<16xi1>, vector<16xi32>
    %gt3A_563 = arith.constant 0.00999999977 : f32
    %gt3A_564 = vector.broadcast %gt3A_563 : f32 to vector<16xf32>
    %gt3A_565 = arith.cmpf ogt, %mul3A_559, %gt3A_564 : vector<16xf32>
    %and3A_566 = arith.andi %eq3A_553, %gt3A_565 : vector<16xi1>
    %jit3A_567 = arith.constant -2 : i32
    %broadcast_in_dim3A_568 = vector.broadcast %jit3A_567 : i32 to vector<16xi32>
    %select_n3A_569 = arith.select %and3A_566, %broadcast_in_dim3A_568, %select_n3A_562 : vector<16xi1>, vector<16xi32>
    %gt3A_570 = arith.constant 2.000000e-02 : f32
    %gt3A_571 = vector.broadcast %gt3A_570 : f32 to vector<16xf32>
    %gt3A_572 = arith.cmpf ogt, %mul3A_559, %gt3A_571 : vector<16xf32>
    %and3A_573 = arith.andi %eq3A_553, %gt3A_572 : vector<16xi1>
    %jit3A_574 = arith.constant -1 : i32
    %broadcast_in_dim3A_575 = vector.broadcast %jit3A_574 : i32 to vector<16xi32>
    %select_n3A_576 = arith.select %and3A_573, %broadcast_in_dim3A_575, %select_n3A_569 : vector<16xi1>, vector<16xi32>
    %get3A_577 = arith.constant 160 : index
    %get3A_578 = tpu.vector_load %arg9[%get3A_577] {strides = array<i32>} : memref<512xf32, #tpu.memory_space<vmem>>, vector<16xf32>,
    %gt3A_579 = arith.constant 5.000000e-01 : f32
    %gt3A_580 = vector.broadcast %gt3A_579 : f32 to vector<16xf32>
    %gt3A_581 = arith.cmpf ogt, %get3A_578, %gt3A_580 : vector<16xf32>
    %jit3A_582 = arith.constant -2 : i32
    %broadcast_in_dim3A_583 = vector.broadcast %jit3A_582 : i32 to vector<16xi32>
    %select_n3A_584 = arith.select %gt3A_581, %select_n3A_576, %broadcast_in_dim3A_583 : vector<16xi1>, vector<16xi32>
    %gt3A_585 = arith.constant 5.000000e-01 : f32
    %gt3A_586 = vector.broadcast %gt3A_585 : f32 to vector<16xf32>
    %gt3A_587 = arith.cmpf ogt, %gather3A_549, %gt3A_586 : vector<16xf32>
    %jit3A_588 = arith.constant -2 : i32
    %broadcast_in_dim3A_589 = vector.broadcast %jit3A_588 : i32 to vector<16xi32>
    %select_n3A_590 = arith.select %gt3A_587, %select_n3A_584, %broadcast_in_dim3A_589 : vector<16xi1>, vector<16xi32>
    %swap3A_591 = arith.constant 160 : index
    %swap3A_592 = tpu.vector_load %arg13[%swap3A_591] {strides = array<i32>} : memref<512xi32, #tpu.memory_space<vmem>>, vector<16xi32>,
    tpu.vector_store %arg13[%swap3A_591], %select_n3A_590 {strides = array<i32>} : memref<512xi32, #tpu.memory_space<vmem>>, vector<16xi32>,
    %get3A_593 = arith.constant 176 : index
    %get3A_594 = tpu.vector_load %arg7[%get3A_593] {strides = array<i32>} : memref<512xi32, #tpu.memory_space<vmem>>, vector<16xi32>,
    %gather3A_595 = tpu.vector_load_idx %arg10[%get3A_594] : memref<2048xi32, #tpu.memory_space<vmem>>[vector<16xi32>], vector<16xi32>,
    %gather3A_596 = tpu.vector_load_idx %arg11[%get3A_594] : memref<2048xf32, #tpu.memory_space<vmem>>[vector<16xi32>], vector<16xf32>,
    %gather3A_597 = tpu.vector_load_idx %arg12[%get3A_594] : memref<2048xf32, #tpu.memory_space<vmem>>[vector<16xi32>], vector<16xf32>,
    %add3A_598 = arith.constant 176 : i32
    %add3A_599 = vector.broadcast %add3A_598 : i32 to vector<16xi32>
    %add3A_600 = arith.addi %add3A_69, %add3A_599 : vector<16xi32>
    %eq3A_601 = arith.cmpi eq, %gather3A_595, %add3A_600 : vector<16xi32>
    %get3A_602 = arith.constant 176 : index
    %get3A_603 = tpu.vector_load %arg8[%get3A_602] {strides = array<i32>} : memref<512xf32, #tpu.memory_space<vmem>>, vector<16xf32>,
    %add3A_604 = arith.addf %get3A_603, %gather3A_596 : vector<16xf32>
    %mul3A_605 = arith.constant 5.000000e-01 : f32
    %mul3A_606 = vector.broadcast %mul3A_605 : f32 to vector<16xf32>
    %mul3A_607 = arith.mulf %mul3A_606, %add3A_604 : vector<16xf32>
    %jit3A_608 = arith.constant -1 : i32
    %broadcast_in_dim3A_609 = vector.broadcast %jit3A_608 : i32 to vector<16xi32>
    %select_n3A_610 = arith.select %eq3A_601, %get3A_594, %broadcast_in_dim3A_609 : vector<16xi1>, vector<16xi32>
    %gt3A_611 = arith.constant 0.00999999977 : f32
    %gt3A_612 = vector.broadcast %gt3A_611 : f32 to vector<16xf32>
    %gt3A_613 = arith.cmpf ogt, %mul3A_607, %gt3A_612 : vector<16xf32>
    %and3A_614 = arith.andi %eq3A_601, %gt3A_613 : vector<16xi1>
    %jit3A_615 = arith.constant -2 : i32
    %broadcast_in_dim3A_616 = vector.broadcast %jit3A_615 : i32 to vector<16xi32>
    %select_n3A_617 = arith.select %and3A_614, %broadcast_in_dim3A_616, %select_n3A_610 : vector<16xi1>, vector<16xi32>
    %gt3A_618 = arith.constant 2.000000e-02 : f32
    %gt3A_619 = vector.broadcast %gt3A_618 : f32 to vector<16xf32>
    %gt3A_620 = arith.cmpf ogt, %mul3A_607, %gt3A_619 : vector<16xf32>
    %and3A_621 = arith.andi %eq3A_601, %gt3A_620 : vector<16xi1>
    %jit3A_622 = arith.constant -1 : i32
    %broadcast_in_dim3A_623 = vector.broadcast %jit3A_622 : i32 to vector<16xi32>
    %select_n3A_624 = arith.select %and3A_621, %broadcast_in_dim3A_623, %select_n3A_617 : vector<16xi1>, vector<16xi32>
    %get3A_625 = arith.constant 176 : index
    %get3A_626 = tpu.vector_load %arg9[%get3A_625] {strides = array<i32>} : memref<512xf32, #tpu.memory_space<vmem>>, vector<16xf32>,
    %gt3A_627 = arith.constant 5.000000e-01 : f32
    %gt3A_628 = vector.broadcast %gt3A_627 : f32 to vector<16xf32>
    %gt3A_629 = arith.cmpf ogt, %get3A_626, %gt3A_628 : vector<16xf32>
    %jit3A_630 = arith.constant -2 : i32
    %broadcast_in_dim3A_631 = vector.broadcast %jit3A_630 : i32 to vector<16xi32>
    %select_n3A_632 = arith.select %gt3A_629, %select_n3A_624, %broadcast_in_dim3A_631 : vector<16xi1>, vector<16xi32>
    %gt3A_633 = arith.constant 5.000000e-01 : f32
    %gt3A_634 = vector.broadcast %gt3A_633 : f32 to vector<16xf32>
    %gt3A_635 = arith.cmpf ogt, %gather3A_597, %gt3A_634 : vector<16xf32>
    %jit3A_636 = arith.constant -2 : i32
    %broadcast_in_dim3A_637 = vector.broadcast %jit3A_636 : i32 to vector<16xi32>
    %select_n3A_638 = arith.select %gt3A_635, %select_n3A_632, %broadcast_in_dim3A_637 : vector<16xi1>, vector<16xi32>
    %swap3A_639 = arith.constant 176 : index
    %swap3A_640 = tpu.vector_load %arg13[%swap3A_639] {strides = array<i32>} : memref<512xi32, #tpu.memory_space<vmem>>, vector<16xi32>,
    tpu.vector_store %arg13[%swap3A_639], %select_n3A_638 {strides = array<i32>} : memref<512xi32, #tpu.memory_space<vmem>>, vector<16xi32>,
    %get3A_641 = arith.constant 192 : index
    %get3A_642 = tpu.vector_load %arg7[%get3A_641] {strides = array<i32>} : memref<512xi32, #tpu.memory_space<vmem>>, vector<16xi32>,
    %gather3A_643 = tpu.vector_load_idx %arg10[%get3A_642] : memref<2048xi32, #tpu.memory_space<vmem>>[vector<16xi32>], vector<16xi32>,
    %gather3A_644 = tpu.vector_load_idx %arg11[%get3A_642] : memref<2048xf32, #tpu.memory_space<vmem>>[vector<16xi32>], vector<16xf32>,
    %gather3A_645 = tpu.vector_load_idx %arg12[%get3A_642] : memref<2048xf32, #tpu.memory_space<vmem>>[vector<16xi32>], vector<16xf32>,
    %add3A_646 = arith.constant 192 : i32
    %add3A_647 = vector.broadcast %add3A_646 : i32 to vector<16xi32>
    %add3A_648 = arith.addi %add3A_69, %add3A_647 : vector<16xi32>
    %eq3A_649 = arith.cmpi eq, %gather3A_643, %add3A_648 : vector<16xi32>
    %get3A_650 = arith.constant 192 : index
    %get3A_651 = tpu.vector_load %arg8[%get3A_650] {strides = array<i32>} : memref<512xf32, #tpu.memory_space<vmem>>, vector<16xf32>,
    %add3A_652 = arith.addf %get3A_651, %gather3A_644 : vector<16xf32>
    %mul3A_653 = arith.constant 5.000000e-01 : f32
    %mul3A_654 = vector.broadcast %mul3A_653 : f32 to vector<16xf32>
    %mul3A_655 = arith.mulf %mul3A_654, %add3A_652 : vector<16xf32>
    %jit3A_656 = arith.constant -1 : i32
    %broadcast_in_dim3A_657 = vector.broadcast %jit3A_656 : i32 to vector<16xi32>
    %select_n3A_658 = arith.select %eq3A_649, %get3A_642, %broadcast_in_dim3A_657 : vector<16xi1>, vector<16xi32>
    %gt3A_659 = arith.constant 0.00999999977 : f32
    %gt3A_660 = vector.broadcast %gt3A_659 : f32 to vector<16xf32>
    %gt3A_661 = arith.cmpf ogt, %mul3A_655, %gt3A_660 : vector<16xf32>
    %and3A_662 = arith.andi %eq3A_649, %gt3A_661 : vector<16xi1>
    %jit3A_663 = arith.constant -2 : i32
    %broadcast_in_dim3A_664 = vector.broadcast %jit3A_663 : i32 to vector<16xi32>
    %select_n3A_665 = arith.select %and3A_662, %broadcast_in_dim3A_664, %select_n3A_658 : vector<16xi1>, vector<16xi32>
    %gt3A_666 = arith.constant 2.000000e-02 : f32
    %gt3A_667 = vector.broadcast %gt3A_666 : f32 to vector<16xf32>
    %gt3A_668 = arith.cmpf ogt, %mul3A_655, %gt3A_667 : vector<16xf32>
    %and3A_669 = arith.andi %eq3A_649, %gt3A_668 : vector<16xi1>
    %jit3A_670 = arith.constant -1 : i32
    %broadcast_in_dim3A_671 = vector.broadcast %jit3A_670 : i32 to vector<16xi32>
    %select_n3A_672 = arith.select %and3A_669, %broadcast_in_dim3A_671, %select_n3A_665 : vector<16xi1>, vector<16xi32>
    %get3A_673 = arith.constant 192 : index
    %get3A_674 = tpu.vector_load %arg9[%get3A_673] {strides = array<i32>} : memref<512xf32, #tpu.memory_space<vmem>>, vector<16xf32>,
    %gt3A_675 = arith.constant 5.000000e-01 : f32
    %gt3A_676 = vector.broadcast %gt3A_675 : f32 to vector<16xf32>
    %gt3A_677 = arith.cmpf ogt, %get3A_674, %gt3A_676 : vector<16xf32>
    %jit3A_678 = arith.constant -2 : i32
    %broadcast_in_dim3A_679 = vector.broadcast %jit3A_678 : i32 to vector<16xi32>
    %select_n3A_680 = arith.select %gt3A_677, %select_n3A_672, %broadcast_in_dim3A_679 : vector<16xi1>, vector<16xi32>
    %gt3A_681 = arith.constant 5.000000e-01 : f32
    %gt3A_682 = vector.broadcast %gt3A_681 : f32 to vector<16xf32>
    %gt3A_683 = arith.cmpf ogt, %gather3A_645, %gt3A_682 : vector<16xf32>
    %jit3A_684 = arith.constant -2 : i32
    %broadcast_in_dim3A_685 = vector.broadcast %jit3A_684 : i32 to vector<16xi32>
    %select_n3A_686 = arith.select %gt3A_683, %select_n3A_680, %broadcast_in_dim3A_685 : vector<16xi1>, vector<16xi32>
    %swap3A_687 = arith.constant 192 : index
    %swap3A_688 = tpu.vector_load %arg13[%swap3A_687] {strides = array<i32>} : memref<512xi32, #tpu.memory_space<vmem>>, vector<16xi32>,
    tpu.vector_store %arg13[%swap3A_687], %select_n3A_686 {strides = array<i32>} : memref<512xi32, #tpu.memory_space<vmem>>, vector<16xi32>,
    %get3A_689 = arith.constant 208 : index
    %get3A_690 = tpu.vector_load %arg7[%get3A_689] {strides = array<i32>} : memref<512xi32, #tpu.memory_space<vmem>>, vector<16xi32>,
    %gather3A_691 = tpu.vector_load_idx %arg10[%get3A_690] : memref<2048xi32, #tpu.memory_space<vmem>>[vector<16xi32>], vector<16xi32>,
    %gather3A_692 = tpu.vector_load_idx %arg11[%get3A_690] : memref<2048xf32, #tpu.memory_space<vmem>>[vector<16xi32>], vector<16xf32>,
    %gather3A_693 = tpu.vector_load_idx %arg12[%get3A_690] : memref<2048xf32, #tpu.memory_space<vmem>>[vector<16xi32>], vector<16xf32>,
    %add3A_694 = arith.constant 208 : i32
    %add3A_695 = vector.broadcast %add3A_694 : i32 to vector<16xi32>
    %add3A_696 = arith.addi %add3A_69, %add3A_695 : vector<16xi32>
    %eq3A_697 = arith.cmpi eq, %gather3A_691, %add3A_696 : vector<16xi32>
    %get3A_698 = arith.constant 208 : index
    %get3A_699 = tpu.vector_load %arg8[%get3A_698] {strides = array<i32>} : memref<512xf32, #tpu.memory_space<vmem>>, vector<16xf32>,
    %add3A_700 = arith.addf %get3A_699, %gather3A_692 : vector<16xf32>
    %mul3A_701 = arith.constant 5.000000e-01 : f32
    %mul3A_702 = vector.broadcast %mul3A_701 : f32 to vector<16xf32>
    %mul3A_703 = arith.mulf %mul3A_702, %add3A_700 : vector<16xf32>
    %jit3A_704 = arith.constant -1 : i32
    %broadcast_in_dim3A_705 = vector.broadcast %jit3A_704 : i32 to vector<16xi32>
    %select_n3A_706 = arith.select %eq3A_697, %get3A_690, %broadcast_in_dim3A_705 : vector<16xi1>, vector<16xi32>
    %gt3A_707 = arith.constant 0.00999999977 : f32
    %gt3A_708 = vector.broadcast %gt3A_707 : f32 to vector<16xf32>
    %gt3A_709 = arith.cmpf ogt, %mul3A_703, %gt3A_708 : vector<16xf32>
    %and3A_710 = arith.andi %eq3A_697, %gt3A_709 : vector<16xi1>
    %jit3A_711 = arith.constant -2 : i32
    %broadcast_in_dim3A_712 = vector.broadcast %jit3A_711 : i32 to vector<16xi32>
    %select_n3A_713 = arith.select %and3A_710, %broadcast_in_dim3A_712, %select_n3A_706 : vector<16xi1>, vector<16xi32>
    %gt3A_714 = arith.constant 2.000000e-02 : f32
    %gt3A_715 = vector.broadcast %gt3A_714 : f32 to vector<16xf32>
    %gt3A_716 = arith.cmpf ogt, %mul3A_703, %gt3A_715 : vector<16xf32>
    %and3A_717 = arith.andi %eq3A_697, %gt3A_716 : vector<16xi1>
    %jit3A_718 = arith.constant -1 : i32
    %broadcast_in_dim3A_719 = vector.broadcast %jit3A_718 : i32 to vector<16xi32>
    %select_n3A_720 = arith.select %and3A_717, %broadcast_in_dim3A_719, %select_n3A_713 : vector<16xi1>, vector<16xi32>
    %get3A_721 = arith.constant 208 : index
    %get3A_722 = tpu.vector_load %arg9[%get3A_721] {strides = array<i32>} : memref<512xf32, #tpu.memory_space<vmem>>, vector<16xf32>,
    %gt3A_723 = arith.constant 5.000000e-01 : f32
    %gt3A_724 = vector.broadcast %gt3A_723 : f32 to vector<16xf32>
    %gt3A_725 = arith.cmpf ogt, %get3A_722, %gt3A_724 : vector<16xf32>
    %jit3A_726 = arith.constant -2 : i32
    %broadcast_in_dim3A_727 = vector.broadcast %jit3A_726 : i32 to vector<16xi32>
    %select_n3A_728 = arith.select %gt3A_725, %select_n3A_720, %broadcast_in_dim3A_727 : vector<16xi1>, vector<16xi32>
    %gt3A_729 = arith.constant 5.000000e-01 : f32
    %gt3A_730 = vector.broadcast %gt3A_729 : f32 to vector<16xf32>
    %gt3A_731 = arith.cmpf ogt, %gather3A_693, %gt3A_730 : vector<16xf32>
    %jit3A_732 = arith.constant -2 : i32
    %broadcast_in_dim3A_733 = vector.broadcast %jit3A_732 : i32 to vector<16xi32>
    %select_n3A_734 = arith.select %gt3A_731, %select_n3A_728, %broadcast_in_dim3A_733 : vector<16xi1>, vector<16xi32>
    %swap3A_735 = arith.constant 208 : index
    %swap3A_736 = tpu.vector_load %arg13[%swap3A_735] {strides = array<i32>} : memref<512xi32, #tpu.memory_space<vmem>>, vector<16xi32>,
    tpu.vector_store %arg13[%swap3A_735], %select_n3A_734 {strides = array<i32>} : memref<512xi32, #tpu.memory_space<vmem>>, vector<16xi32>,
    %get3A_737 = arith.constant 224 : index
    %get3A_738 = tpu.vector_load %arg7[%get3A_737] {strides = array<i32>} : memref<512xi32, #tpu.memory_space<vmem>>, vector<16xi32>,
    %gather3A_739 = tpu.vector_load_idx %arg10[%get3A_738] : memref<2048xi32, #tpu.memory_space<vmem>>[vector<16xi32>], vector<16xi32>,
    %gather3A_740 = tpu.vector_load_idx %arg11[%get3A_738] : memref<2048xf32, #tpu.memory_space<vmem>>[vector<16xi32>], vector<16xf32>,
    %gather3A_741 = tpu.vector_load_idx %arg12[%get3A_738] : memref<2048xf32, #tpu.memory_space<vmem>>[vector<16xi32>], vector<16xf32>,
    %add3A_742 = arith.constant 224 : i32
    %add3A_743 = vector.broadcast %add3A_742 : i32 to vector<16xi32>
    %add3A_744 = arith.addi %add3A_69, %add3A_743 : vector<16xi32>
    %eq3A_745 = arith.cmpi eq, %gather3A_739, %add3A_744 : vector<16xi32>
    %get3A_746 = arith.constant 224 : index
    %get3A_747 = tpu.vector_load %arg8[%get3A_746] {strides = array<i32>} : memref<512xf32, #tpu.memory_space<vmem>>, vector<16xf32>,
    %add3A_748 = arith.addf %get3A_747, %gather3A_740 : vector<16xf32>
    %mul3A_749 = arith.constant 5.000000e-01 : f32
    %mul3A_750 = vector.broadcast %mul3A_749 : f32 to vector<16xf32>
    %mul3A_751 = arith.mulf %mul3A_750, %add3A_748 : vector<16xf32>
    %jit3A_752 = arith.constant -1 : i32
    %broadcast_in_dim3A_753 = vector.broadcast %jit3A_752 : i32 to vector<16xi32>
    %select_n3A_754 = arith.select %eq3A_745, %get3A_738, %broadcast_in_dim3A_753 : vector<16xi1>, vector<16xi32>
    %gt3A_755 = arith.constant 0.00999999977 : f32
    %gt3A_756 = vector.broadcast %gt3A_755 : f32 to vector<16xf32>
    %gt3A_757 = arith.cmpf ogt, %mul3A_751, %gt3A_756 : vector<16xf32>
    %and3A_758 = arith.andi %eq3A_745, %gt3A_757 : vector<16xi1>
    %jit3A_759 = arith.constant -2 : i32
    %broadcast_in_dim3A_760 = vector.broadcast %jit3A_759 : i32 to vector<16xi32>
    %select_n3A_761 = arith.select %and3A_758, %broadcast_in_dim3A_760, %select_n3A_754 : vector<16xi1>, vector<16xi32>
    %gt3A_762 = arith.constant 2.000000e-02 : f32
    %gt3A_763 = vector.broadcast %gt3A_762 : f32 to vector<16xf32>
    %gt3A_764 = arith.cmpf ogt, %mul3A_751, %gt3A_763 : vector<16xf32>
    %and3A_765 = arith.andi %eq3A_745, %gt3A_764 : vector<16xi1>
    %jit3A_766 = arith.constant -1 : i32
    %broadcast_in_dim3A_767 = vector.broadcast %jit3A_766 : i32 to vector<16xi32>
    %select_n3A_768 = arith.select %and3A_765, %broadcast_in_dim3A_767, %select_n3A_761 : vector<16xi1>, vector<16xi32>
    %get3A_769 = arith.constant 224 : index
    %get3A_770 = tpu.vector_load %arg9[%get3A_769] {strides = array<i32>} : memref<512xf32, #tpu.memory_space<vmem>>, vector<16xf32>,
    %gt3A_771 = arith.constant 5.000000e-01 : f32
    %gt3A_772 = vector.broadcast %gt3A_771 : f32 to vector<16xf32>
    %gt3A_773 = arith.cmpf ogt, %get3A_770, %gt3A_772 : vector<16xf32>
    %jit3A_774 = arith.constant -2 : i32
    %broadcast_in_dim3A_775 = vector.broadcast %jit3A_774 : i32 to vector<16xi32>
    %select_n3A_776 = arith.select %gt3A_773, %select_n3A_768, %broadcast_in_dim3A_775 : vector<16xi1>, vector<16xi32>
    %gt3A_777 = arith.constant 5.000000e-01 : f32
    %gt3A_778 = vector.broadcast %gt3A_777 : f32 to vector<16xf32>
    %gt3A_779 = arith.cmpf ogt, %gather3A_741, %gt3A_778 : vector<16xf32>
    %jit3A_780 = arith.constant -2 : i32
    %broadcast_in_dim3A_781 = vector.broadcast %jit3A_780 : i32 to vector<16xi32>
    %select_n3A_782 = arith.select %gt3A_779, %select_n3A_776, %broadcast_in_dim3A_781 : vector<16xi1>, vector<16xi32>
    %swap3A_783 = arith.constant 224 : index
    %swap3A_784 = tpu.vector_load %arg13[%swap3A_783] {strides = array<i32>} : memref<512xi32, #tpu.memory_space<vmem>>, vector<16xi32>,
    tpu.vector_store %arg13[%swap3A_783], %select_n3A_782 {strides = array<i32>} : memref<512xi32, #tpu.memory_space<vmem>>, vector<16xi32>,
    %get3A_785 = arith.constant 240 : index
    %get3A_786 = tpu.vector_load %arg7[%get3A_785] {strides = array<i32>} : memref<512xi32, #tpu.memory_space<vmem>>, vector<16xi32>,
    %gather3A_787 = tpu.vector_load_idx %arg10[%get3A_786] : memref<2048xi32, #tpu.memory_space<vmem>>[vector<16xi32>], vector<16xi32>,
    %gather3A_788 = tpu.vector_load_idx %arg11[%get3A_786] : memref<2048xf32, #tpu.memory_space<vmem>>[vector<16xi32>], vector<16xf32>,
    %gather3A_789 = tpu.vector_load_idx %arg12[%get3A_786] : memref<2048xf32, #tpu.memory_space<vmem>>[vector<16xi32>], vector<16xf32>,
    %add3A_790 = arith.constant 240 : i32
    %add3A_791 = vector.broadcast %add3A_790 : i32 to vector<16xi32>
    %add3A_792 = arith.addi %add3A_69, %add3A_791 : vector<16xi32>
    %eq3A_793 = arith.cmpi eq, %gather3A_787, %add3A_792 : vector<16xi32>
    %get3A_794 = arith.constant 240 : index
    %get3A_795 = tpu.vector_load %arg8[%get3A_794] {strides = array<i32>} : memref<512xf32, #tpu.memory_space<vmem>>, vector<16xf32>,
    %add3A_796 = arith.addf %get3A_795, %gather3A_788 : vector<16xf32>
    %mul3A_797 = arith.constant 5.000000e-01 : f32
    %mul3A_798 = vector.broadcast %mul3A_797 : f32 to vector<16xf32>
    %mul3A_799 = arith.mulf %mul3A_798, %add3A_796 : vector<16xf32>
    %jit3A_800 = arith.constant -1 : i32
    %broadcast_in_dim3A_801 = vector.broadcast %jit3A_800 : i32 to vector<16xi32>
    %select_n3A_802 = arith.select %eq3A_793, %get3A_786, %broadcast_in_dim3A_801 : vector<16xi1>, vector<16xi32>
    %gt3A_803 = arith.constant 0.00999999977 : f32
    %gt3A_804 = vector.broadcast %gt3A_803 : f32 to vector<16xf32>
    %gt3A_805 = arith.cmpf ogt, %mul3A_799, %gt3A_804 : vector<16xf32>
    %and3A_806 = arith.andi %eq3A_793, %gt3A_805 : vector<16xi1>
    %jit3A_807 = arith.constant -2 : i32
    %broadcast_in_dim3A_808 = vector.broadcast %jit3A_807 : i32 to vector<16xi32>
    %select_n3A_809 = arith.select %and3A_806, %broadcast_in_dim3A_808, %select_n3A_802 : vector<16xi1>, vector<16xi32>
    %gt3A_810 = arith.constant 2.000000e-02 : f32
    %gt3A_811 = vector.broadcast %gt3A_810 : f32 to vector<16xf32>
    %gt3A_812 = arith.cmpf ogt, %mul3A_799, %gt3A_811 : vector<16xf32>
    %and3A_813 = arith.andi %eq3A_793, %gt3A_812 : vector<16xi1>
    %jit3A_814 = arith.constant -1 : i32
    %broadcast_in_dim3A_815 = vector.broadcast %jit3A_814 : i32 to vector<16xi32>
    %select_n3A_816 = arith.select %and3A_813, %broadcast_in_dim3A_815, %select_n3A_809 : vector<16xi1>, vector<16xi32>
    %get3A_817 = arith.constant 240 : index
    %get3A_818 = tpu.vector_load %arg9[%get3A_817] {strides = array<i32>} : memref<512xf32, #tpu.memory_space<vmem>>, vector<16xf32>,
    %gt3A_819 = arith.constant 5.000000e-01 : f32
    %gt3A_820 = vector.broadcast %gt3A_819 : f32 to vector<16xf32>
    %gt3A_821 = arith.cmpf ogt, %get3A_818, %gt3A_820 : vector<16xf32>
    %jit3A_822 = arith.constant -2 : i32
    %broadcast_in_dim3A_823 = vector.broadcast %jit3A_822 : i32 to vector<16xi32>
    %select_n3A_824 = arith.select %gt3A_821, %select_n3A_816, %broadcast_in_dim3A_823 : vector<16xi1>, vector<16xi32>
    %gt3A_825 = arith.constant 5.000000e-01 : f32
    %gt3A_826 = vector.broadcast %gt3A_825 : f32 to vector<16xf32>
    %gt3A_827 = arith.cmpf ogt, %gather3A_789, %gt3A_826 : vector<16xf32>
    %jit3A_828 = arith.constant -2 : i32
    %broadcast_in_dim3A_829 = vector.broadcast %jit3A_828 : i32 to vector<16xi32>
    %select_n3A_830 = arith.select %gt3A_827, %select_n3A_824, %broadcast_in_dim3A_829 : vector<16xi1>, vector<16xi32>
    %swap3A_831 = arith.constant 240 : index
    %swap3A_832 = tpu.vector_load %arg13[%swap3A_831] {strides = array<i32>} : memref<512xi32, #tpu.memory_space<vmem>>, vector<16xi32>,
    tpu.vector_store %arg13[%swap3A_831], %select_n3A_830 {strides = array<i32>} : memref<512xi32, #tpu.memory_space<vmem>>, vector<16xi32>,
    %get3A_833 = arith.constant 256 : index
    %get3A_834 = tpu.vector_load %arg7[%get3A_833] {strides = array<i32>} : memref<512xi32, #tpu.memory_space<vmem>>, vector<16xi32>,
    %gather3A_835 = tpu.vector_load_idx %arg10[%get3A_834] : memref<2048xi32, #tpu.memory_space<vmem>>[vector<16xi32>], vector<16xi32>,
    %gather3A_836 = tpu.vector_load_idx %arg11[%get3A_834] : memref<2048xf32, #tpu.memory_space<vmem>>[vector<16xi32>], vector<16xf32>,
    %gather3A_837 = tpu.vector_load_idx %arg12[%get3A_834] : memref<2048xf32, #tpu.memory_space<vmem>>[vector<16xi32>], vector<16xf32>,
    %add3A_838 = arith.constant 256 : i32
    %add3A_839 = vector.broadcast %add3A_838 : i32 to vector<16xi32>
    %add3A_840 = arith.addi %add3A_69, %add3A_839 : vector<16xi32>
    %eq3A_841 = arith.cmpi eq, %gather3A_835, %add3A_840 : vector<16xi32>
    %get3A_842 = arith.constant 256 : index
    %get3A_843 = tpu.vector_load %arg8[%get3A_842] {strides = array<i32>} : memref<512xf32, #tpu.memory_space<vmem>>, vector<16xf32>,
    %add3A_844 = arith.addf %get3A_843, %gather3A_836 : vector<16xf32>
    %mul3A_845 = arith.constant 5.000000e-01 : f32
    %mul3A_846 = vector.broadcast %mul3A_845 : f32 to vector<16xf32>
    %mul3A_847 = arith.mulf %mul3A_846, %add3A_844 : vector<16xf32>
    %jit3A_848 = arith.constant -1 : i32
    %broadcast_in_dim3A_849 = vector.broadcast %jit3A_848 : i32 to vector<16xi32>
    %select_n3A_850 = arith.select %eq3A_841, %get3A_834, %broadcast_in_dim3A_849 : vector<16xi1>, vector<16xi32>
    %gt3A_851 = arith.constant 0.00999999977 : f32
    %gt3A_852 = vector.broadcast %gt3A_851 : f32 to vector<16xf32>
    %gt3A_853 = arith.cmpf ogt, %mul3A_847, %gt3A_852 : vector<16xf32>
    %and3A_854 = arith.andi %eq3A_841, %gt3A_853 : vector<16xi1>
    %jit3A_855 = arith.constant -2 : i32
    %broadcast_in_dim3A_856 = vector.broadcast %jit3A_855 : i32 to vector<16xi32>
    %select_n3A_857 = arith.select %and3A_854, %broadcast_in_dim3A_856, %select_n3A_850 : vector<16xi1>, vector<16xi32>
    %gt3A_858 = arith.constant 2.000000e-02 : f32
    %gt3A_859 = vector.broadcast %gt3A_858 : f32 to vector<16xf32>
    %gt3A_860 = arith.cmpf ogt, %mul3A_847, %gt3A_859 : vector<16xf32>
    %and3A_861 = arith.andi %eq3A_841, %gt3A_860 : vector<16xi1>
    %jit3A_862 = arith.constant -1 : i32
    %broadcast_in_dim3A_863 = vector.broadcast %jit3A_862 : i32 to vector<16xi32>
    %select_n3A_864 = arith.select %and3A_861, %broadcast_in_dim3A_863, %select_n3A_857 : vector<16xi1>, vector<16xi32>
    %get3A_865 = arith.constant 256 : index
    %get3A_866 = tpu.vector_load %arg9[%get3A_865] {strides = array<i32>} : memref<512xf32, #tpu.memory_space<vmem>>, vector<16xf32>,
    %gt3A_867 = arith.constant 5.000000e-01 : f32
    %gt3A_868 = vector.broadcast %gt3A_867 : f32 to vector<16xf32>
    %gt3A_869 = arith.cmpf ogt, %get3A_866, %gt3A_868 : vector<16xf32>
    %jit3A_870 = arith.constant -2 : i32
    %broadcast_in_dim3A_871 = vector.broadcast %jit3A_870 : i32 to vector<16xi32>
    %select_n3A_872 = arith.select %gt3A_869, %select_n3A_864, %broadcast_in_dim3A_871 : vector<16xi1>, vector<16xi32>
    %gt3A_873 = arith.constant 5.000000e-01 : f32
    %gt3A_874 = vector.broadcast %gt3A_873 : f32 to vector<16xf32>
    %gt3A_875 = arith.cmpf ogt, %gather3A_837, %gt3A_874 : vector<16xf32>
    %jit3A_876 = arith.constant -2 : i32
    %broadcast_in_dim3A_877 = vector.broadcast %jit3A_876 : i32 to vector<16xi32>
    %select_n3A_878 = arith.select %gt3A_875, %select_n3A_872, %broadcast_in_dim3A_877 : vector<16xi1>, vector<16xi32>
    %swap3A_879 = arith.constant 256 : index
    %swap3A_880 = tpu.vector_load %arg13[%swap3A_879] {strides = array<i32>} : memref<512xi32, #tpu.memory_space<vmem>>, vector<16xi32>,
    tpu.vector_store %arg13[%swap3A_879], %select_n3A_878 {strides = array<i32>} : memref<512xi32, #tpu.memory_space<vmem>>, vector<16xi32>,
    %get3A_881 = arith.constant 272 : index
    %get3A_882 = tpu.vector_load %arg7[%get3A_881] {strides = array<i32>} : memref<512xi32, #tpu.memory_space<vmem>>, vector<16xi32>,
    %gather3A_883 = tpu.vector_load_idx %arg10[%get3A_882] : memref<2048xi32, #tpu.memory_space<vmem>>[vector<16xi32>], vector<16xi32>,
    %gather3A_884 = tpu.vector_load_idx %arg11[%get3A_882] : memref<2048xf32, #tpu.memory_space<vmem>>[vector<16xi32>], vector<16xf32>,
    %gather3A_885 = tpu.vector_load_idx %arg12[%get3A_882] : memref<2048xf32, #tpu.memory_space<vmem>>[vector<16xi32>], vector<16xf32>,
    %add3A_886 = arith.constant 272 : i32
    %add3A_887 = vector.broadcast %add3A_886 : i32 to vector<16xi32>
    %add3A_888 = arith.addi %add3A_69, %add3A_887 : vector<16xi32>
    %eq3A_889 = arith.cmpi eq, %gather3A_883, %add3A_888 : vector<16xi32>
    %get3A_890 = arith.constant 272 : index
    %get3A_891 = tpu.vector_load %arg8[%get3A_890] {strides = array<i32>} : memref<512xf32, #tpu.memory_space<vmem>>, vector<16xf32>,
    %add3A_892 = arith.addf %get3A_891, %gather3A_884 : vector<16xf32>
    %mul3A_893 = arith.constant 5.000000e-01 : f32
    %mul3A_894 = vector.broadcast %mul3A_893 : f32 to vector<16xf32>
    %mul3A_895 = arith.mulf %mul3A_894, %add3A_892 : vector<16xf32>
    %jit3A_896 = arith.constant -1 : i32
    %broadcast_in_dim3A_897 = vector.broadcast %jit3A_896 : i32 to vector<16xi32>
    %select_n3A_898 = arith.select %eq3A_889, %get3A_882, %broadcast_in_dim3A_897 : vector<16xi1>, vector<16xi32>
    %gt3A_899 = arith.constant 0.00999999977 : f32
    %gt3A_900 = vector.broadcast %gt3A_899 : f32 to vector<16xf32>
    %gt3A_901 = arith.cmpf ogt, %mul3A_895, %gt3A_900 : vector<16xf32>
    %and3A_902 = arith.andi %eq3A_889, %gt3A_901 : vector<16xi1>
    %jit3A_903 = arith.constant -2 : i32
    %broadcast_in_dim3A_904 = vector.broadcast %jit3A_903 : i32 to vector<16xi32>
    %select_n3A_905 = arith.select %and3A_902, %broadcast_in_dim3A_904, %select_n3A_898 : vector<16xi1>, vector<16xi32>
    %gt3A_906 = arith.constant 2.000000e-02 : f32
    %gt3A_907 = vector.broadcast %gt3A_906 : f32 to vector<16xf32>
    %gt3A_908 = arith.cmpf ogt, %mul3A_895, %gt3A_907 : vector<16xf32>
    %and3A_909 = arith.andi %eq3A_889, %gt3A_908 : vector<16xi1>
    %jit3A_910 = arith.constant -1 : i32
    %broadcast_in_dim3A_911 = vector.broadcast %jit3A_910 : i32 to vector<16xi32>
    %select_n3A_912 = arith.select %and3A_909, %broadcast_in_dim3A_911, %select_n3A_905 : vector<16xi1>, vector<16xi32>
    %get3A_913 = arith.constant 272 : index
    %get3A_914 = tpu.vector_load %arg9[%get3A_913] {strides = array<i32>} : memref<512xf32, #tpu.memory_space<vmem>>, vector<16xf32>,
    %gt3A_915 = arith.constant 5.000000e-01 : f32
    %gt3A_916 = vector.broadcast %gt3A_915 : f32 to vector<16xf32>
    %gt3A_917 = arith.cmpf ogt, %get3A_914, %gt3A_916 : vector<16xf32>
    %jit3A_918 = arith.constant -2 : i32
    %broadcast_in_dim3A_919 = vector.broadcast %jit3A_918 : i32 to vector<16xi32>
    %select_n3A_920 = arith.select %gt3A_917, %select_n3A_912, %broadcast_in_dim3A_919 : vector<16xi1>, vector<16xi32>
    %gt3A_921 = arith.constant 5.000000e-01 : f32
    %gt3A_922 = vector.broadcast %gt3A_921 : f32 to vector<16xf32>
    %gt3A_923 = arith.cmpf ogt, %gather3A_885, %gt3A_922 : vector<16xf32>
    %jit3A_924 = arith.constant -2 : i32
    %broadcast_in_dim3A_925 = vector.broadcast %jit3A_924 : i32 to vector<16xi32>
    %select_n3A_926 = arith.select %gt3A_923, %select_n3A_920, %broadcast_in_dim3A_925 : vector<16xi1>, vector<16xi32>
    %swap3A_927 = arith.constant 272 : index
    %swap3A_928 = tpu.vector_load %arg13[%swap3A_927] {strides = array<i32>} : memref<512xi32, #tpu.memory_space<vmem>>, vector<16xi32>,
    tpu.vector_store %arg13[%swap3A_927], %select_n3A_926 {strides = array<i32>} : memref<512xi32, #tpu.memory_space<vmem>>, vector<16xi32>,
    %get3A_929 = arith.constant 288 : index
    %get3A_930 = tpu.vector_load %arg7[%get3A_929] {strides = array<i32>} : memref<512xi32, #tpu.memory_space<vmem>>, vector<16xi32>,
    %gather3A_931 = tpu.vector_load_idx %arg10[%get3A_930] : memref<2048xi32, #tpu.memory_space<vmem>>[vector<16xi32>], vector<16xi32>,
    %gather3A_932 = tpu.vector_load_idx %arg11[%get3A_930] : memref<2048xf32, #tpu.memory_space<vmem>>[vector<16xi32>], vector<16xf32>,
    %gather3A_933 = tpu.vector_load_idx %arg12[%get3A_930] : memref<2048xf32, #tpu.memory_space<vmem>>[vector<16xi32>], vector<16xf32>,
    %add3A_934 = arith.constant 288 : i32
    %add3A_935 = vector.broadcast %add3A_934 : i32 to vector<16xi32>
    %add3A_936 = arith.addi %add3A_69, %add3A_935 : vector<16xi32>
    %eq3A_937 = arith.cmpi eq, %gather3A_931, %add3A_936 : vector<16xi32>
    %get3A_938 = arith.constant 288 : index
    %get3A_939 = tpu.vector_load %arg8[%get3A_938] {strides = array<i32>} : memref<512xf32, #tpu.memory_space<vmem>>, vector<16xf32>,
    %add3A_940 = arith.addf %get3A_939, %gather3A_932 : vector<16xf32>
    %mul3A_941 = arith.constant 5.000000e-01 : f32
    %mul3A_942 = vector.broadcast %mul3A_941 : f32 to vector<16xf32>
    %mul3A_943 = arith.mulf %mul3A_942, %add3A_940 : vector<16xf32>
    %jit3A_944 = arith.constant -1 : i32
    %broadcast_in_dim3A_945 = vector.broadcast %jit3A_944 : i32 to vector<16xi32>
    %select_n3A_946 = arith.select %eq3A_937, %get3A_930, %broadcast_in_dim3A_945 : vector<16xi1>, vector<16xi32>
    %gt3A_947 = arith.constant 0.00999999977 : f32
    %gt3A_948 = vector.broadcast %gt3A_947 : f32 to vector<16xf32>
    %gt3A_949 = arith.cmpf ogt, %mul3A_943, %gt3A_948 : vector<16xf32>
    %and3A_950 = arith.andi %eq3A_937, %gt3A_949 : vector<16xi1>
    %jit3A_951 = arith.constant -2 : i32
    %broadcast_in_dim3A_952 = vector.broadcast %jit3A_951 : i32 to vector<16xi32>
    %select_n3A_953 = arith.select %and3A_950, %broadcast_in_dim3A_952, %select_n3A_946 : vector<16xi1>, vector<16xi32>
    %gt3A_954 = arith.constant 2.000000e-02 : f32
    %gt3A_955 = vector.broadcast %gt3A_954 : f32 to vector<16xf32>
    %gt3A_956 = arith.cmpf ogt, %mul3A_943, %gt3A_955 : vector<16xf32>
    %and3A_957 = arith.andi %eq3A_937, %gt3A_956 : vector<16xi1>
    %jit3A_958 = arith.constant -1 : i32
    %broadcast_in_dim3A_959 = vector.broadcast %jit3A_958 : i32 to vector<16xi32>
    %select_n3A_960 = arith.select %and3A_957, %broadcast_in_dim3A_959, %select_n3A_953 : vector<16xi1>, vector<16xi32>
    %get3A_961 = arith.constant 288 : index
    %get3A_962 = tpu.vector_load %arg9[%get3A_961] {strides = array<i32>} : memref<512xf32, #tpu.memory_space<vmem>>, vector<16xf32>,
    %gt3A_963 = arith.constant 5.000000e-01 : f32
    %gt3A_964 = vector.broadcast %gt3A_963 : f32 to vector<16xf32>
    %gt3A_965 = arith.cmpf ogt, %get3A_962, %gt3A_964 : vector<16xf32>
    %jit3A_966 = arith.constant -2 : i32
    %broadcast_in_dim3A_967 = vector.broadcast %jit3A_966 : i32 to vector<16xi32>
    %select_n3A_968 = arith.select %gt3A_965, %select_n3A_960, %broadcast_in_dim3A_967 : vector<16xi1>, vector<16xi32>
    %gt3A_969 = arith.constant 5.000000e-01 : f32
    %gt3A_970 = vector.broadcast %gt3A_969 : f32 to vector<16xf32>
    %gt3A_971 = arith.cmpf ogt, %gather3A_933, %gt3A_970 : vector<16xf32>
    %jit3A_972 = arith.constant -2 : i32
    %broadcast_in_dim3A_973 = vector.broadcast %jit3A_972 : i32 to vector<16xi32>
    %select_n3A_974 = arith.select %gt3A_971, %select_n3A_968, %broadcast_in_dim3A_973 : vector<16xi1>, vector<16xi32>
    %swap3A_975 = arith.constant 288 : index
    %swap3A_976 = tpu.vector_load %arg13[%swap3A_975] {strides = array<i32>} : memref<512xi32, #tpu.memory_space<vmem>>, vector<16xi32>,
    tpu.vector_store %arg13[%swap3A_975], %select_n3A_974 {strides = array<i32>} : memref<512xi32, #tpu.memory_space<vmem>>, vector<16xi32>,
    %get3A_977 = arith.constant 304 : index
    %get3A_978 = tpu.vector_load %arg7[%get3A_977] {strides = array<i32>} : memref<512xi32, #tpu.memory_space<vmem>>, vector<16xi32>,
    %gather3A_979 = tpu.vector_load_idx %arg10[%get3A_978] : memref<2048xi32, #tpu.memory_space<vmem>>[vector<16xi32>], vector<16xi32>,
    %gather3A_980 = tpu.vector_load_idx %arg11[%get3A_978] : memref<2048xf32, #tpu.memory_space<vmem>>[vector<16xi32>], vector<16xf32>,
    %gather3A_981 = tpu.vector_load_idx %arg12[%get3A_978] : memref<2048xf32, #tpu.memory_space<vmem>>[vector<16xi32>], vector<16xf32>,
    %add3A_982 = arith.constant 304 : i32
    %add3A_983 = vector.broadcast %add3A_982 : i32 to vector<16xi32>
    %add3A_984 = arith.addi %add3A_69, %add3A_983 : vector<16xi32>
    %eq3A_985 = arith.cmpi eq, %gather3A_979, %add3A_984 : vector<16xi32>
    %get3A_986 = arith.constant 304 : index
    %get3A_987 = tpu.vector_load %arg8[%get3A_986] {strides = array<i32>} : memref<512xf32, #tpu.memory_space<vmem>>, vector<16xf32>,
    %add3A_988 = arith.addf %get3A_987, %gather3A_980 : vector<16xf32>
    %mul3A_989 = arith.constant 5.000000e-01 : f32
    %mul3A_990 = vector.broadcast %mul3A_989 : f32 to vector<16xf32>
    %mul3A_991 = arith.mulf %mul3A_990, %add3A_988 : vector<16xf32>
    %jit3A_992 = arith.constant -1 : i32
    %broadcast_in_dim3A_993 = vector.broadcast %jit3A_992 : i32 to vector<16xi32>
    %select_n3A_994 = arith.select %eq3A_985, %get3A_978, %broadcast_in_dim3A_993 : vector<16xi1>, vector<16xi32>
    %gt3A_995 = arith.constant 0.00999999977 : f32
    %gt3A_996 = vector.broadcast %gt3A_995 : f32 to vector<16xf32>
    %gt3A_997 = arith.cmpf ogt, %mul3A_991, %gt3A_996 : vector<16xf32>
    %and3A_998 = arith.andi %eq3A_985, %gt3A_997 : vector<16xi1>
    %jit3A_999 = arith.constant -2 : i32
    %broadcast_in_dim3A_1000 = vector.broadcast %jit3A_999 : i32 to vector<16xi32>
    %select_n3A_1001 = arith.select %and3A_998, %broadcast_in_dim3A_1000, %select_n3A_994 : vector<16xi1>, vector<16xi32>
    %gt3A_1002 = arith.constant 2.000000e-02 : f32
    %gt3A_1003 = vector.broadcast %gt3A_1002 : f32 to vector<16xf32>
    %gt3A_1004 = arith.cmpf ogt, %mul3A_991, %gt3A_1003 : vector<16xf32>
    %and3A_1005 = arith.andi %eq3A_985, %gt3A_1004 : vector<16xi1>
    %jit3A_1006 = arith.constant -1 : i32
    %broadcast_in_dim3A_1007 = vector.broadcast %jit3A_1006 : i32 to vector<16xi32>
    %select_n3A_1008 = arith.select %and3A_1005, %broadcast_in_dim3A_1007, %select_n3A_1001 : vector<16xi1>, vector<16xi32>
    %get3A_1009 = arith.constant 304 : index
    %get3A_1010 = tpu.vector_load %arg9[%get3A_1009] {strides = array<i32>} : memref<512xf32, #tpu.memory_space<vmem>>, vector<16xf32>,
    %gt3A_1011 = arith.constant 5.000000e-01 : f32
    %gt3A_1012 = vector.broadcast %gt3A_1011 : f32 to vector<16xf32>
    %gt3A_1013 = arith.cmpf ogt, %get3A_1010, %gt3A_1012 : vector<16xf32>
    %jit3A_1014 = arith.constant -2 : i32
    %broadcast_in_dim3A_1015 = vector.broadcast %jit3A_1014 : i32 to vector<16xi32>
    %select_n3A_1016 = arith.select %gt3A_1013, %select_n3A_1008, %broadcast_in_dim3A_1015 : vector<16xi1>, vector<16xi32>
    %gt3A_1017 = arith.constant 5.000000e-01 : f32
    %gt3A_1018 = vector.broadcast %gt3A_1017 : f32 to vector<16xf32>
    %gt3A_1019 = arith.cmpf ogt, %gather3A_981, %gt3A_1018 : vector<16xf32>
    %jit3A_1020 = arith.constant -2 : i32
    %broadcast_in_dim3A_1021 = vector.broadcast %jit3A_1020 : i32 to vector<16xi32>
    %select_n3A_1022 = arith.select %gt3A_1019, %select_n3A_1016, %broadcast_in_dim3A_1021 : vector<16xi1>, vector<16xi32>
    %swap3A_1023 = arith.constant 304 : index
    %swap3A_1024 = tpu.vector_load %arg13[%swap3A_1023] {strides = array<i32>} : memref<512xi32, #tpu.memory_space<vmem>>, vector<16xi32>,
    tpu.vector_store %arg13[%swap3A_1023], %select_n3A_1022 {strides = array<i32>} : memref<512xi32, #tpu.memory_space<vmem>>, vector<16xi32>,
    %get3A_1025 = arith.constant 320 : index
    %get3A_1026 = tpu.vector_load %arg7[%get3A_1025] {strides = array<i32>} : memref<512xi32, #tpu.memory_space<vmem>>, vector<16xi32>,
    %gather3A_1027 = tpu.vector_load_idx %arg10[%get3A_1026] : memref<2048xi32, #tpu.memory_space<vmem>>[vector<16xi32>], vector<16xi32>,
    %gather3A_1028 = tpu.vector_load_idx %arg11[%get3A_1026] : memref<2048xf32, #tpu.memory_space<vmem>>[vector<16xi32>], vector<16xf32>,
    %gather3A_1029 = tpu.vector_load_idx %arg12[%get3A_1026] : memref<2048xf32, #tpu.memory_space<vmem>>[vector<16xi32>], vector<16xf32>,
    %add3A_1030 = arith.constant 320 : i32
    %add3A_1031 = vector.broadcast %add3A_1030 : i32 to vector<16xi32>
    %add3A_1032 = arith.addi %add3A_69, %add3A_1031 : vector<16xi32>
    %eq3A_1033 = arith.cmpi eq, %gather3A_1027, %add3A_1032 : vector<16xi32>
    %get3A_1034 = arith.constant 320 : index
    %get3A_1035 = tpu.vector_load %arg8[%get3A_1034] {strides = array<i32>} : memref<512xf32, #tpu.memory_space<vmem>>, vector<16xf32>,
    %add3A_1036 = arith.addf %get3A_1035, %gather3A_1028 : vector<16xf32>
    %mul3A_1037 = arith.constant 5.000000e-01 : f32
    %mul3A_1038 = vector.broadcast %mul3A_1037 : f32 to vector<16xf32>
    %mul3A_1039 = arith.mulf %mul3A_1038, %add3A_1036 : vector<16xf32>
    %jit3A_1040 = arith.constant -1 : i32
    %broadcast_in_dim3A_1041 = vector.broadcast %jit3A_1040 : i32 to vector<16xi32>
    %select_n3A_1042 = arith.select %eq3A_1033, %get3A_1026, %broadcast_in_dim3A_1041 : vector<16xi1>, vector<16xi32>
    %gt3A_1043 = arith.constant 0.00999999977 : f32
    %gt3A_1044 = vector.broadcast %gt3A_1043 : f32 to vector<16xf32>
    %gt3A_1045 = arith.cmpf ogt, %mul3A_1039, %gt3A_1044 : vector<16xf32>
    %and3A_1046 = arith.andi %eq3A_1033, %gt3A_1045 : vector<16xi1>
    %jit3A_1047 = arith.constant -2 : i32
    %broadcast_in_dim3A_1048 = vector.broadcast %jit3A_1047 : i32 to vector<16xi32>
    %select_n3A_1049 = arith.select %and3A_1046, %broadcast_in_dim3A_1048, %select_n3A_1042 : vector<16xi1>, vector<16xi32>
    %gt3A_1050 = arith.constant 2.000000e-02 : f32
    %gt3A_1051 = vector.broadcast %gt3A_1050 : f32 to vector<16xf32>
    %gt3A_1052 = arith.cmpf ogt, %mul3A_1039, %gt3A_1051 : vector<16xf32>
    %and3A_1053 = arith.andi %eq3A_1033, %gt3A_1052 : vector<16xi1>
    %jit3A_1054 = arith.constant -1 : i32
    %broadcast_in_dim3A_1055 = vector.broadcast %jit3A_1054 : i32 to vector<16xi32>
    %select_n3A_1056 = arith.select %and3A_1053, %broadcast_in_dim3A_1055, %select_n3A_1049 : vector<16xi1>, vector<16xi32>
    %get3A_1057 = arith.constant 320 : index
    %get3A_1058 = tpu.vector_load %arg9[%get3A_1057] {strides = array<i32>} : memref<512xf32, #tpu.memory_space<vmem>>, vector<16xf32>,
    %gt3A_1059 = arith.constant 5.000000e-01 : f32
    %gt3A_1060 = vector.broadcast %gt3A_1059 : f32 to vector<16xf32>
    %gt3A_1061 = arith.cmpf ogt, %get3A_1058, %gt3A_1060 : vector<16xf32>
    %jit3A_1062 = arith.constant -2 : i32
    %broadcast_in_dim3A_1063 = vector.broadcast %jit3A_1062 : i32 to vector<16xi32>
    %select_n3A_1064 = arith.select %gt3A_1061, %select_n3A_1056, %broadcast_in_dim3A_1063 : vector<16xi1>, vector<16xi32>
    %gt3A_1065 = arith.constant 5.000000e-01 : f32
    %gt3A_1066 = vector.broadcast %gt3A_1065 : f32 to vector<16xf32>
    %gt3A_1067 = arith.cmpf ogt, %gather3A_1029, %gt3A_1066 : vector<16xf32>
    %jit3A_1068 = arith.constant -2 : i32
    %broadcast_in_dim3A_1069 = vector.broadcast %jit3A_1068 : i32 to vector<16xi32>
    %select_n3A_1070 = arith.select %gt3A_1067, %select_n3A_1064, %broadcast_in_dim3A_1069 : vector<16xi1>, vector<16xi32>
    %swap3A_1071 = arith.constant 320 : index
    %swap3A_1072 = tpu.vector_load %arg13[%swap3A_1071] {strides = array<i32>} : memref<512xi32, #tpu.memory_space<vmem>>, vector<16xi32>,
    tpu.vector_store %arg13[%swap3A_1071], %select_n3A_1070 {strides = array<i32>} : memref<512xi32, #tpu.memory_space<vmem>>, vector<16xi32>,
    %get3A_1073 = arith.constant 336 : index
    %get3A_1074 = tpu.vector_load %arg7[%get3A_1073] {strides = array<i32>} : memref<512xi32, #tpu.memory_space<vmem>>, vector<16xi32>,
    %gather3A_1075 = tpu.vector_load_idx %arg10[%get3A_1074] : memref<2048xi32, #tpu.memory_space<vmem>>[vector<16xi32>], vector<16xi32>,
    %gather3A_1076 = tpu.vector_load_idx %arg11[%get3A_1074] : memref<2048xf32, #tpu.memory_space<vmem>>[vector<16xi32>], vector<16xf32>,
    %gather3A_1077 = tpu.vector_load_idx %arg12[%get3A_1074] : memref<2048xf32, #tpu.memory_space<vmem>>[vector<16xi32>], vector<16xf32>,
    %add3A_1078 = arith.constant 336 : i32
    %add3A_1079 = vector.broadcast %add3A_1078 : i32 to vector<16xi32>
    %add3A_1080 = arith.addi %add3A_69, %add3A_1079 : vector<16xi32>
    %eq3A_1081 = arith.cmpi eq, %gather3A_1075, %add3A_1080 : vector<16xi32>
    %get3A_1082 = arith.constant 336 : index
    %get3A_1083 = tpu.vector_load %arg8[%get3A_1082] {strides = array<i32>} : memref<512xf32, #tpu.memory_space<vmem>>, vector<16xf32>,
    %add3A_1084 = arith.addf %get3A_1083, %gather3A_1076 : vector<16xf32>
    %mul3A_1085 = arith.constant 5.000000e-01 : f32
    %mul3A_1086 = vector.broadcast %mul3A_1085 : f32 to vector<16xf32>
    %mul3A_1087 = arith.mulf %mul3A_1086, %add3A_1084 : vector<16xf32>
    %jit3A_1088 = arith.constant -1 : i32
    %broadcast_in_dim3A_1089 = vector.broadcast %jit3A_1088 : i32 to vector<16xi32>
    %select_n3A_1090 = arith.select %eq3A_1081, %get3A_1074, %broadcast_in_dim3A_1089 : vector<16xi1>, vector<16xi32>
    %gt3A_1091 = arith.constant 0.00999999977 : f32
    %gt3A_1092 = vector.broadcast %gt3A_1091 : f32 to vector<16xf32>
    %gt3A_1093 = arith.cmpf ogt, %mul3A_1087, %gt3A_1092 : vector<16xf32>
    %and3A_1094 = arith.andi %eq3A_1081, %gt3A_1093 : vector<16xi1>
    %jit3A_1095 = arith.constant -2 : i32
    %broadcast_in_dim3A_1096 = vector.broadcast %jit3A_1095 : i32 to vector<16xi32>
    %select_n3A_1097 = arith.select %and3A_1094, %broadcast_in_dim3A_1096, %select_n3A_1090 : vector<16xi1>, vector<16xi32>
    %gt3A_1098 = arith.constant 2.000000e-02 : f32
    %gt3A_1099 = vector.broadcast %gt3A_1098 : f32 to vector<16xf32>
    %gt3A_1100 = arith.cmpf ogt, %mul3A_1087, %gt3A_1099 : vector<16xf32>
    %and3A_1101 = arith.andi %eq3A_1081, %gt3A_1100 : vector<16xi1>
    %jit3A_1102 = arith.constant -1 : i32
    %broadcast_in_dim3A_1103 = vector.broadcast %jit3A_1102 : i32 to vector<16xi32>
    %select_n3A_1104 = arith.select %and3A_1101, %broadcast_in_dim3A_1103, %select_n3A_1097 : vector<16xi1>, vector<16xi32>
    %get3A_1105 = arith.constant 336 : index
    %get3A_1106 = tpu.vector_load %arg9[%get3A_1105] {strides = array<i32>} : memref<512xf32, #tpu.memory_space<vmem>>, vector<16xf32>,
    %gt3A_1107 = arith.constant 5.000000e-01 : f32
    %gt3A_1108 = vector.broadcast %gt3A_1107 : f32 to vector<16xf32>
    %gt3A_1109 = arith.cmpf ogt, %get3A_1106, %gt3A_1108 : vector<16xf32>
    %jit3A_1110 = arith.constant -2 : i32
    %broadcast_in_dim3A_1111 = vector.broadcast %jit3A_1110 : i32 to vector<16xi32>
    %select_n3A_1112 = arith.select %gt3A_1109, %select_n3A_1104, %broadcast_in_dim3A_1111 : vector<16xi1>, vector<16xi32>
    %gt3A_1113 = arith.constant 5.000000e-01 : f32
    %gt3A_1114 = vector.broadcast %gt3A_1113 : f32 to vector<16xf32>
    %gt3A_1115 = arith.cmpf ogt, %gather3A_1077, %gt3A_1114 : vector<16xf32>
    %jit3A_1116 = arith.constant -2 : i32
    %broadcast_in_dim3A_1117 = vector.broadcast %jit3A_1116 : i32 to vector<16xi32>
    %select_n3A_1118 = arith.select %gt3A_1115, %select_n3A_1112, %broadcast_in_dim3A_1117 : vector<16xi1>, vector<16xi32>
    %swap3A_1119 = arith.constant 336 : index
    %swap3A_1120 = tpu.vector_load %arg13[%swap3A_1119] {strides = array<i32>} : memref<512xi32, #tpu.memory_space<vmem>>, vector<16xi32>,
    tpu.vector_store %arg13[%swap3A_1119], %select_n3A_1118 {strides = array<i32>} : memref<512xi32, #tpu.memory_space<vmem>>, vector<16xi32>,
    %get3A_1121 = arith.constant 352 : index
    %get3A_1122 = tpu.vector_load %arg7[%get3A_1121] {strides = array<i32>} : memref<512xi32, #tpu.memory_space<vmem>>, vector<16xi32>,
    %gather3A_1123 = tpu.vector_load_idx %arg10[%get3A_1122] : memref<2048xi32, #tpu.memory_space<vmem>>[vector<16xi32>], vector<16xi32>,
    %gather3A_1124 = tpu.vector_load_idx %arg11[%get3A_1122] : memref<2048xf32, #tpu.memory_space<vmem>>[vector<16xi32>], vector<16xf32>,
    %gather3A_1125 = tpu.vector_load_idx %arg12[%get3A_1122] : memref<2048xf32, #tpu.memory_space<vmem>>[vector<16xi32>], vector<16xf32>,
    %add3A_1126 = arith.constant 352 : i32
    %add3A_1127 = vector.broadcast %add3A_1126 : i32 to vector<16xi32>
    %add3A_1128 = arith.addi %add3A_69, %add3A_1127 : vector<16xi32>
    %eq3A_1129 = arith.cmpi eq, %gather3A_1123, %add3A_1128 : vector<16xi32>
    %get3A_1130 = arith.constant 352 : index
    %get3A_1131 = tpu.vector_load %arg8[%get3A_1130] {strides = array<i32>} : memref<512xf32, #tpu.memory_space<vmem>>, vector<16xf32>,
    %add3A_1132 = arith.addf %get3A_1131, %gather3A_1124 : vector<16xf32>
    %mul3A_1133 = arith.constant 5.000000e-01 : f32
    %mul3A_1134 = vector.broadcast %mul3A_1133 : f32 to vector<16xf32>
    %mul3A_1135 = arith.mulf %mul3A_1134, %add3A_1132 : vector<16xf32>
    %jit3A_1136 = arith.constant -1 : i32
    %broadcast_in_dim3A_1137 = vector.broadcast %jit3A_1136 : i32 to vector<16xi32>
    %select_n3A_1138 = arith.select %eq3A_1129, %get3A_1122, %broadcast_in_dim3A_1137 : vector<16xi1>, vector<16xi32>
    %gt3A_1139 = arith.constant 0.00999999977 : f32
    %gt3A_1140 = vector.broadcast %gt3A_1139 : f32 to vector<16xf32>
    %gt3A_1141 = arith.cmpf ogt, %mul3A_1135, %gt3A_1140 : vector<16xf32>
    %and3A_1142 = arith.andi %eq3A_1129, %gt3A_1141 : vector<16xi1>
    %jit3A_1143 = arith.constant -2 : i32
    %broadcast_in_dim3A_1144 = vector.broadcast %jit3A_1143 : i32 to vector<16xi32>
    %select_n3A_1145 = arith.select %and3A_1142, %broadcast_in_dim3A_1144, %select_n3A_1138 : vector<16xi1>, vector<16xi32>
    %gt3A_1146 = arith.constant 2.000000e-02 : f32
    %gt3A_1147 = vector.broadcast %gt3A_1146 : f32 to vector<16xf32>
    %gt3A_1148 = arith.cmpf ogt, %mul3A_1135, %gt3A_1147 : vector<16xf32>
    %and3A_1149 = arith.andi %eq3A_1129, %gt3A_1148 : vector<16xi1>
    %jit3A_1150 = arith.constant -1 : i32
    %broadcast_in_dim3A_1151 = vector.broadcast %jit3A_1150 : i32 to vector<16xi32>
    %select_n3A_1152 = arith.select %and3A_1149, %broadcast_in_dim3A_1151, %select_n3A_1145 : vector<16xi1>, vector<16xi32>
    %get3A_1153 = arith.constant 352 : index
    %get3A_1154 = tpu.vector_load %arg9[%get3A_1153] {strides = array<i32>} : memref<512xf32, #tpu.memory_space<vmem>>, vector<16xf32>,
    %gt3A_1155 = arith.constant 5.000000e-01 : f32
    %gt3A_1156 = vector.broadcast %gt3A_1155 : f32 to vector<16xf32>
    %gt3A_1157 = arith.cmpf ogt, %get3A_1154, %gt3A_1156 : vector<16xf32>
    %jit3A_1158 = arith.constant -2 : i32
    %broadcast_in_dim3A_1159 = vector.broadcast %jit3A_1158 : i32 to vector<16xi32>
    %select_n3A_1160 = arith.select %gt3A_1157, %select_n3A_1152, %broadcast_in_dim3A_1159 : vector<16xi1>, vector<16xi32>
    %gt3A_1161 = arith.constant 5.000000e-01 : f32
    %gt3A_1162 = vector.broadcast %gt3A_1161 : f32 to vector<16xf32>
    %gt3A_1163 = arith.cmpf ogt, %gather3A_1125, %gt3A_1162 : vector<16xf32>
    %jit3A_1164 = arith.constant -2 : i32
    %broadcast_in_dim3A_1165 = vector.broadcast %jit3A_1164 : i32 to vector<16xi32>
    %select_n3A_1166 = arith.select %gt3A_1163, %select_n3A_1160, %broadcast_in_dim3A_1165 : vector<16xi1>, vector<16xi32>
    %swap3A_1167 = arith.constant 352 : index
    %swap3A_1168 = tpu.vector_load %arg13[%swap3A_1167] {strides = array<i32>} : memref<512xi32, #tpu.memory_space<vmem>>, vector<16xi32>,
    tpu.vector_store %arg13[%swap3A_1167], %select_n3A_1166 {strides = array<i32>} : memref<512xi32, #tpu.memory_space<vmem>>, vector<16xi32>,
    %get3A_1169 = arith.constant 368 : index
    %get3A_1170 = tpu.vector_load %arg7[%get3A_1169] {strides = array<i32>} : memref<512xi32, #tpu.memory_space<vmem>>, vector<16xi32>,
    %gather3A_1171 = tpu.vector_load_idx %arg10[%get3A_1170] : memref<2048xi32, #tpu.memory_space<vmem>>[vector<16xi32>], vector<16xi32>,
    %gather3A_1172 = tpu.vector_load_idx %arg11[%get3A_1170] : memref<2048xf32, #tpu.memory_space<vmem>>[vector<16xi32>], vector<16xf32>,
    %gather3A_1173 = tpu.vector_load_idx %arg12[%get3A_1170] : memref<2048xf32, #tpu.memory_space<vmem>>[vector<16xi32>], vector<16xf32>,
    %add3A_1174 = arith.constant 368 : i32
    %add3A_1175 = vector.broadcast %add3A_1174 : i32 to vector<16xi32>
    %add3A_1176 = arith.addi %add3A_69, %add3A_1175 : vector<16xi32>
    %eq3A_1177 = arith.cmpi eq, %gather3A_1171, %add3A_1176 : vector<16xi32>
    %get3A_1178 = arith.constant 368 : index
    %get3A_1179 = tpu.vector_load %arg8[%get3A_1178] {strides = array<i32>} : memref<512xf32, #tpu.memory_space<vmem>>, vector<16xf32>,
    %add3A_1180 = arith.addf %get3A_1179, %gather3A_1172 : vector<16xf32>
    %mul3A_1181 = arith.constant 5.000000e-01 : f32
    %mul3A_1182 = vector.broadcast %mul3A_1181 : f32 to vector<16xf32>
    %mul3A_1183 = arith.mulf %mul3A_1182, %add3A_1180 : vector<16xf32>
    %jit3A_1184 = arith.constant -1 : i32
    %broadcast_in_dim3A_1185 = vector.broadcast %jit3A_1184 : i32 to vector<16xi32>
    %select_n3A_1186 = arith.select %eq3A_1177, %get3A_1170, %broadcast_in_dim3A_1185 : vector<16xi1>, vector<16xi32>
    %gt3A_1187 = arith.constant 0.00999999977 : f32
    %gt3A_1188 = vector.broadcast %gt3A_1187 : f32 to vector<16xf32>
    %gt3A_1189 = arith.cmpf ogt, %mul3A_1183, %gt3A_1188 : vector<16xf32>
    %and3A_1190 = arith.andi %eq3A_1177, %gt3A_1189 : vector<16xi1>
    %jit3A_1191 = arith.constant -2 : i32
    %broadcast_in_dim3A_1192 = vector.broadcast %jit3A_1191 : i32 to vector<16xi32>
    %select_n3A_1193 = arith.select %and3A_1190, %broadcast_in_dim3A_1192, %select_n3A_1186 : vector<16xi1>, vector<16xi32>
    %gt3A_1194 = arith.constant 2.000000e-02 : f32
    %gt3A_1195 = vector.broadcast %gt3A_1194 : f32 to vector<16xf32>
    %gt3A_1196 = arith.cmpf ogt, %mul3A_1183, %gt3A_1195 : vector<16xf32>
    %and3A_1197 = arith.andi %eq3A_1177, %gt3A_1196 : vector<16xi1>
    %jit3A_1198 = arith.constant -1 : i32
    %broadcast_in_dim3A_1199 = vector.broadcast %jit3A_1198 : i32 to vector<16xi32>
    %select_n3A_1200 = arith.select %and3A_1197, %broadcast_in_dim3A_1199, %select_n3A_1193 : vector<16xi1>, vector<16xi32>
    %get3A_1201 = arith.constant 368 : index
    %get3A_1202 = tpu.vector_load %arg9[%get3A_1201] {strides = array<i32>} : memref<512xf32, #tpu.memory_space<vmem>>, vector<16xf32>,
    %gt3A_1203 = arith.constant 5.000000e-01 : f32
    %gt3A_1204 = vector.broadcast %gt3A_1203 : f32 to vector<16xf32>
    %gt3A_1205 = arith.cmpf ogt, %get3A_1202, %gt3A_1204 : vector<16xf32>
    %jit3A_1206 = arith.constant -2 : i32
    %broadcast_in_dim3A_1207 = vector.broadcast %jit3A_1206 : i32 to vector<16xi32>
    %select_n3A_1208 = arith.select %gt3A_1205, %select_n3A_1200, %broadcast_in_dim3A_1207 : vector<16xi1>, vector<16xi32>
    %gt3A_1209 = arith.constant 5.000000e-01 : f32
    %gt3A_1210 = vector.broadcast %gt3A_1209 : f32 to vector<16xf32>
    %gt3A_1211 = arith.cmpf ogt, %gather3A_1173, %gt3A_1210 : vector<16xf32>
    %jit3A_1212 = arith.constant -2 : i32
    %broadcast_in_dim3A_1213 = vector.broadcast %jit3A_1212 : i32 to vector<16xi32>
    %select_n3A_1214 = arith.select %gt3A_1211, %select_n3A_1208, %broadcast_in_dim3A_1213 : vector<16xi1>, vector<16xi32>
    %swap3A_1215 = arith.constant 368 : index
    %swap3A_1216 = tpu.vector_load %arg13[%swap3A_1215] {strides = array<i32>} : memref<512xi32, #tpu.memory_space<vmem>>, vector<16xi32>,
    tpu.vector_store %arg13[%swap3A_1215], %select_n3A_1214 {strides = array<i32>} : memref<512xi32, #tpu.memory_space<vmem>>, vector<16xi32>,
    %get3A_1217 = arith.constant 384 : index
    %get3A_1218 = tpu.vector_load %arg7[%get3A_1217] {strides = array<i32>} : memref<512xi32, #tpu.memory_space<vmem>>, vector<16xi32>,
    %gather3A_1219 = tpu.vector_load_idx %arg10[%get3A_1218] : memref<2048xi32, #tpu.memory_space<vmem>>[vector<16xi32>], vector<16xi32>,
    %gather3A_1220 = tpu.vector_load_idx %arg11[%get3A_1218] : memref<2048xf32, #tpu.memory_space<vmem>>[vector<16xi32>], vector<16xf32>,
    %gather3A_1221 = tpu.vector_load_idx %arg12[%get3A_1218] : memref<2048xf32, #tpu.memory_space<vmem>>[vector<16xi32>], vector<16xf32>,
    %add3A_1222 = arith.constant 384 : i32
    %add3A_1223 = vector.broadcast %add3A_1222 : i32 to vector<16xi32>
    %add3A_1224 = arith.addi %add3A_69, %add3A_1223 : vector<16xi32>
    %eq3A_1225 = arith.cmpi eq, %gather3A_1219, %add3A_1224 : vector<16xi32>
    %get3A_1226 = arith.constant 384 : index
    %get3A_1227 = tpu.vector_load %arg8[%get3A_1226] {strides = array<i32>} : memref<512xf32, #tpu.memory_space<vmem>>, vector<16xf32>,
    %add3A_1228 = arith.addf %get3A_1227, %gather3A_1220 : vector<16xf32>
    %mul3A_1229 = arith.constant 5.000000e-01 : f32
    %mul3A_1230 = vector.broadcast %mul3A_1229 : f32 to vector<16xf32>
    %mul3A_1231 = arith.mulf %mul3A_1230, %add3A_1228 : vector<16xf32>
    %jit3A_1232 = arith.constant -1 : i32
    %broadcast_in_dim3A_1233 = vector.broadcast %jit3A_1232 : i32 to vector<16xi32>
    %select_n3A_1234 = arith.select %eq3A_1225, %get3A_1218, %broadcast_in_dim3A_1233 : vector<16xi1>, vector<16xi32>
    %gt3A_1235 = arith.constant 0.00999999977 : f32
    %gt3A_1236 = vector.broadcast %gt3A_1235 : f32 to vector<16xf32>
    %gt3A_1237 = arith.cmpf ogt, %mul3A_1231, %gt3A_1236 : vector<16xf32>
    %and3A_1238 = arith.andi %eq3A_1225, %gt3A_1237 : vector<16xi1>
    %jit3A_1239 = arith.constant -2 : i32
    %broadcast_in_dim3A_1240 = vector.broadcast %jit3A_1239 : i32 to vector<16xi32>
    %select_n3A_1241 = arith.select %and3A_1238, %broadcast_in_dim3A_1240, %select_n3A_1234 : vector<16xi1>, vector<16xi32>
    %gt3A_1242 = arith.constant 2.000000e-02 : f32
    %gt3A_1243 = vector.broadcast %gt3A_1242 : f32 to vector<16xf32>
    %gt3A_1244 = arith.cmpf ogt, %mul3A_1231, %gt3A_1243 : vector<16xf32>
    %and3A_1245 = arith.andi %eq3A_1225, %gt3A_1244 : vector<16xi1>
    %jit3A_1246 = arith.constant -1 : i32
    %broadcast_in_dim3A_1247 = vector.broadcast %jit3A_1246 : i32 to vector<16xi32>
    %select_n3A_1248 = arith.select %and3A_1245, %broadcast_in_dim3A_1247, %select_n3A_1241 : vector<16xi1>, vector<16xi32>
    %get3A_1249 = arith.constant 384 : index
    %get3A_1250 = tpu.vector_load %arg9[%get3A_1249] {strides = array<i32>} : memref<512xf32, #tpu.memory_space<vmem>>, vector<16xf32>,
    %gt3A_1251 = arith.constant 5.000000e-01 : f32
    %gt3A_1252 = vector.broadcast %gt3A_1251 : f32 to vector<16xf32>
    %gt3A_1253 = arith.cmpf ogt, %get3A_1250, %gt3A_1252 : vector<16xf32>
    %jit3A_1254 = arith.constant -2 : i32
    %broadcast_in_dim3A_1255 = vector.broadcast %jit3A_1254 : i32 to vector<16xi32>
    %select_n3A_1256 = arith.select %gt3A_1253, %select_n3A_1248, %broadcast_in_dim3A_1255 : vector<16xi1>, vector<16xi32>
    %gt3A_1257 = arith.constant 5.000000e-01 : f32
    %gt3A_1258 = vector.broadcast %gt3A_1257 : f32 to vector<16xf32>
    %gt3A_1259 = arith.cmpf ogt, %gather3A_1221, %gt3A_1258 : vector<16xf32>
    %jit3A_1260 = arith.constant -2 : i32
    %broadcast_in_dim3A_1261 = vector.broadcast %jit3A_1260 : i32 to vector<16xi32>
    %select_n3A_1262 = arith.select %gt3A_1259, %select_n3A_1256, %broadcast_in_dim3A_1261 : vector<16xi1>, vector<16xi32>
    %swap3A_1263 = arith.constant 384 : index
    %swap3A_1264 = tpu.vector_load %arg13[%swap3A_1263] {strides = array<i32>} : memref<512xi32, #tpu.memory_space<vmem>>, vector<16xi32>,
    tpu.vector_store %arg13[%swap3A_1263], %select_n3A_1262 {strides = array<i32>} : memref<512xi32, #tpu.memory_space<vmem>>, vector<16xi32>,
    %get3A_1265 = arith.constant 400 : index
    %get3A_1266 = tpu.vector_load %arg7[%get3A_1265] {strides = array<i32>} : memref<512xi32, #tpu.memory_space<vmem>>, vector<16xi32>,
    %gather3A_1267 = tpu.vector_load_idx %arg10[%get3A_1266] : memref<2048xi32, #tpu.memory_space<vmem>>[vector<16xi32>], vector<16xi32>,
    %gather3A_1268 = tpu.vector_load_idx %arg11[%get3A_1266] : memref<2048xf32, #tpu.memory_space<vmem>>[vector<16xi32>], vector<16xf32>,
    %gather3A_1269 = tpu.vector_load_idx %arg12[%get3A_1266] : memref<2048xf32, #tpu.memory_space<vmem>>[vector<16xi32>], vector<16xf32>,
    %add3A_1270 = arith.constant 400 : i32
    %add3A_1271 = vector.broadcast %add3A_1270 : i32 to vector<16xi32>
    %add3A_1272 = arith.addi %add3A_69, %add3A_1271 : vector<16xi32>
    %eq3A_1273 = arith.cmpi eq, %gather3A_1267, %add3A_1272 : vector<16xi32>
    %get3A_1274 = arith.constant 400 : index
    %get3A_1275 = tpu.vector_load %arg8[%get3A_1274] {strides = array<i32>} : memref<512xf32, #tpu.memory_space<vmem>>, vector<16xf32>,
    %add3A_1276 = arith.addf %get3A_1275, %gather3A_1268 : vector<16xf32>
    %mul3A_1277 = arith.constant 5.000000e-01 : f32
    %mul3A_1278 = vector.broadcast %mul3A_1277 : f32 to vector<16xf32>
    %mul3A_1279 = arith.mulf %mul3A_1278, %add3A_1276 : vector<16xf32>
    %jit3A_1280 = arith.constant -1 : i32
    %broadcast_in_dim3A_1281 = vector.broadcast %jit3A_1280 : i32 to vector<16xi32>
    %select_n3A_1282 = arith.select %eq3A_1273, %get3A_1266, %broadcast_in_dim3A_1281 : vector<16xi1>, vector<16xi32>
    %gt3A_1283 = arith.constant 0.00999999977 : f32
    %gt3A_1284 = vector.broadcast %gt3A_1283 : f32 to vector<16xf32>
    %gt3A_1285 = arith.cmpf ogt, %mul3A_1279, %gt3A_1284 : vector<16xf32>
    %and3A_1286 = arith.andi %eq3A_1273, %gt3A_1285 : vector<16xi1>
    %jit3A_1287 = arith.constant -2 : i32
    %broadcast_in_dim3A_1288 = vector.broadcast %jit3A_1287 : i32 to vector<16xi32>
    %select_n3A_1289 = arith.select %and3A_1286, %broadcast_in_dim3A_1288, %select_n3A_1282 : vector<16xi1>, vector<16xi32>
    %gt3A_1290 = arith.constant 2.000000e-02 : f32
    %gt3A_1291 = vector.broadcast %gt3A_1290 : f32 to vector<16xf32>
    %gt3A_1292 = arith.cmpf ogt, %mul3A_1279, %gt3A_1291 : vector<16xf32>
    %and3A_1293 = arith.andi %eq3A_1273, %gt3A_1292 : vector<16xi1>
    %jit3A_1294 = arith.constant -1 : i32
    %broadcast_in_dim3A_1295 = vector.broadcast %jit3A_1294 : i32 to vector<16xi32>
    %select_n3A_1296 = arith.select %and3A_1293, %broadcast_in_dim3A_1295, %select_n3A_1289 : vector<16xi1>, vector<16xi32>
    %get3A_1297 = arith.constant 400 : index
    %get3A_1298 = tpu.vector_load %arg9[%get3A_1297] {strides = array<i32>} : memref<512xf32, #tpu.memory_space<vmem>>, vector<16xf32>,
    %gt3A_1299 = arith.constant 5.000000e-01 : f32
    %gt3A_1300 = vector.broadcast %gt3A_1299 : f32 to vector<16xf32>
    %gt3A_1301 = arith.cmpf ogt, %get3A_1298, %gt3A_1300 : vector<16xf32>
    %jit3A_1302 = arith.constant -2 : i32
    %broadcast_in_dim3A_1303 = vector.broadcast %jit3A_1302 : i32 to vector<16xi32>
    %select_n3A_1304 = arith.select %gt3A_1301, %select_n3A_1296, %broadcast_in_dim3A_1303 : vector<16xi1>, vector<16xi32>
    %gt3A_1305 = arith.constant 5.000000e-01 : f32
    %gt3A_1306 = vector.broadcast %gt3A_1305 : f32 to vector<16xf32>
    %gt3A_1307 = arith.cmpf ogt, %gather3A_1269, %gt3A_1306 : vector<16xf32>
    %jit3A_1308 = arith.constant -2 : i32
    %broadcast_in_dim3A_1309 = vector.broadcast %jit3A_1308 : i32 to vector<16xi32>
    %select_n3A_1310 = arith.select %gt3A_1307, %select_n3A_1304, %broadcast_in_dim3A_1309 : vector<16xi1>, vector<16xi32>
    %swap3A_1311 = arith.constant 400 : index
    %swap3A_1312 = tpu.vector_load %arg13[%swap3A_1311] {strides = array<i32>} : memref<512xi32, #tpu.memory_space<vmem>>, vector<16xi32>,
    tpu.vector_store %arg13[%swap3A_1311], %select_n3A_1310 {strides = array<i32>} : memref<512xi32, #tpu.memory_space<vmem>>, vector<16xi32>,
    %get3A_1313 = arith.constant 416 : index
    %get3A_1314 = tpu.vector_load %arg7[%get3A_1313] {strides = array<i32>} : memref<512xi32, #tpu.memory_space<vmem>>, vector<16xi32>,
    %gather3A_1315 = tpu.vector_load_idx %arg10[%get3A_1314] : memref<2048xi32, #tpu.memory_space<vmem>>[vector<16xi32>], vector<16xi32>,
    %gather3A_1316 = tpu.vector_load_idx %arg11[%get3A_1314] : memref<2048xf32, #tpu.memory_space<vmem>>[vector<16xi32>], vector<16xf32>,
    %gather3A_1317 = tpu.vector_load_idx %arg12[%get3A_1314] : memref<2048xf32, #tpu.memory_space<vmem>>[vector<16xi32>], vector<16xf32>,
    %add3A_1318 = arith.constant 416 : i32
    %add3A_1319 = vector.broadcast %add3A_1318 : i32 to vector<16xi32>
    %add3A_1320 = arith.addi %add3A_69, %add3A_1319 : vector<16xi32>
    %eq3A_1321 = arith.cmpi eq, %gather3A_1315, %add3A_1320 : vector<16xi32>
    %get3A_1322 = arith.constant 416 : index
    %get3A_1323 = tpu.vector_load %arg8[%get3A_1322] {strides = array<i32>} : memref<512xf32, #tpu.memory_space<vmem>>, vector<16xf32>,
    %add3A_1324 = arith.addf %get3A_1323, %gather3A_1316 : vector<16xf32>
    %mul3A_1325 = arith.constant 5.000000e-01 : f32
    %mul3A_1326 = vector.broadcast %mul3A_1325 : f32 to vector<16xf32>
    %mul3A_1327 = arith.mulf %mul3A_1326, %add3A_1324 : vector<16xf32>
    %jit3A_1328 = arith.constant -1 : i32
    %broadcast_in_dim3A_1329 = vector.broadcast %jit3A_1328 : i32 to vector<16xi32>
    %select_n3A_1330 = arith.select %eq3A_1321, %get3A_1314, %broadcast_in_dim3A_1329 : vector<16xi1>, vector<16xi32>
    %gt3A_1331 = arith.constant 0.00999999977 : f32
    %gt3A_1332 = vector.broadcast %gt3A_1331 : f32 to vector<16xf32>
    %gt3A_1333 = arith.cmpf ogt, %mul3A_1327, %gt3A_1332 : vector<16xf32>
    %and3A_1334 = arith.andi %eq3A_1321, %gt3A_1333 : vector<16xi1>
    %jit3A_1335 = arith.constant -2 : i32
    %broadcast_in_dim3A_1336 = vector.broadcast %jit3A_1335 : i32 to vector<16xi32>
    %select_n3A_1337 = arith.select %and3A_1334, %broadcast_in_dim3A_1336, %select_n3A_1330 : vector<16xi1>, vector<16xi32>
    %gt3A_1338 = arith.constant 2.000000e-02 : f32
    %gt3A_1339 = vector.broadcast %gt3A_1338 : f32 to vector<16xf32>
    %gt3A_1340 = arith.cmpf ogt, %mul3A_1327, %gt3A_1339 : vector<16xf32>
    %and3A_1341 = arith.andi %eq3A_1321, %gt3A_1340 : vector<16xi1>
    %jit3A_1342 = arith.constant -1 : i32
    %broadcast_in_dim3A_1343 = vector.broadcast %jit3A_1342 : i32 to vector<16xi32>
    %select_n3A_1344 = arith.select %and3A_1341, %broadcast_in_dim3A_1343, %select_n3A_1337 : vector<16xi1>, vector<16xi32>
    %get3A_1345 = arith.constant 416 : index
    %get3A_1346 = tpu.vector_load %arg9[%get3A_1345] {strides = array<i32>} : memref<512xf32, #tpu.memory_space<vmem>>, vector<16xf32>,
    %gt3A_1347 = arith.constant 5.000000e-01 : f32
    %gt3A_1348 = vector.broadcast %gt3A_1347 : f32 to vector<16xf32>
    %gt3A_1349 = arith.cmpf ogt, %get3A_1346, %gt3A_1348 : vector<16xf32>
    %jit3A_1350 = arith.constant -2 : i32
    %broadcast_in_dim3A_1351 = vector.broadcast %jit3A_1350 : i32 to vector<16xi32>
    %select_n3A_1352 = arith.select %gt3A_1349, %select_n3A_1344, %broadcast_in_dim3A_1351 : vector<16xi1>, vector<16xi32>
    %gt3A_1353 = arith.constant 5.000000e-01 : f32
    %gt3A_1354 = vector.broadcast %gt3A_1353 : f32 to vector<16xf32>
    %gt3A_1355 = arith.cmpf ogt, %gather3A_1317, %gt3A_1354 : vector<16xf32>
    %jit3A_1356 = arith.constant -2 : i32
    %broadcast_in_dim3A_1357 = vector.broadcast %jit3A_1356 : i32 to vector<16xi32>
    %select_n3A_1358 = arith.select %gt3A_1355, %select_n3A_1352, %broadcast_in_dim3A_1357 : vector<16xi1>, vector<16xi32>
    %swap3A_1359 = arith.constant 416 : index
    %swap3A_1360 = tpu.vector_load %arg13[%swap3A_1359] {strides = array<i32>} : memref<512xi32, #tpu.memory_space<vmem>>, vector<16xi32>,
    tpu.vector_store %arg13[%swap3A_1359], %select_n3A_1358 {strides = array<i32>} : memref<512xi32, #tpu.memory_space<vmem>>, vector<16xi32>,
    %get3A_1361 = arith.constant 432 : index
    %get3A_1362 = tpu.vector_load %arg7[%get3A_1361] {strides = array<i32>} : memref<512xi32, #tpu.memory_space<vmem>>, vector<16xi32>,
    %gather3A_1363 = tpu.vector_load_idx %arg10[%get3A_1362] : memref<2048xi32, #tpu.memory_space<vmem>>[vector<16xi32>], vector<16xi32>,
    %gather3A_1364 = tpu.vector_load_idx %arg11[%get3A_1362] : memref<2048xf32, #tpu.memory_space<vmem>>[vector<16xi32>], vector<16xf32>,
    %gather3A_1365 = tpu.vector_load_idx %arg12[%get3A_1362] : memref<2048xf32, #tpu.memory_space<vmem>>[vector<16xi32>], vector<16xf32>,
    %add3A_1366 = arith.constant 432 : i32
    %add3A_1367 = vector.broadcast %add3A_1366 : i32 to vector<16xi32>
    %add3A_1368 = arith.addi %add3A_69, %add3A_1367 : vector<16xi32>
    %eq3A_1369 = arith.cmpi eq, %gather3A_1363, %add3A_1368 : vector<16xi32>
    %get3A_1370 = arith.constant 432 : index
    %get3A_1371 = tpu.vector_load %arg8[%get3A_1370] {strides = array<i32>} : memref<512xf32, #tpu.memory_space<vmem>>, vector<16xf32>,
    %add3A_1372 = arith.addf %get3A_1371, %gather3A_1364 : vector<16xf32>
    %mul3A_1373 = arith.constant 5.000000e-01 : f32
    %mul3A_1374 = vector.broadcast %mul3A_1373 : f32 to vector<16xf32>
    %mul3A_1375 = arith.mulf %mul3A_1374, %add3A_1372 : vector<16xf32>
    %jit3A_1376 = arith.constant -1 : i32
    %broadcast_in_dim3A_1377 = vector.broadcast %jit3A_1376 : i32 to vector<16xi32>
    %select_n3A_1378 = arith.select %eq3A_1369, %get3A_1362, %broadcast_in_dim3A_1377 : vector<16xi1>, vector<16xi32>
    %gt3A_1379 = arith.constant 0.00999999977 : f32
    %gt3A_1380 = vector.broadcast %gt3A_1379 : f32 to vector<16xf32>
    %gt3A_1381 = arith.cmpf ogt, %mul3A_1375, %gt3A_1380 : vector<16xf32>
    %and3A_1382 = arith.andi %eq3A_1369, %gt3A_1381 : vector<16xi1>
    %jit3A_1383 = arith.constant -2 : i32
    %broadcast_in_dim3A_1384 = vector.broadcast %jit3A_1383 : i32 to vector<16xi32>
    %select_n3A_1385 = arith.select %and3A_1382, %broadcast_in_dim3A_1384, %select_n3A_1378 : vector<16xi1>, vector<16xi32>
    %gt3A_1386 = arith.constant 2.000000e-02 : f32
    %gt3A_1387 = vector.broadcast %gt3A_1386 : f32 to vector<16xf32>
    %gt3A_1388 = arith.cmpf ogt, %mul3A_1375, %gt3A_1387 : vector<16xf32>
    %and3A_1389 = arith.andi %eq3A_1369, %gt3A_1388 : vector<16xi1>
    %jit3A_1390 = arith.constant -1 : i32
    %broadcast_in_dim3A_1391 = vector.broadcast %jit3A_1390 : i32 to vector<16xi32>
    %select_n3A_1392 = arith.select %and3A_1389, %broadcast_in_dim3A_1391, %select_n3A_1385 : vector<16xi1>, vector<16xi32>
    %get3A_1393 = arith.constant 432 : index
    %get3A_1394 = tpu.vector_load %arg9[%get3A_1393] {strides = array<i32>} : memref<512xf32, #tpu.memory_space<vmem>>, vector<16xf32>,
    %gt3A_1395 = arith.constant 5.000000e-01 : f32
    %gt3A_1396 = vector.broadcast %gt3A_1395 : f32 to vector<16xf32>
    %gt3A_1397 = arith.cmpf ogt, %get3A_1394, %gt3A_1396 : vector<16xf32>
    %jit3A_1398 = arith.constant -2 : i32
    %broadcast_in_dim3A_1399 = vector.broadcast %jit3A_1398 : i32 to vector<16xi32>
    %select_n3A_1400 = arith.select %gt3A_1397, %select_n3A_1392, %broadcast_in_dim3A_1399 : vector<16xi1>, vector<16xi32>
    %gt3A_1401 = arith.constant 5.000000e-01 : f32
    %gt3A_1402 = vector.broadcast %gt3A_1401 : f32 to vector<16xf32>
    %gt3A_1403 = arith.cmpf ogt, %gather3A_1365, %gt3A_1402 : vector<16xf32>
    %jit3A_1404 = arith.constant -2 : i32
    %broadcast_in_dim3A_1405 = vector.broadcast %jit3A_1404 : i32 to vector<16xi32>
    %select_n3A_1406 = arith.select %gt3A_1403, %select_n3A_1400, %broadcast_in_dim3A_1405 : vector<16xi1>, vector<16xi32>
    %swap3A_1407 = arith.constant 432 : index
    %swap3A_1408 = tpu.vector_load %arg13[%swap3A_1407] {strides = array<i32>} : memref<512xi32, #tpu.memory_space<vmem>>, vector<16xi32>,
    tpu.vector_store %arg13[%swap3A_1407], %select_n3A_1406 {strides = array<i32>} : memref<512xi32, #tpu.memory_space<vmem>>, vector<16xi32>,
    %get3A_1409 = arith.constant 448 : index
    %get3A_1410 = tpu.vector_load %arg7[%get3A_1409] {strides = array<i32>} : memref<512xi32, #tpu.memory_space<vmem>>, vector<16xi32>,
    %gather3A_1411 = tpu.vector_load_idx %arg10[%get3A_1410] : memref<2048xi32, #tpu.memory_space<vmem>>[vector<16xi32>], vector<16xi32>,
    %gather3A_1412 = tpu.vector_load_idx %arg11[%get3A_1410] : memref<2048xf32, #tpu.memory_space<vmem>>[vector<16xi32>], vector<16xf32>,
    %gather3A_1413 = tpu.vector_load_idx %arg12[%get3A_1410] : memref<2048xf32, #tpu.memory_space<vmem>>[vector<16xi32>], vector<16xf32>,
    %add3A_1414 = arith.constant 448 : i32
    %add3A_1415 = vector.broadcast %add3A_1414 : i32 to vector<16xi32>
    %add3A_1416 = arith.addi %add3A_69, %add3A_1415 : vector<16xi32>
    %eq3A_1417 = arith.cmpi eq, %gather3A_1411, %add3A_1416 : vector<16xi32>
    %get3A_1418 = arith.constant 448 : index
    %get3A_1419 = tpu.vector_load %arg8[%get3A_1418] {strides = array<i32>} : memref<512xf32, #tpu.memory_space<vmem>>, vector<16xf32>,
    %add3A_1420 = arith.addf %get3A_1419, %gather3A_1412 : vector<16xf32>
    %mul3A_1421 = arith.constant 5.000000e-01 : f32
    %mul3A_1422 = vector.broadcast %mul3A_1421 : f32 to vector<16xf32>
    %mul3A_1423 = arith.mulf %mul3A_1422, %add3A_1420 : vector<16xf32>
    %jit3A_1424 = arith.constant -1 : i32
    %broadcast_in_dim3A_1425 = vector.broadcast %jit3A_1424 : i32 to vector<16xi32>
    %select_n3A_1426 = arith.select %eq3A_1417, %get3A_1410, %broadcast_in_dim3A_1425 : vector<16xi1>, vector<16xi32>
    %gt3A_1427 = arith.constant 0.00999999977 : f32
    %gt3A_1428 = vector.broadcast %gt3A_1427 : f32 to vector<16xf32>
    %gt3A_1429 = arith.cmpf ogt, %mul3A_1423, %gt3A_1428 : vector<16xf32>
    %and3A_1430 = arith.andi %eq3A_1417, %gt3A_1429 : vector<16xi1>
    %jit3A_1431 = arith.constant -2 : i32
    %broadcast_in_dim3A_1432 = vector.broadcast %jit3A_1431 : i32 to vector<16xi32>
    %select_n3A_1433 = arith.select %and3A_1430, %broadcast_in_dim3A_1432, %select_n3A_1426 : vector<16xi1>, vector<16xi32>
    %gt3A_1434 = arith.constant 2.000000e-02 : f32
    %gt3A_1435 = vector.broadcast %gt3A_1434 : f32 to vector<16xf32>
    %gt3A_1436 = arith.cmpf ogt, %mul3A_1423, %gt3A_1435 : vector<16xf32>
    %and3A_1437 = arith.andi %eq3A_1417, %gt3A_1436 : vector<16xi1>
    %jit3A_1438 = arith.constant -1 : i32
    %broadcast_in_dim3A_1439 = vector.broadcast %jit3A_1438 : i32 to vector<16xi32>
    %select_n3A_1440 = arith.select %and3A_1437, %broadcast_in_dim3A_1439, %select_n3A_1433 : vector<16xi1>, vector<16xi32>
    %get3A_1441 = arith.constant 448 : index
    %get3A_1442 = tpu.vector_load %arg9[%get3A_1441] {strides = array<i32>} : memref<512xf32, #tpu.memory_space<vmem>>, vector<16xf32>,
    %gt3A_1443 = arith.constant 5.000000e-01 : f32
    %gt3A_1444 = vector.broadcast %gt3A_1443 : f32 to vector<16xf32>
    %gt3A_1445 = arith.cmpf ogt, %get3A_1442, %gt3A_1444 : vector<16xf32>
    %jit3A_1446 = arith.constant -2 : i32
    %broadcast_in_dim3A_1447 = vector.broadcast %jit3A_1446 : i32 to vector<16xi32>
    %select_n3A_1448 = arith.select %gt3A_1445, %select_n3A_1440, %broadcast_in_dim3A_1447 : vector<16xi1>, vector<16xi32>
    %gt3A_1449 = arith.constant 5.000000e-01 : f32
    %gt3A_1450 = vector.broadcast %gt3A_1449 : f32 to vector<16xf32>
    %gt3A_1451 = arith.cmpf ogt, %gather3A_1413, %gt3A_1450 : vector<16xf32>
    %jit3A_1452 = arith.constant -2 : i32
    %broadcast_in_dim3A_1453 = vector.broadcast %jit3A_1452 : i32 to vector<16xi32>
    %select_n3A_1454 = arith.select %gt3A_1451, %select_n3A_1448, %broadcast_in_dim3A_1453 : vector<16xi1>, vector<16xi32>
    %swap3A_1455 = arith.constant 448 : index
    %swap3A_1456 = tpu.vector_load %arg13[%swap3A_1455] {strides = array<i32>} : memref<512xi32, #tpu.memory_space<vmem>>, vector<16xi32>,
    tpu.vector_store %arg13[%swap3A_1455], %select_n3A_1454 {strides = array<i32>} : memref<512xi32, #tpu.memory_space<vmem>>, vector<16xi32>,
    %get3A_1457 = arith.constant 464 : index
    %get3A_1458 = tpu.vector_load %arg7[%get3A_1457] {strides = array<i32>} : memref<512xi32, #tpu.memory_space<vmem>>, vector<16xi32>,
    %gather3A_1459 = tpu.vector_load_idx %arg10[%get3A_1458] : memref<2048xi32, #tpu.memory_space<vmem>>[vector<16xi32>], vector<16xi32>,
    %gather3A_1460 = tpu.vector_load_idx %arg11[%get3A_1458] : memref<2048xf32, #tpu.memory_space<vmem>>[vector<16xi32>], vector<16xf32>,
    %gather3A_1461 = tpu.vector_load_idx %arg12[%get3A_1458] : memref<2048xf32, #tpu.memory_space<vmem>>[vector<16xi32>], vector<16xf32>,
    %add3A_1462 = arith.constant 464 : i32
    %add3A_1463 = vector.broadcast %add3A_1462 : i32 to vector<16xi32>
    %add3A_1464 = arith.addi %add3A_69, %add3A_1463 : vector<16xi32>
    %eq3A_1465 = arith.cmpi eq, %gather3A_1459, %add3A_1464 : vector<16xi32>
    %get3A_1466 = arith.constant 464 : index
    %get3A_1467 = tpu.vector_load %arg8[%get3A_1466] {strides = array<i32>} : memref<512xf32, #tpu.memory_space<vmem>>, vector<16xf32>,
    %add3A_1468 = arith.addf %get3A_1467, %gather3A_1460 : vector<16xf32>
    %mul3A_1469 = arith.constant 5.000000e-01 : f32
    %mul3A_1470 = vector.broadcast %mul3A_1469 : f32 to vector<16xf32>
    %mul3A_1471 = arith.mulf %mul3A_1470, %add3A_1468 : vector<16xf32>
    %jit3A_1472 = arith.constant -1 : i32
    %broadcast_in_dim3A_1473 = vector.broadcast %jit3A_1472 : i32 to vector<16xi32>
    %select_n3A_1474 = arith.select %eq3A_1465, %get3A_1458, %broadcast_in_dim3A_1473 : vector<16xi1>, vector<16xi32>
    %gt3A_1475 = arith.constant 0.00999999977 : f32
    %gt3A_1476 = vector.broadcast %gt3A_1475 : f32 to vector<16xf32>
    %gt3A_1477 = arith.cmpf ogt, %mul3A_1471, %gt3A_1476 : vector<16xf32>
    %and3A_1478 = arith.andi %eq3A_1465, %gt3A_1477 : vector<16xi1>
    %jit3A_1479 = arith.constant -2 : i32
    %broadcast_in_dim3A_1480 = vector.broadcast %jit3A_1479 : i32 to vector<16xi32>
    %select_n3A_1481 = arith.select %and3A_1478, %broadcast_in_dim3A_1480, %select_n3A_1474 : vector<16xi1>, vector<16xi32>
    %gt3A_1482 = arith.constant 2.000000e-02 : f32
    %gt3A_1483 = vector.broadcast %gt3A_1482 : f32 to vector<16xf32>
    %gt3A_1484 = arith.cmpf ogt, %mul3A_1471, %gt3A_1483 : vector<16xf32>
    %and3A_1485 = arith.andi %eq3A_1465, %gt3A_1484 : vector<16xi1>
    %jit3A_1486 = arith.constant -1 : i32
    %broadcast_in_dim3A_1487 = vector.broadcast %jit3A_1486 : i32 to vector<16xi32>
    %select_n3A_1488 = arith.select %and3A_1485, %broadcast_in_dim3A_1487, %select_n3A_1481 : vector<16xi1>, vector<16xi32>
    %get3A_1489 = arith.constant 464 : index
    %get3A_1490 = tpu.vector_load %arg9[%get3A_1489] {strides = array<i32>} : memref<512xf32, #tpu.memory_space<vmem>>, vector<16xf32>,
    %gt3A_1491 = arith.constant 5.000000e-01 : f32
    %gt3A_1492 = vector.broadcast %gt3A_1491 : f32 to vector<16xf32>
    %gt3A_1493 = arith.cmpf ogt, %get3A_1490, %gt3A_1492 : vector<16xf32>
    %jit3A_1494 = arith.constant -2 : i32
    %broadcast_in_dim3A_1495 = vector.broadcast %jit3A_1494 : i32 to vector<16xi32>
    %select_n3A_1496 = arith.select %gt3A_1493, %select_n3A_1488, %broadcast_in_dim3A_1495 : vector<16xi1>, vector<16xi32>
    %gt3A_1497 = arith.constant 5.000000e-01 : f32
    %gt3A_1498 = vector.broadcast %gt3A_1497 : f32 to vector<16xf32>
    %gt3A_1499 = arith.cmpf ogt, %gather3A_1461, %gt3A_1498 : vector<16xf32>
    %jit3A_1500 = arith.constant -2 : i32
    %broadcast_in_dim3A_1501 = vector.broadcast %jit3A_1500 : i32 to vector<16xi32>
    %select_n3A_1502 = arith.select %gt3A_1499, %select_n3A_1496, %broadcast_in_dim3A_1501 : vector<16xi1>, vector<16xi32>
    %swap3A_1503 = arith.constant 464 : index
    %swap3A_1504 = tpu.vector_load %arg13[%swap3A_1503] {strides = array<i32>} : memref<512xi32, #tpu.memory_space<vmem>>, vector<16xi32>,
    tpu.vector_store %arg13[%swap3A_1503], %select_n3A_1502 {strides = array<i32>} : memref<512xi32, #tpu.memory_space<vmem>>, vector<16xi32>,
    %get3A_1505 = arith.constant 480 : index
    %get3A_1506 = tpu.vector_load %arg7[%get3A_1505] {strides = array<i32>} : memref<512xi32, #tpu.memory_space<vmem>>, vector<16xi32>,
    %gather3A_1507 = tpu.vector_load_idx %arg10[%get3A_1506] : memref<2048xi32, #tpu.memory_space<vmem>>[vector<16xi32>], vector<16xi32>,
    %gather3A_1508 = tpu.vector_load_idx %arg11[%get3A_1506] : memref<2048xf32, #tpu.memory_space<vmem>>[vector<16xi32>], vector<16xf32>,
    %gather3A_1509 = tpu.vector_load_idx %arg12[%get3A_1506] : memref<2048xf32, #tpu.memory_space<vmem>>[vector<16xi32>], vector<16xf32>,
    %add3A_1510 = arith.constant 480 : i32
    %add3A_1511 = vector.broadcast %add3A_1510 : i32 to vector<16xi32>
    %add3A_1512 = arith.addi %add3A_69, %add3A_1511 : vector<16xi32>
    %eq3A_1513 = arith.cmpi eq, %gather3A_1507, %add3A_1512 : vector<16xi32>
    %get3A_1514 = arith.constant 480 : index
    %get3A_1515 = tpu.vector_load %arg8[%get3A_1514] {strides = array<i32>} : memref<512xf32, #tpu.memory_space<vmem>>, vector<16xf32>,
    %add3A_1516 = arith.addf %get3A_1515, %gather3A_1508 : vector<16xf32>
    %mul3A_1517 = arith.constant 5.000000e-01 : f32
    %mul3A_1518 = vector.broadcast %mul3A_1517 : f32 to vector<16xf32>
    %mul3A_1519 = arith.mulf %mul3A_1518, %add3A_1516 : vector<16xf32>
    %jit3A_1520 = arith.constant -1 : i32
    %broadcast_in_dim3A_1521 = vector.broadcast %jit3A_1520 : i32 to vector<16xi32>
    %select_n3A_1522 = arith.select %eq3A_1513, %get3A_1506, %broadcast_in_dim3A_1521 : vector<16xi1>, vector<16xi32>
    %gt3A_1523 = arith.constant 0.00999999977 : f32
    %gt3A_1524 = vector.broadcast %gt3A_1523 : f32 to vector<16xf32>
    %gt3A_1525 = arith.cmpf ogt, %mul3A_1519, %gt3A_1524 : vector<16xf32>
    %and3A_1526 = arith.andi %eq3A_1513, %gt3A_1525 : vector<16xi1>
    %jit3A_1527 = arith.constant -2 : i32
    %broadcast_in_dim3A_1528 = vector.broadcast %jit3A_1527 : i32 to vector<16xi32>
    %select_n3A_1529 = arith.select %and3A_1526, %broadcast_in_dim3A_1528, %select_n3A_1522 : vector<16xi1>, vector<16xi32>
    %gt3A_1530 = arith.constant 2.000000e-02 : f32
    %gt3A_1531 = vector.broadcast %gt3A_1530 : f32 to vector<16xf32>
    %gt3A_1532 = arith.cmpf ogt, %mul3A_1519, %gt3A_1531 : vector<16xf32>
    %and3A_1533 = arith.andi %eq3A_1513, %gt3A_1532 : vector<16xi1>
    %jit3A_1534 = arith.constant -1 : i32
    %broadcast_in_dim3A_1535 = vector.broadcast %jit3A_1534 : i32 to vector<16xi32>
    %select_n3A_1536 = arith.select %and3A_1533, %broadcast_in_dim3A_1535, %select_n3A_1529 : vector<16xi1>, vector<16xi32>
    %get3A_1537 = arith.constant 480 : index
    %get3A_1538 = tpu.vector_load %arg9[%get3A_1537] {strides = array<i32>} : memref<512xf32, #tpu.memory_space<vmem>>, vector<16xf32>,
    %gt3A_1539 = arith.constant 5.000000e-01 : f32
    %gt3A_1540 = vector.broadcast %gt3A_1539 : f32 to vector<16xf32>
    %gt3A_1541 = arith.cmpf ogt, %get3A_1538, %gt3A_1540 : vector<16xf32>
    %jit3A_1542 = arith.constant -2 : i32
    %broadcast_in_dim3A_1543 = vector.broadcast %jit3A_1542 : i32 to vector<16xi32>
    %select_n3A_1544 = arith.select %gt3A_1541, %select_n3A_1536, %broadcast_in_dim3A_1543 : vector<16xi1>, vector<16xi32>
    %gt3A_1545 = arith.constant 5.000000e-01 : f32
    %gt3A_1546 = vector.broadcast %gt3A_1545 : f32 to vector<16xf32>
    %gt3A_1547 = arith.cmpf ogt, %gather3A_1509, %gt3A_1546 : vector<16xf32>
    %jit3A_1548 = arith.constant -2 : i32
    %broadcast_in_dim3A_1549 = vector.broadcast %jit3A_1548 : i32 to vector<16xi32>
    %select_n3A_1550 = arith.select %gt3A_1547, %select_n3A_1544, %broadcast_in_dim3A_1549 : vector<16xi1>, vector<16xi32>
    %swap3A_1551 = arith.constant 480 : index
    %swap3A_1552 = tpu.vector_load %arg13[%swap3A_1551] {strides = array<i32>} : memref<512xi32, #tpu.memory_space<vmem>>, vector<16xi32>,
    tpu.vector_store %arg13[%swap3A_1551], %select_n3A_1550 {strides = array<i32>} : memref<512xi32, #tpu.memory_space<vmem>>, vector<16xi32>,
    %get3A_1553 = arith.constant 496 : index
    %get3A_1554 = tpu.vector_load %arg7[%get3A_1553] {strides = array<i32>} : memref<512xi32, #tpu.memory_space<vmem>>, vector<16xi32>,
    %gather3A_1555 = tpu.vector_load_idx %arg10[%get3A_1554] : memref<2048xi32, #tpu.memory_space<vmem>>[vector<16xi32>], vector<16xi32>,
    %gather3A_1556 = tpu.vector_load_idx %arg11[%get3A_1554] : memref<2048xf32, #tpu.memory_space<vmem>>[vector<16xi32>], vector<16xf32>,
    %gather3A_1557 = tpu.vector_load_idx %arg12[%get3A_1554] : memref<2048xf32, #tpu.memory_space<vmem>>[vector<16xi32>], vector<16xf32>,
    %add3A_1558 = arith.constant 496 : i32
    %add3A_1559 = vector.broadcast %add3A_1558 : i32 to vector<16xi32>
    %add3A_1560 = arith.addi %add3A_69, %add3A_1559 : vector<16xi32>
    %eq3A_1561 = arith.cmpi eq, %gather3A_1555, %add3A_1560 : vector<16xi32>
    %get3A_1562 = arith.constant 496 : index
    %get3A_1563 = tpu.vector_load %arg8[%get3A_1562] {strides = array<i32>} : memref<512xf32, #tpu.memory_space<vmem>>, vector<16xf32>,
    %add3A_1564 = arith.addf %get3A_1563, %gather3A_1556 : vector<16xf32>
    %mul3A_1565 = arith.constant 5.000000e-01 : f32
    %mul3A_1566 = vector.broadcast %mul3A_1565 : f32 to vector<16xf32>
    %mul3A_1567 = arith.mulf %mul3A_1566, %add3A_1564 : vector<16xf32>
    %jit3A_1568 = arith.constant -1 : i32
    %broadcast_in_dim3A_1569 = vector.broadcast %jit3A_1568 : i32 to vector<16xi32>
    %select_n3A_1570 = arith.select %eq3A_1561, %get3A_1554, %broadcast_in_dim3A_1569 : vector<16xi1>, vector<16xi32>
    %gt3A_1571 = arith.constant 0.00999999977 : f32
    %gt3A_1572 = vector.broadcast %gt3A_1571 : f32 to vector<16xf32>
    %gt3A_1573 = arith.cmpf ogt, %mul3A_1567, %gt3A_1572 : vector<16xf32>
    %and3A_1574 = arith.andi %eq3A_1561, %gt3A_1573 : vector<16xi1>
    %jit3A_1575 = arith.constant -2 : i32
    %broadcast_in_dim3A_1576 = vector.broadcast %jit3A_1575 : i32 to vector<16xi32>
    %select_n3A_1577 = arith.select %and3A_1574, %broadcast_in_dim3A_1576, %select_n3A_1570 : vector<16xi1>, vector<16xi32>
    %gt3A_1578 = arith.constant 2.000000e-02 : f32
    %gt3A_1579 = vector.broadcast %gt3A_1578 : f32 to vector<16xf32>
    %gt3A_1580 = arith.cmpf ogt, %mul3A_1567, %gt3A_1579 : vector<16xf32>
    %and3A_1581 = arith.andi %eq3A_1561, %gt3A_1580 : vector<16xi1>
    %jit3A_1582 = arith.constant -1 : i32
    %broadcast_in_dim3A_1583 = vector.broadcast %jit3A_1582 : i32 to vector<16xi32>
    %select_n3A_1584 = arith.select %and3A_1581, %broadcast_in_dim3A_1583, %select_n3A_1577 : vector<16xi1>, vector<16xi32>
    %get3A_1585 = arith.constant 496 : index
    %get3A_1586 = tpu.vector_load %arg9[%get3A_1585] {strides = array<i32>} : memref<512xf32, #tpu.memory_space<vmem>>, vector<16xf32>,
    %gt3A_1587 = arith.constant 5.000000e-01 : f32
    %gt3A_1588 = vector.broadcast %gt3A_1587 : f32 to vector<16xf32>
    %gt3A_1589 = arith.cmpf ogt, %get3A_1586, %gt3A_1588 : vector<16xf32>
    %jit3A_1590 = arith.constant -2 : i32
    %broadcast_in_dim3A_1591 = vector.broadcast %jit3A_1590 : i32 to vector<16xi32>
    %select_n3A_1592 = arith.select %gt3A_1589, %select_n3A_1584, %broadcast_in_dim3A_1591 : vector<16xi1>, vector<16xi32>
    %gt3A_1593 = arith.constant 5.000000e-01 : f32
    %gt3A_1594 = vector.broadcast %gt3A_1593 : f32 to vector<16xf32>
    %gt3A_1595 = arith.cmpf ogt, %gather3A_1557, %gt3A_1594 : vector<16xf32>
    %jit3A_1596 = arith.constant -2 : i32
    %broadcast_in_dim3A_1597 = vector.broadcast %jit3A_1596 : i32 to vector<16xi32>
    %select_n3A_1598 = arith.select %gt3A_1595, %select_n3A_1592, %broadcast_in_dim3A_1597 : vector<16xi1>, vector<16xi32>
    %swap3A_1599 = arith.constant 496 : index
    %swap3A_1600 = tpu.vector_load %arg13[%swap3A_1599] {strides = array<i32>} : memref<512xi32, #tpu.memory_space<vmem>>, vector<16xi32>,
    tpu.vector_store %arg13[%swap3A_1599], %select_n3A_1598 {strides = array<i32>} : memref<512xi32, #tpu.memory_space<vmem>>, vector<16xi32>,
    %sub3A_1601 = arith.constant 4 : i32
    %sub3A_1602 = arith.subi %select_n3A, %sub3A_1601 : i32
    %mul3A_1603 = arith.constant 2048 : i32
    %mul3A_1604 = arith.muli %sub3A_1602, %mul3A_1603 : i32
    %mul3A_1605 = arith.constant 512 : i32
    %mul3A_1606 = arith.muli %select_n3A_30, %mul3A_1605 : i32
    %add3A_1607 = arith.addi %mul3A_1604, %mul3A_1606 : i32
    %lt3A_1608 = arith.constant 4 : i32
    %lt3A_1609 = arith.cmpi slt, %select_n3A, %lt3A_1608 : i32
    %convert_element_type3A = arith.extui %lt3A_1609 : i1 to i32
    %cond3A = arith.constant 0 : i32
    %cond3A_1610 = arith.cmpi ne, %convert_element_type3A, %cond3A : i32
    scf.if %cond3A_1610 {
      "tpu.region"() ({
        %run_scoped3A = tpu.sem_alloc : memref<!tpu.dma_semaphore, #tpu.memory_space<semaphore_mem>>
        %dma_start3A_1616 = tpu.memref_slice %arg5[%add3A_41] : memref<8192xi32, #tpu.memory_space<hbm>> -> memref<512xi32, #tpu.memory_space<hbm>>
        %dma_start3A_1617 = tpu.memref_slice %arg5[%add3A_41] : memref<8192xi32, #tpu.memory_space<hbm>> -> memref<512xi32, #tpu.memory_space<hbm>>
        tpu.enqueue_dma source(%arg13 : memref<512xi32, #tpu.memory_space<vmem>>) target(%dma_start3A_1617 : memref<512xi32, #tpu.memory_space<hbm>>) target_semaphore(%run_scoped3A : memref<!tpu.dma_semaphore, #tpu.memory_space<semaphore_mem>>)
        %dma_wait3A_1618 = tpu.memref_slice %arg5[%add3A_41] : memref<8192xi32, #tpu.memory_space<hbm>> -> memref<512xi32, #tpu.memory_space<hbm>>
        %dma_wait3A_1619 = tpu.memref_slice %arg5[%add3A_41] : memref<8192xi32, #tpu.memory_space<hbm>> -> memref<512xi32, #tpu.memory_space<hbm>>
        tpu.wait_dma2 semaphore(%run_scoped3A : memref<!tpu.dma_semaphore, #tpu.memory_space<semaphore_mem>>) src(%arg13 : memref<512xi32, #tpu.memory_space<vmem>>) dst(%dma_wait3A_1619 : memref<512xi32, #tpu.memory_space<hbm>>)
        tpu.yield
      }) : () -> ()
    } else {
    }
    %ge3A_1611 = arith.constant 4 : i32
    %ge3A_1612 = arith.cmpi sge, %select_n3A, %ge3A_1611 : i32
    %convert_element_type3A_1613 = arith.extui %ge3A_1612 : i1 to i32
    %cond3A_1614 = arith.constant 0 : i32
    %cond3A_1615 = arith.cmpi ne, %convert_element_type3A_1613, %cond3A_1614 : i32
    scf.if %cond3A_1615 {
      "tpu.region"() ({
        %run_scoped3A = tpu.sem_alloc : memref<!tpu.dma_semaphore, #tpu.memory_space<semaphore_mem>>
        %dma_start3A_1616 = tpu.memref_slice %arg6[%add3A_1607] : memref<8192xi32, #tpu.memory_space<hbm>> -> memref<512xi32, #tpu.memory_space<hbm>>
        %dma_start3A_1617 = tpu.memref_slice %arg6[%add3A_1607] : memref<8192xi32, #tpu.memory_space<hbm>> -> memref<512xi32, #tpu.memory_space<hbm>>
        tpu.enqueue_dma source(%arg13 : memref<512xi32, #tpu.memory_space<vmem>>) target(%dma_start3A_1617 : memref<512xi32, #tpu.memory_space<hbm>>) target_semaphore(%run_scoped3A : memref<!tpu.dma_semaphore, #tpu.memory_space<semaphore_mem>>)
        %dma_wait3A_1618 = tpu.memref_slice %arg6[%add3A_1607] : memref<8192xi32, #tpu.memory_space<hbm>> -> memref<512xi32, #tpu.memory_space<hbm>>
        %dma_wait3A_1619 = tpu.memref_slice %arg6[%add3A_1607] : memref<8192xi32, #tpu.memory_space<hbm>> -> memref<512xi32, #tpu.memory_space<hbm>>
        tpu.wait_dma2 semaphore(%run_scoped3A : memref<!tpu.dma_semaphore, #tpu.memory_space<semaphore_mem>>) src(%arg13 : memref<512xi32, #tpu.memory_space<vmem>>) dst(%dma_wait3A_1619 : memref<512xi32, #tpu.memory_space<hbm>>)
        tpu.yield
      }) : () -> ()
    } else {
    }
    return
  }
}

#map = affine_map<(d0, d1) -> (0, 0, 0)>
module attributes {stable_mosaic.version = 14 : i64} {
  func.func @_sc_copy_kernel(%arg0: i32, %arg1: i32, %arg2: memref<4x256x2048xf32, #tpu.memory_space<hbm>>, %arg3: memref<4x256x2048xf32, #tpu.memory_space<hbm>>, %arg4: memref<4x256x2048xf32, #tpu.memory_space<hbm>>, %arg5: memref<4x256x2048xf32, #tpu.memory_space<hbm>>, %arg6: memref<32x2048xf32, #tpu.memory_space<vmem>>) attributes {dimension_semantics = [#tpu.dimension_semantics<core_parallel>, #tpu.dimension_semantics<subcore_parallel>], iteration_bounds = array<i64: 2, 16>, scalar_prefetch = 0 : i64, scratch_operands = 1 : i64, tpu.core_type = #tpu.core_type<sc_vector_subcore>, window_params = [{transform_indices = #map}, {transform_indices = #map}, {transform_indices = #map}, {transform_indices = #map}]} {
    %mul3A = arith.constant 2 : i32
    %mul3A_0 = arith.muli %arg1, %mul3A : i32
    %add3A = arith.addi %mul3A_0, %arg0 : i32
    %jit3A = arith.constant 8 : i32
    %div3A = arith.divsi %add3A, %jit3A : i32
    %sign3A = arith.constant 0 : i32
    %sign3A_1 = arith.cmpi sgt, %add3A, %sign3A : i32
    %sign3A_2 = arith.extui %sign3A_1 : i1 to i32
    %sign3A_3 = arith.constant 0 : i32
    %sign3A_4 = arith.cmpi slt, %add3A, %sign3A_3 : i32
    %sign3A_5 = arith.extui %sign3A_4 : i1 to i32
    %sign3A_6 = arith.subi %sign3A_2, %sign3A_5 : i32
    %sign3A_7 = arith.constant 0 : i32
    %sign3A_8 = arith.cmpi sgt, %jit3A, %sign3A_7 : i32
    %sign3A_9 = arith.extui %sign3A_8 : i1 to i32
    %sign3A_10 = arith.constant 0 : i32
    %sign3A_11 = arith.cmpi slt, %jit3A, %sign3A_10 : i32
    %sign3A_12 = arith.extui %sign3A_11 : i1 to i32
    %sign3A_13 = arith.subi %sign3A_9, %sign3A_12 : i32
    %ne3A = arith.cmpi ne, %sign3A_6, %sign3A_13 : i32
    %rem3A = arith.remsi %add3A, %jit3A : i32
    %ne3A_14 = arith.constant 0 : i32
    %ne3A_15 = arith.cmpi ne, %rem3A, %ne3A_14 : i32
    %and3A = arith.andi %ne3A, %ne3A_15 : i1
    %sub3A = arith.constant 1 : i32
    %sub3A_16 = arith.subi %div3A, %sub3A : i32
    %select_n3A = arith.select %and3A, %sub3A_16, %div3A : i32
    %jit3A_17 = arith.constant 8 : i32
    %eq3A = arith.constant 0 : i32
    %eq3A_18 = arith.cmpi eq, %jit3A_17, %eq3A : i32
    %jit3A_19 = arith.constant 1 : i32
    %select_n3A_20 = arith.select %eq3A_18, %jit3A_19, %jit3A_17 : i32
    %rem3A_21 = arith.remsi %add3A, %select_n3A_20 : i32
    %ne3A_22 = arith.constant 0 : i32
    %ne3A_23 = arith.cmpi ne, %rem3A_21, %ne3A_22 : i32
    %lt3A = arith.constant 0 : i32
    %lt3A_24 = arith.cmpi slt, %rem3A_21, %lt3A : i32
    %lt3A_25 = arith.constant 0 : i32
    %lt3A_26 = arith.cmpi slt, %select_n3A_20, %lt3A_25 : i32
    %ne3A_27 = arith.xori %lt3A_24, %lt3A_26 : i1
    %and3A_28 = arith.andi %ne3A_27, %ne3A_23 : i1
    %add3A_29 = arith.addi %rem3A_21, %select_n3A_20 : i32
    %select_n3A_30 = arith.select %and3A_28, %add3A_29, %rem3A_21 : i32
    %mul3A_31 = arith.constant 32 : i32
    %mul3A_32 = arith.muli %select_n3A_30, %mul3A_31 : i32
    "tpu.region"() ({
      %run_scoped3A = tpu.sem_alloc : memref<!tpu.dma_semaphore, #tpu.memory_space<semaphore_mem>>
      %dma_start3A = arith.constant 0 : i32
      %dma_start3A_33 = tpu.memref_slice %arg2[%select_n3A, %mul3A_32, %dma_start3A] : memref<4x256x2048xf32, #tpu.memory_space<hbm>> -> memref<1x32x2048xf32, #tpu.memory_space<hbm>>
      %dma_start3A_34 = tpu.memref_squeeze %dma_start3A_33 : memref<1x32x2048xf32, #tpu.memory_space<hbm>> -> memref<32x2048xf32, #tpu.memory_space<hbm>>
      %dma_start3A_35 = arith.constant 0 : i32
      %dma_start3A_36 = tpu.memref_slice %arg2[%select_n3A, %mul3A_32, %dma_start3A_35] : memref<4x256x2048xf32, #tpu.memory_space<hbm>> -> memref<1x32x2048xf32, #tpu.memory_space<hbm>>
      %dma_start3A_37 = tpu.memref_squeeze %dma_start3A_36 : memref<1x32x2048xf32, #tpu.memory_space<hbm>> -> memref<32x2048xf32, #tpu.memory_space<hbm>>
      tpu.enqueue_dma source(%dma_start3A_37 : memref<32x2048xf32, #tpu.memory_space<hbm>>) target(%arg6 : memref<32x2048xf32, #tpu.memory_space<vmem>>) target_semaphore(%run_scoped3A : memref<!tpu.dma_semaphore, #tpu.memory_space<semaphore_mem>>)
      %dma_wait3A = arith.constant 0 : i32
      %dma_wait3A_38 = tpu.memref_slice %arg2[%select_n3A, %mul3A_32, %dma_wait3A] : memref<4x256x2048xf32, #tpu.memory_space<hbm>> -> memref<1x32x2048xf32, #tpu.memory_space<hbm>>
      %dma_wait3A_39 = tpu.memref_squeeze %dma_wait3A_38 : memref<1x32x2048xf32, #tpu.memory_space<hbm>> -> memref<32x2048xf32, #tpu.memory_space<hbm>>
      %dma_wait3A_40 = arith.constant 0 : i32
      %dma_wait3A_41 = tpu.memref_slice %arg2[%select_n3A, %mul3A_32, %dma_wait3A_40] : memref<4x256x2048xf32, #tpu.memory_space<hbm>> -> memref<1x32x2048xf32, #tpu.memory_space<hbm>>
      %dma_wait3A_42 = tpu.memref_squeeze %dma_wait3A_41 : memref<1x32x2048xf32, #tpu.memory_space<hbm>> -> memref<32x2048xf32, #tpu.memory_space<hbm>>
      tpu.wait_dma2 semaphore(%run_scoped3A : memref<!tpu.dma_semaphore, #tpu.memory_space<semaphore_mem>>) src(%dma_wait3A_42 : memref<32x2048xf32, #tpu.memory_space<hbm>>) dst(%arg6 : memref<32x2048xf32, #tpu.memory_space<vmem>>)
      tpu.yield
    }) : () -> ()
    "tpu.region"() ({
      %run_scoped3A = tpu.sem_alloc : memref<!tpu.dma_semaphore, #tpu.memory_space<semaphore_mem>>
      %dma_start3A = arith.constant 0 : i32
      %dma_start3A_33 = tpu.memref_slice %arg4[%select_n3A, %mul3A_32, %dma_start3A] : memref<4x256x2048xf32, #tpu.memory_space<hbm>> -> memref<1x32x2048xf32, #tpu.memory_space<hbm>>
      %dma_start3A_34 = tpu.memref_squeeze %dma_start3A_33 : memref<1x32x2048xf32, #tpu.memory_space<hbm>> -> memref<32x2048xf32, #tpu.memory_space<hbm>>
      %dma_start3A_35 = arith.constant 0 : i32
      %dma_start3A_36 = tpu.memref_slice %arg4[%select_n3A, %mul3A_32, %dma_start3A_35] : memref<4x256x2048xf32, #tpu.memory_space<hbm>> -> memref<1x32x2048xf32, #tpu.memory_space<hbm>>
      %dma_start3A_37 = tpu.memref_squeeze %dma_start3A_36 : memref<1x32x2048xf32, #tpu.memory_space<hbm>> -> memref<32x2048xf32, #tpu.memory_space<hbm>>
      tpu.enqueue_dma source(%arg6 : memref<32x2048xf32, #tpu.memory_space<vmem>>) target(%dma_start3A_37 : memref<32x2048xf32, #tpu.memory_space<hbm>>) target_semaphore(%run_scoped3A : memref<!tpu.dma_semaphore, #tpu.memory_space<semaphore_mem>>)
      %dma_wait3A = arith.constant 0 : i32
      %dma_wait3A_38 = tpu.memref_slice %arg4[%select_n3A, %mul3A_32, %dma_wait3A] : memref<4x256x2048xf32, #tpu.memory_space<hbm>> -> memref<1x32x2048xf32, #tpu.memory_space<hbm>>
      %dma_wait3A_39 = tpu.memref_squeeze %dma_wait3A_38 : memref<1x32x2048xf32, #tpu.memory_space<hbm>> -> memref<32x2048xf32, #tpu.memory_space<hbm>>
      %dma_wait3A_40 = arith.constant 0 : i32
      %dma_wait3A_41 = tpu.memref_slice %arg4[%select_n3A, %mul3A_32, %dma_wait3A_40] : memref<4x256x2048xf32, #tpu.memory_space<hbm>> -> memref<1x32x2048xf32, #tpu.memory_space<hbm>>
      %dma_wait3A_42 = tpu.memref_squeeze %dma_wait3A_41 : memref<1x32x2048xf32, #tpu.memory_space<hbm>> -> memref<32x2048xf32, #tpu.memory_space<hbm>>
      tpu.wait_dma2 semaphore(%run_scoped3A : memref<!tpu.dma_semaphore, #tpu.memory_space<semaphore_mem>>) src(%arg6 : memref<32x2048xf32, #tpu.memory_space<vmem>>) dst(%dma_wait3A_42 : memref<32x2048xf32, #tpu.memory_space<hbm>>)
      tpu.yield
    }) : () -> ()
    "tpu.region"() ({
      %run_scoped3A = tpu.sem_alloc : memref<!tpu.dma_semaphore, #tpu.memory_space<semaphore_mem>>
      %dma_start3A = arith.constant 0 : i32
      %dma_start3A_33 = tpu.memref_slice %arg3[%select_n3A, %mul3A_32, %dma_start3A] : memref<4x256x2048xf32, #tpu.memory_space<hbm>> -> memref<1x32x2048xf32, #tpu.memory_space<hbm>>
      %dma_start3A_34 = tpu.memref_squeeze %dma_start3A_33 : memref<1x32x2048xf32, #tpu.memory_space<hbm>> -> memref<32x2048xf32, #tpu.memory_space<hbm>>
      %dma_start3A_35 = arith.constant 0 : i32
      %dma_start3A_36 = tpu.memref_slice %arg3[%select_n3A, %mul3A_32, %dma_start3A_35] : memref<4x256x2048xf32, #tpu.memory_space<hbm>> -> memref<1x32x2048xf32, #tpu.memory_space<hbm>>
      %dma_start3A_37 = tpu.memref_squeeze %dma_start3A_36 : memref<1x32x2048xf32, #tpu.memory_space<hbm>> -> memref<32x2048xf32, #tpu.memory_space<hbm>>
      tpu.enqueue_dma source(%dma_start3A_37 : memref<32x2048xf32, #tpu.memory_space<hbm>>) target(%arg6 : memref<32x2048xf32, #tpu.memory_space<vmem>>) target_semaphore(%run_scoped3A : memref<!tpu.dma_semaphore, #tpu.memory_space<semaphore_mem>>)
      %dma_wait3A = arith.constant 0 : i32
      %dma_wait3A_38 = tpu.memref_slice %arg3[%select_n3A, %mul3A_32, %dma_wait3A] : memref<4x256x2048xf32, #tpu.memory_space<hbm>> -> memref<1x32x2048xf32, #tpu.memory_space<hbm>>
      %dma_wait3A_39 = tpu.memref_squeeze %dma_wait3A_38 : memref<1x32x2048xf32, #tpu.memory_space<hbm>> -> memref<32x2048xf32, #tpu.memory_space<hbm>>
      %dma_wait3A_40 = arith.constant 0 : i32
      %dma_wait3A_41 = tpu.memref_slice %arg3[%select_n3A, %mul3A_32, %dma_wait3A_40] : memref<4x256x2048xf32, #tpu.memory_space<hbm>> -> memref<1x32x2048xf32, #tpu.memory_space<hbm>>
      %dma_wait3A_42 = tpu.memref_squeeze %dma_wait3A_41 : memref<1x32x2048xf32, #tpu.memory_space<hbm>> -> memref<32x2048xf32, #tpu.memory_space<hbm>>
      tpu.wait_dma2 semaphore(%run_scoped3A : memref<!tpu.dma_semaphore, #tpu.memory_space<semaphore_mem>>) src(%dma_wait3A_42 : memref<32x2048xf32, #tpu.memory_space<hbm>>) dst(%arg6 : memref<32x2048xf32, #tpu.memory_space<vmem>>)
      tpu.yield
    }) : () -> ()
    "tpu.region"() ({
      %run_scoped3A = tpu.sem_alloc : memref<!tpu.dma_semaphore, #tpu.memory_space<semaphore_mem>>
      %dma_start3A = arith.constant 0 : i32
      %dma_start3A_33 = tpu.memref_slice %arg5[%select_n3A, %mul3A_32, %dma_start3A] : memref<4x256x2048xf32, #tpu.memory_space<hbm>> -> memref<1x32x2048xf32, #tpu.memory_space<hbm>>
      %dma_start3A_34 = tpu.memref_squeeze %dma_start3A_33 : memref<1x32x2048xf32, #tpu.memory_space<hbm>> -> memref<32x2048xf32, #tpu.memory_space<hbm>>
      %dma_start3A_35 = arith.constant 0 : i32
      %dma_start3A_36 = tpu.memref_slice %arg5[%select_n3A, %mul3A_32, %dma_start3A_35] : memref<4x256x2048xf32, #tpu.memory_space<hbm>> -> memref<1x32x2048xf32, #tpu.memory_space<hbm>>
      %dma_start3A_37 = tpu.memref_squeeze %dma_start3A_36 : memref<1x32x2048xf32, #tpu.memory_space<hbm>> -> memref<32x2048xf32, #tpu.memory_space<hbm>>
      tpu.enqueue_dma source(%arg6 : memref<32x2048xf32, #tpu.memory_space<vmem>>) target(%dma_start3A_37 : memref<32x2048xf32, #tpu.memory_space<hbm>>) target_semaphore(%run_scoped3A : memref<!tpu.dma_semaphore, #tpu.memory_space<semaphore_mem>>)
      %dma_wait3A = arith.constant 0 : i32
      %dma_wait3A_38 = tpu.memref_slice %arg5[%select_n3A, %mul3A_32, %dma_wait3A] : memref<4x256x2048xf32, #tpu.memory_space<hbm>> -> memref<1x32x2048xf32, #tpu.memory_space<hbm>>
      %dma_wait3A_39 = tpu.memref_squeeze %dma_wait3A_38 : memref<1x32x2048xf32, #tpu.memory_space<hbm>> -> memref<32x2048xf32, #tpu.memory_space<hbm>>
      %dma_wait3A_40 = arith.constant 0 : i32
      %dma_wait3A_41 = tpu.memref_slice %arg5[%select_n3A, %mul3A_32, %dma_wait3A_40] : memref<4x256x2048xf32, #tpu.memory_space<hbm>> -> memref<1x32x2048xf32, #tpu.memory_space<hbm>>
      %dma_wait3A_42 = tpu.memref_squeeze %dma_wait3A_41 : memref<1x32x2048xf32, #tpu.memory_space<hbm>> -> memref<32x2048xf32, #tpu.memory_space<hbm>>
      tpu.wait_dma2 semaphore(%run_scoped3A : memref<!tpu.dma_semaphore, #tpu.memory_space<semaphore_mem>>) src(%arg6 : memref<32x2048xf32, #tpu.memory_space<vmem>>) dst(%dma_wait3A_42 : memref<32x2048xf32, #tpu.memory_space<hbm>>)
      tpu.yield
    }) : () -> ()
    return
  }
}

module attributes {stable_mosaic.version = 14 : i64} {
  func.func @_dist_kernel(%arg0: i32, %arg1: memref<16x2048xf32, #tpu.memory_space<vmem>>, %arg2: memref<2048x16xf32, #tpu.memory_space<vmem>>, %arg3: memref<8x2048xf32, #tpu.memory_space<vmem>>, %arg4: memref<8x2048xi32, #tpu.memory_space<vmem>>, %arg5: memref<2048x1xf32, #tpu.memory_space<vmem>>, %arg6: memref<2048x1xf32, #tpu.memory_space<vmem>>) attributes {dimension_semantics = [#tpu.dimension_semantics<arbitrary>], iteration_bounds = array<i64: 8>, scalar_prefetch = 0 : i64, scratch_operands = 2 : i64, tpu.core_type = #tpu.core_type<tc>, window_params = [{pipeline_mode = #tpu.pipeline_mode<synchronous>, transform_indices = @transform_0, window_bounds = array<i64: 16, 2048>}, {pipeline_mode = #tpu.pipeline_mode<synchronous>, transform_indices = @transform_1, window_bounds = array<i64: 2048, 16>}, {pipeline_mode = #tpu.pipeline_mode<synchronous>, transform_indices = @transform_2, window_bounds = array<i64: 8, 2048>}, {pipeline_mode = #tpu.pipeline_mode<synchronous>, transform_indices = @transform_3, window_bounds = array<i64: 8, 2048>}]} {
    %iota3A = tpu.iota {dimensions = array<i32: 0>} : vector<16x1xi32>
    %get3A = arith.constant 0 : index
    %get3A_0 = arith.constant 0 : index
    %get3A_1 = vector.load %arg1[%get3A, %get3A_0] : memref<16x2048xf32, #tpu.memory_space<vmem>>, vector<16x2048xf32>
    %mul3A = arith.constant 2 : i32
    %mul3A_2 = arith.muli %mul3A, %arg0 : i32
    %eq3A = vector.broadcast %mul3A_2 : i32 to vector<16x1xi32>
    %eq3A_3 = arith.cmpi eq, %iota3A, %eq3A : vector<16x1xi32>
    %jit3A = arith.constant 0.000000e+00 : f32
    %broadcast_in_dim3A = vector.shape_cast %eq3A_3 : vector<16x1xi1> to vector<16x1xi1>
    %broadcast_in_dim3A_4 = vector.broadcast %broadcast_in_dim3A : vector<16x1xi1> to vector<16x2048xi1>
    %broadcast_in_dim3A_5 = vector.broadcast %jit3A : f32 to vector<16x2048xf32>
    %select_n3A = arith.select %broadcast_in_dim3A_4, %get3A_1, %broadcast_in_dim3A_5 : vector<16x2048xi1>, vector<16x2048xf32>
    %reduce_sum3A = arith.constant dense<0.000000e+00> : vector<2048xf32>
    %reduce_sum3A_6 = vector.multi_reduction <add>, %select_n3A, %reduce_sum3A [0] : vector<16x2048xf32> to vector<2048xf32>
    %broadcast_in_dim3A_7 = vector.shape_cast %reduce_sum3A_6 : vector<2048xf32> to vector<1x2048xf32>
    %mul3A_8 = arith.constant 2 : i32
    %mul3A_9 = arith.muli %mul3A_8, %arg0 : i32
    %add3A = arith.constant 1 : i32
    %add3A_10 = arith.addi %mul3A_9, %add3A : i32
    %eq3A_11 = vector.broadcast %add3A_10 : i32 to vector<16x1xi32>
    %eq3A_12 = arith.cmpi eq, %iota3A, %eq3A_11 : vector<16x1xi32>
    %jit3A_13 = arith.constant 0.000000e+00 : f32
    %broadcast_in_dim3A_14 = vector.shape_cast %eq3A_12 : vector<16x1xi1> to vector<16x1xi1>
    %broadcast_in_dim3A_15 = vector.broadcast %broadcast_in_dim3A_14 : vector<16x1xi1> to vector<16x2048xi1>
    %broadcast_in_dim3A_16 = vector.broadcast %jit3A_13 : f32 to vector<16x2048xf32>
    %select_n3A_17 = arith.select %broadcast_in_dim3A_15, %get3A_1, %broadcast_in_dim3A_16 : vector<16x2048xi1>, vector<16x2048xf32>
    %reduce_sum3A_18 = arith.constant dense<0.000000e+00> : vector<2048xf32>
    %reduce_sum3A_19 = vector.multi_reduction <add>, %select_n3A_17, %reduce_sum3A_18 [0] : vector<16x2048xf32> to vector<2048xf32>
    %broadcast_in_dim3A_20 = vector.shape_cast %reduce_sum3A_19 : vector<2048xf32> to vector<1x2048xf32>
    %iota3A_21 = tpu.iota {dimensions = array<i32: 1>} : vector<1x16xi32>
    %get3A_22 = arith.constant 0 : index
    %get3A_23 = arith.constant 0 : index
    %get3A_24 = vector.load %arg2[%get3A_22, %get3A_23] : memref<2048x16xf32, #tpu.memory_space<vmem>>, vector<2048x16xf32>
    %mul3A_25 = arith.constant 2 : i32
    %mul3A_26 = arith.muli %mul3A_25, %arg0 : i32
    %eq3A_27 = vector.broadcast %mul3A_26 : i32 to vector<1x16xi32>
    %eq3A_28 = arith.cmpi eq, %iota3A_21, %eq3A_27 : vector<1x16xi32>
    %jit3A_29 = arith.constant 0.000000e+00 : f32
    %broadcast_in_dim3A_30 = vector.shape_cast %eq3A_28 : vector<1x16xi1> to vector<1x16xi1>
    %broadcast_in_dim3A_31 = vector.broadcast %broadcast_in_dim3A_30 : vector<1x16xi1> to vector<2048x16xi1>
    %broadcast_in_dim3A_32 = vector.broadcast %jit3A_29 : f32 to vector<2048x16xf32>
    %select_n3A_33 = arith.select %broadcast_in_dim3A_31, %get3A_24, %broadcast_in_dim3A_32 : vector<2048x16xi1>, vector<2048x16xf32>
    %reduce_sum3A_34 = arith.constant dense<0.000000e+00> : vector<2048xf32>
    %reduce_sum3A_35 = vector.multi_reduction <add>, %select_n3A_33, %reduce_sum3A_34 [1] : vector<2048x16xf32> to vector<2048xf32>
    %broadcast_in_dim3A_36 = vector.shape_cast %reduce_sum3A_35 : vector<2048xf32> to vector<2048x1xf32>
    %swap3A = arith.constant 0 : index
    %swap3A_37 = arith.constant 0 : index
    %swap3A_38 = vector.load %arg5[%swap3A, %swap3A_37] : memref<2048x1xf32, #tpu.memory_space<vmem>>, vector<2048x1xf32>
    tpu.vector_store %arg5[%swap3A, %swap3A_37], %broadcast_in_dim3A_36 {strides = array<i32>} : memref<2048x1xf32, #tpu.memory_space<vmem>>, vector<2048x1xf32>,
    %mul3A_39 = arith.constant 2 : i32
    %mul3A_40 = arith.muli %mul3A_39, %arg0 : i32
    %add3A_41 = arith.constant 1 : i32
    %add3A_42 = arith.addi %mul3A_40, %add3A_41 : i32
    %eq3A_43 = vector.broadcast %add3A_42 : i32 to vector<1x16xi32>
    %eq3A_44 = arith.cmpi eq, %iota3A_21, %eq3A_43 : vector<1x16xi32>
    %jit3A_45 = arith.constant 0.000000e+00 : f32
    %broadcast_in_dim3A_46 = vector.shape_cast %eq3A_44 : vector<1x16xi1> to vector<1x16xi1>
    %broadcast_in_dim3A_47 = vector.broadcast %broadcast_in_dim3A_46 : vector<1x16xi1> to vector<2048x16xi1>
    %broadcast_in_dim3A_48 = vector.broadcast %jit3A_45 : f32 to vector<2048x16xf32>
    %select_n3A_49 = arith.select %broadcast_in_dim3A_47, %get3A_24, %broadcast_in_dim3A_48 : vector<2048x16xi1>, vector<2048x16xf32>
    %reduce_sum3A_50 = arith.constant dense<0.000000e+00> : vector<2048xf32>
    %reduce_sum3A_51 = vector.multi_reduction <add>, %select_n3A_49, %reduce_sum3A_50 [1] : vector<2048x16xf32> to vector<2048xf32>
    %broadcast_in_dim3A_52 = vector.shape_cast %reduce_sum3A_51 : vector<2048xf32> to vector<2048x1xf32>
    %swap3A_53 = arith.constant 0 : index
    %swap3A_54 = arith.constant 0 : index
    %swap3A_55 = vector.load %arg6[%swap3A_53, %swap3A_54] : memref<2048x1xf32, #tpu.memory_space<vmem>>, vector<2048x1xf32>
    tpu.vector_store %arg6[%swap3A_53, %swap3A_54], %broadcast_in_dim3A_52 {strides = array<i32>} : memref<2048x1xf32, #tpu.memory_space<vmem>>, vector<2048x1xf32>,
    %iota3A_56 = tpu.iota {dimensions = array<i32: 0>} : vector<256x1xi32>
    %broadcast_in_dim3A_57 = arith.constant 0x7F800000 : f32
    %broadcast_in_dim3A_58 = vector.broadcast %broadcast_in_dim3A_57 : f32 to vector<256x2048xf32>
    %broadcast_in_dim3A_59 = arith.constant 0 : i32
    %broadcast_in_dim3A_60 = vector.broadcast %broadcast_in_dim3A_59 : i32 to vector<256x2048xi32>
    %get3A_61 = arith.constant 0 : index
    %get3A_62 = arith.constant 0 : index
    %get3A_63 = vector.load %arg5[%get3A_61, %get3A_62] : memref<2048x1xf32, #tpu.memory_space<vmem>>, vector<256x1xf32>
    %get3A_64 = arith.constant 0 : index
    %get3A_65 = arith.constant 0 : index
    %get3A_66 = vector.load %arg6[%get3A_64, %get3A_65] : memref<2048x1xf32, #tpu.memory_space<vmem>>, vector<256x1xf32>
    %sub3A = vector.broadcast %broadcast_in_dim3A_7 : vector<1x2048xf32> to vector<256x2048xf32>
    %sub3A_67 = vector.broadcast %get3A_63 : vector<256x1xf32> to vector<256x2048xf32>
    %sub3A_68 = arith.subf %sub3A, %sub3A_67 : vector<256x2048xf32>
    %sub3A_69 = vector.broadcast %broadcast_in_dim3A_20 : vector<1x2048xf32> to vector<256x2048xf32>
    %sub3A_70 = vector.broadcast %get3A_66 : vector<256x1xf32> to vector<256x2048xf32>
    %sub3A_71 = arith.subf %sub3A_69, %sub3A_70 : vector<256x2048xf32>
    %mul3A_72 = arith.mulf %sub3A_68, %sub3A_68 : vector<256x2048xf32>
    %mul3A_73 = arith.mulf %sub3A_71, %sub3A_71 : vector<256x2048xf32>
    %add3A_74 = arith.addf %mul3A_72, %mul3A_73 : vector<256x2048xf32>
    %add3A_75 = arith.constant 9.99999996E-13 : f32
    %add3A_76 = vector.broadcast %add3A_75 : f32 to vector<256x2048xf32>
    %add3A_77 = arith.addf %add3A_74, %add3A_76 : vector<256x2048xf32>
    %rsqrt3A = math.rsqrt %add3A_77 : vector<256x2048xf32>
    %mul3A_78 = arith.mulf %add3A_77, %rsqrt3A : vector<256x2048xf32>
    %lt3A = arith.cmpf olt, %mul3A_78, %broadcast_in_dim3A_58 : vector<256x2048xf32>
    %min3A = arith.minimumf %broadcast_in_dim3A_58, %mul3A_78 : vector<256x2048xf32>
    %add3A_79 = arith.constant 0 : i32
    %add3A_80 = vector.broadcast %add3A_79 : i32 to vector<256x1xi32>
    %add3A_81 = arith.addi %add3A_80, %iota3A_56 : vector<256x1xi32>
    %broadcast_in_dim3A_82 = vector.shape_cast %add3A_81 : vector<256x1xi32> to vector<256x1xi32>
    %broadcast_in_dim3A_83 = vector.broadcast %broadcast_in_dim3A_82 : vector<256x1xi32> to vector<256x2048xi32>
    %select_n3A_84 = arith.select %lt3A, %broadcast_in_dim3A_83, %broadcast_in_dim3A_60 : vector<256x2048xi1>, vector<256x2048xi32>
    %get3A_85 = arith.constant 256 : index
    %get3A_86 = arith.constant 0 : index
    %get3A_87 = vector.load %arg5[%get3A_85, %get3A_86] : memref<2048x1xf32, #tpu.memory_space<vmem>>, vector<256x1xf32>
    %get3A_88 = arith.constant 256 : index
    %get3A_89 = arith.constant 0 : index
    %get3A_90 = vector.load %arg6[%get3A_88, %get3A_89] : memref<2048x1xf32, #tpu.memory_space<vmem>>, vector<256x1xf32>
    %sub3A_91 = vector.broadcast %broadcast_in_dim3A_7 : vector<1x2048xf32> to vector<256x2048xf32>
    %sub3A_92 = vector.broadcast %get3A_87 : vector<256x1xf32> to vector<256x2048xf32>
    %sub3A_93 = arith.subf %sub3A_91, %sub3A_92 : vector<256x2048xf32>
    %sub3A_94 = vector.broadcast %broadcast_in_dim3A_20 : vector<1x2048xf32> to vector<256x2048xf32>
    %sub3A_95 = vector.broadcast %get3A_90 : vector<256x1xf32> to vector<256x2048xf32>
    %sub3A_96 = arith.subf %sub3A_94, %sub3A_95 : vector<256x2048xf32>
    %mul3A_97 = arith.mulf %sub3A_93, %sub3A_93 : vector<256x2048xf32>
    %mul3A_98 = arith.mulf %sub3A_96, %sub3A_96 : vector<256x2048xf32>
    %add3A_99 = arith.addf %mul3A_97, %mul3A_98 : vector<256x2048xf32>
    %add3A_100 = arith.constant 9.99999996E-13 : f32
    %add3A_101 = vector.broadcast %add3A_100 : f32 to vector<256x2048xf32>
    %add3A_102 = arith.addf %add3A_99, %add3A_101 : vector<256x2048xf32>
    %rsqrt3A_103 = math.rsqrt %add3A_102 : vector<256x2048xf32>
    %mul3A_104 = arith.mulf %add3A_102, %rsqrt3A_103 : vector<256x2048xf32>
    %lt3A_105 = arith.cmpf olt, %mul3A_104, %min3A : vector<256x2048xf32>
    %min3A_106 = arith.minimumf %min3A, %mul3A_104 : vector<256x2048xf32>
    %add3A_107 = arith.constant 256 : i32
    %add3A_108 = vector.broadcast %add3A_107 : i32 to vector<256x1xi32>
    %add3A_109 = arith.addi %add3A_108, %iota3A_56 : vector<256x1xi32>
    %broadcast_in_dim3A_110 = vector.shape_cast %add3A_109 : vector<256x1xi32> to vector<256x1xi32>
    %broadcast_in_dim3A_111 = vector.broadcast %broadcast_in_dim3A_110 : vector<256x1xi32> to vector<256x2048xi32>
    %select_n3A_112 = arith.select %lt3A_105, %broadcast_in_dim3A_111, %select_n3A_84 : vector<256x2048xi1>, vector<256x2048xi32>
    %get3A_113 = arith.constant 512 : index
    %get3A_114 = arith.constant 0 : index
    %get3A_115 = vector.load %arg5[%get3A_113, %get3A_114] : memref<2048x1xf32, #tpu.memory_space<vmem>>, vector<256x1xf32>
    %get3A_116 = arith.constant 512 : index
    %get3A_117 = arith.constant 0 : index
    %get3A_118 = vector.load %arg6[%get3A_116, %get3A_117] : memref<2048x1xf32, #tpu.memory_space<vmem>>, vector<256x1xf32>
    %sub3A_119 = vector.broadcast %broadcast_in_dim3A_7 : vector<1x2048xf32> to vector<256x2048xf32>
    %sub3A_120 = vector.broadcast %get3A_115 : vector<256x1xf32> to vector<256x2048xf32>
    %sub3A_121 = arith.subf %sub3A_119, %sub3A_120 : vector<256x2048xf32>
    %sub3A_122 = vector.broadcast %broadcast_in_dim3A_20 : vector<1x2048xf32> to vector<256x2048xf32>
    %sub3A_123 = vector.broadcast %get3A_118 : vector<256x1xf32> to vector<256x2048xf32>
    %sub3A_124 = arith.subf %sub3A_122, %sub3A_123 : vector<256x2048xf32>
    %mul3A_125 = arith.mulf %sub3A_121, %sub3A_121 : vector<256x2048xf32>
    %mul3A_126 = arith.mulf %sub3A_124, %sub3A_124 : vector<256x2048xf32>
    %add3A_127 = arith.addf %mul3A_125, %mul3A_126 : vector<256x2048xf32>
    %add3A_128 = arith.constant 9.99999996E-13 : f32
    %add3A_129 = vector.broadcast %add3A_128 : f32 to vector<256x2048xf32>
    %add3A_130 = arith.addf %add3A_127, %add3A_129 : vector<256x2048xf32>
    %rsqrt3A_131 = math.rsqrt %add3A_130 : vector<256x2048xf32>
    %mul3A_132 = arith.mulf %add3A_130, %rsqrt3A_131 : vector<256x2048xf32>
    %lt3A_133 = arith.cmpf olt, %mul3A_132, %min3A_106 : vector<256x2048xf32>
    %min3A_134 = arith.minimumf %min3A_106, %mul3A_132 : vector<256x2048xf32>
    %add3A_135 = arith.constant 512 : i32
    %add3A_136 = vector.broadcast %add3A_135 : i32 to vector<256x1xi32>
    %add3A_137 = arith.addi %add3A_136, %iota3A_56 : vector<256x1xi32>
    %broadcast_in_dim3A_138 = vector.shape_cast %add3A_137 : vector<256x1xi32> to vector<256x1xi32>
    %broadcast_in_dim3A_139 = vector.broadcast %broadcast_in_dim3A_138 : vector<256x1xi32> to vector<256x2048xi32>
    %select_n3A_140 = arith.select %lt3A_133, %broadcast_in_dim3A_139, %select_n3A_112 : vector<256x2048xi1>, vector<256x2048xi32>
    %get3A_141 = arith.constant 768 : index
    %get3A_142 = arith.constant 0 : index
    %get3A_143 = vector.load %arg5[%get3A_141, %get3A_142] : memref<2048x1xf32, #tpu.memory_space<vmem>>, vector<256x1xf32>
    %get3A_144 = arith.constant 768 : index
    %get3A_145 = arith.constant 0 : index
    %get3A_146 = vector.load %arg6[%get3A_144, %get3A_145] : memref<2048x1xf32, #tpu.memory_space<vmem>>, vector<256x1xf32>
    %sub3A_147 = vector.broadcast %broadcast_in_dim3A_7 : vector<1x2048xf32> to vector<256x2048xf32>
    %sub3A_148 = vector.broadcast %get3A_143 : vector<256x1xf32> to vector<256x2048xf32>
    %sub3A_149 = arith.subf %sub3A_147, %sub3A_148 : vector<256x2048xf32>
    %sub3A_150 = vector.broadcast %broadcast_in_dim3A_20 : vector<1x2048xf32> to vector<256x2048xf32>
    %sub3A_151 = vector.broadcast %get3A_146 : vector<256x1xf32> to vector<256x2048xf32>
    %sub3A_152 = arith.subf %sub3A_150, %sub3A_151 : vector<256x2048xf32>
    %mul3A_153 = arith.mulf %sub3A_149, %sub3A_149 : vector<256x2048xf32>
    %mul3A_154 = arith.mulf %sub3A_152, %sub3A_152 : vector<256x2048xf32>
    %add3A_155 = arith.addf %mul3A_153, %mul3A_154 : vector<256x2048xf32>
    %add3A_156 = arith.constant 9.99999996E-13 : f32
    %add3A_157 = vector.broadcast %add3A_156 : f32 to vector<256x2048xf32>
    %add3A_158 = arith.addf %add3A_155, %add3A_157 : vector<256x2048xf32>
    %rsqrt3A_159 = math.rsqrt %add3A_158 : vector<256x2048xf32>
    %mul3A_160 = arith.mulf %add3A_158, %rsqrt3A_159 : vector<256x2048xf32>
    %lt3A_161 = arith.cmpf olt, %mul3A_160, %min3A_134 : vector<256x2048xf32>
    %min3A_162 = arith.minimumf %min3A_134, %mul3A_160 : vector<256x2048xf32>
    %add3A_163 = arith.constant 768 : i32
    %add3A_164 = vector.broadcast %add3A_163 : i32 to vector<256x1xi32>
    %add3A_165 = arith.addi %add3A_164, %iota3A_56 : vector<256x1xi32>
    %broadcast_in_dim3A_166 = vector.shape_cast %add3A_165 : vector<256x1xi32> to vector<256x1xi32>
    %broadcast_in_dim3A_167 = vector.broadcast %broadcast_in_dim3A_166 : vector<256x1xi32> to vector<256x2048xi32>
    %select_n3A_168 = arith.select %lt3A_161, %broadcast_in_dim3A_167, %select_n3A_140 : vector<256x2048xi1>, vector<256x2048xi32>
    %get3A_169 = arith.constant 1024 : index
    %get3A_170 = arith.constant 0 : index
    %get3A_171 = vector.load %arg5[%get3A_169, %get3A_170] : memref<2048x1xf32, #tpu.memory_space<vmem>>, vector<256x1xf32>
    %get3A_172 = arith.constant 1024 : index
    %get3A_173 = arith.constant 0 : index
    %get3A_174 = vector.load %arg6[%get3A_172, %get3A_173] : memref<2048x1xf32, #tpu.memory_space<vmem>>, vector<256x1xf32>
    %sub3A_175 = vector.broadcast %broadcast_in_dim3A_7 : vector<1x2048xf32> to vector<256x2048xf32>
    %sub3A_176 = vector.broadcast %get3A_171 : vector<256x1xf32> to vector<256x2048xf32>
    %sub3A_177 = arith.subf %sub3A_175, %sub3A_176 : vector<256x2048xf32>
    %sub3A_178 = vector.broadcast %broadcast_in_dim3A_20 : vector<1x2048xf32> to vector<256x2048xf32>
    %sub3A_179 = vector.broadcast %get3A_174 : vector<256x1xf32> to vector<256x2048xf32>
    %sub3A_180 = arith.subf %sub3A_178, %sub3A_179 : vector<256x2048xf32>
    %mul3A_181 = arith.mulf %sub3A_177, %sub3A_177 : vector<256x2048xf32>
    %mul3A_182 = arith.mulf %sub3A_180, %sub3A_180 : vector<256x2048xf32>
    %add3A_183 = arith.addf %mul3A_181, %mul3A_182 : vector<256x2048xf32>
    %add3A_184 = arith.constant 9.99999996E-13 : f32
    %add3A_185 = vector.broadcast %add3A_184 : f32 to vector<256x2048xf32>
    %add3A_186 = arith.addf %add3A_183, %add3A_185 : vector<256x2048xf32>
    %rsqrt3A_187 = math.rsqrt %add3A_186 : vector<256x2048xf32>
    %mul3A_188 = arith.mulf %add3A_186, %rsqrt3A_187 : vector<256x2048xf32>
    %lt3A_189 = arith.cmpf olt, %mul3A_188, %min3A_162 : vector<256x2048xf32>
    %min3A_190 = arith.minimumf %min3A_162, %mul3A_188 : vector<256x2048xf32>
    %add3A_191 = arith.constant 1024 : i32
    %add3A_192 = vector.broadcast %add3A_191 : i32 to vector<256x1xi32>
    %add3A_193 = arith.addi %add3A_192, %iota3A_56 : vector<256x1xi32>
    %broadcast_in_dim3A_194 = vector.shape_cast %add3A_193 : vector<256x1xi32> to vector<256x1xi32>
    %broadcast_in_dim3A_195 = vector.broadcast %broadcast_in_dim3A_194 : vector<256x1xi32> to vector<256x2048xi32>
    %select_n3A_196 = arith.select %lt3A_189, %broadcast_in_dim3A_195, %select_n3A_168 : vector<256x2048xi1>, vector<256x2048xi32>
    %get3A_197 = arith.constant 1280 : index
    %get3A_198 = arith.constant 0 : index
    %get3A_199 = vector.load %arg5[%get3A_197, %get3A_198] : memref<2048x1xf32, #tpu.memory_space<vmem>>, vector<256x1xf32>
    %get3A_200 = arith.constant 1280 : index
    %get3A_201 = arith.constant 0 : index
    %get3A_202 = vector.load %arg6[%get3A_200, %get3A_201] : memref<2048x1xf32, #tpu.memory_space<vmem>>, vector<256x1xf32>
    %sub3A_203 = vector.broadcast %broadcast_in_dim3A_7 : vector<1x2048xf32> to vector<256x2048xf32>
    %sub3A_204 = vector.broadcast %get3A_199 : vector<256x1xf32> to vector<256x2048xf32>
    %sub3A_205 = arith.subf %sub3A_203, %sub3A_204 : vector<256x2048xf32>
    %sub3A_206 = vector.broadcast %broadcast_in_dim3A_20 : vector<1x2048xf32> to vector<256x2048xf32>
    %sub3A_207 = vector.broadcast %get3A_202 : vector<256x1xf32> to vector<256x2048xf32>
    %sub3A_208 = arith.subf %sub3A_206, %sub3A_207 : vector<256x2048xf32>
    %mul3A_209 = arith.mulf %sub3A_205, %sub3A_205 : vector<256x2048xf32>
    %mul3A_210 = arith.mulf %sub3A_208, %sub3A_208 : vector<256x2048xf32>
    %add3A_211 = arith.addf %mul3A_209, %mul3A_210 : vector<256x2048xf32>
    %add3A_212 = arith.constant 9.99999996E-13 : f32
    %add3A_213 = vector.broadcast %add3A_212 : f32 to vector<256x2048xf32>
    %add3A_214 = arith.addf %add3A_211, %add3A_213 : vector<256x2048xf32>
    %rsqrt3A_215 = math.rsqrt %add3A_214 : vector<256x2048xf32>
    %mul3A_216 = arith.mulf %add3A_214, %rsqrt3A_215 : vector<256x2048xf32>
    %lt3A_217 = arith.cmpf olt, %mul3A_216, %min3A_190 : vector<256x2048xf32>
    %min3A_218 = arith.minimumf %min3A_190, %mul3A_216 : vector<256x2048xf32>
    %add3A_219 = arith.constant 1280 : i32
    %add3A_220 = vector.broadcast %add3A_219 : i32 to vector<256x1xi32>
    %add3A_221 = arith.addi %add3A_220, %iota3A_56 : vector<256x1xi32>
    %broadcast_in_dim3A_222 = vector.shape_cast %add3A_221 : vector<256x1xi32> to vector<256x1xi32>
    %broadcast_in_dim3A_223 = vector.broadcast %broadcast_in_dim3A_222 : vector<256x1xi32> to vector<256x2048xi32>
    %select_n3A_224 = arith.select %lt3A_217, %broadcast_in_dim3A_223, %select_n3A_196 : vector<256x2048xi1>, vector<256x2048xi32>
    %get3A_225 = arith.constant 1536 : index
    %get3A_226 = arith.constant 0 : index
    %get3A_227 = vector.load %arg5[%get3A_225, %get3A_226] : memref<2048x1xf32, #tpu.memory_space<vmem>>, vector<256x1xf32>
    %get3A_228 = arith.constant 1536 : index
    %get3A_229 = arith.constant 0 : index
    %get3A_230 = vector.load %arg6[%get3A_228, %get3A_229] : memref<2048x1xf32, #tpu.memory_space<vmem>>, vector<256x1xf32>
    %sub3A_231 = vector.broadcast %broadcast_in_dim3A_7 : vector<1x2048xf32> to vector<256x2048xf32>
    %sub3A_232 = vector.broadcast %get3A_227 : vector<256x1xf32> to vector<256x2048xf32>
    %sub3A_233 = arith.subf %sub3A_231, %sub3A_232 : vector<256x2048xf32>
    %sub3A_234 = vector.broadcast %broadcast_in_dim3A_20 : vector<1x2048xf32> to vector<256x2048xf32>
    %sub3A_235 = vector.broadcast %get3A_230 : vector<256x1xf32> to vector<256x2048xf32>
    %sub3A_236 = arith.subf %sub3A_234, %sub3A_235 : vector<256x2048xf32>
    %mul3A_237 = arith.mulf %sub3A_233, %sub3A_233 : vector<256x2048xf32>
    %mul3A_238 = arith.mulf %sub3A_236, %sub3A_236 : vector<256x2048xf32>
    %add3A_239 = arith.addf %mul3A_237, %mul3A_238 : vector<256x2048xf32>
    %add3A_240 = arith.constant 9.99999996E-13 : f32
    %add3A_241 = vector.broadcast %add3A_240 : f32 to vector<256x2048xf32>
    %add3A_242 = arith.addf %add3A_239, %add3A_241 : vector<256x2048xf32>
    %rsqrt3A_243 = math.rsqrt %add3A_242 : vector<256x2048xf32>
    %mul3A_244 = arith.mulf %add3A_242, %rsqrt3A_243 : vector<256x2048xf32>
    %lt3A_245 = arith.cmpf olt, %mul3A_244, %min3A_218 : vector<256x2048xf32>
    %min3A_246 = arith.minimumf %min3A_218, %mul3A_244 : vector<256x2048xf32>
    %add3A_247 = arith.constant 1536 : i32
    %add3A_248 = vector.broadcast %add3A_247 : i32 to vector<256x1xi32>
    %add3A_249 = arith.addi %add3A_248, %iota3A_56 : vector<256x1xi32>
    %broadcast_in_dim3A_250 = vector.shape_cast %add3A_249 : vector<256x1xi32> to vector<256x1xi32>
    %broadcast_in_dim3A_251 = vector.broadcast %broadcast_in_dim3A_250 : vector<256x1xi32> to vector<256x2048xi32>
    %select_n3A_252 = arith.select %lt3A_245, %broadcast_in_dim3A_251, %select_n3A_224 : vector<256x2048xi1>, vector<256x2048xi32>
    %get3A_253 = arith.constant 1792 : index
    %get3A_254 = arith.constant 0 : index
    %get3A_255 = vector.load %arg5[%get3A_253, %get3A_254] : memref<2048x1xf32, #tpu.memory_space<vmem>>, vector<256x1xf32>
    %get3A_256 = arith.constant 1792 : index
    %get3A_257 = arith.constant 0 : index
    %get3A_258 = vector.load %arg6[%get3A_256, %get3A_257] : memref<2048x1xf32, #tpu.memory_space<vmem>>, vector<256x1xf32>
    %sub3A_259 = vector.broadcast %broadcast_in_dim3A_7 : vector<1x2048xf32> to vector<256x2048xf32>
    %sub3A_260 = vector.broadcast %get3A_255 : vector<256x1xf32> to vector<256x2048xf32>
    %sub3A_261 = arith.subf %sub3A_259, %sub3A_260 : vector<256x2048xf32>
    %sub3A_262 = vector.broadcast %broadcast_in_dim3A_20 : vector<1x2048xf32> to vector<256x2048xf32>
    %sub3A_263 = vector.broadcast %get3A_258 : vector<256x1xf32> to vector<256x2048xf32>
    %sub3A_264 = arith.subf %sub3A_262, %sub3A_263 : vector<256x2048xf32>
    %mul3A_265 = arith.mulf %sub3A_261, %sub3A_261 : vector<256x2048xf32>
    %mul3A_266 = arith.mulf %sub3A_264, %sub3A_264 : vector<256x2048xf32>
    %add3A_267 = arith.addf %mul3A_265, %mul3A_266 : vector<256x2048xf32>
    %add3A_268 = arith.constant 9.99999996E-13 : f32
    %add3A_269 = vector.broadcast %add3A_268 : f32 to vector<256x2048xf32>
    %add3A_270 = arith.addf %add3A_267, %add3A_269 : vector<256x2048xf32>
    %rsqrt3A_271 = math.rsqrt %add3A_270 : vector<256x2048xf32>
    %mul3A_272 = arith.mulf %add3A_270, %rsqrt3A_271 : vector<256x2048xf32>
    %lt3A_273 = arith.cmpf olt, %mul3A_272, %min3A_246 : vector<256x2048xf32>
    %min3A_274 = arith.minimumf %min3A_246, %mul3A_272 : vector<256x2048xf32>
    %add3A_275 = arith.constant 1792 : i32
    %add3A_276 = vector.broadcast %add3A_275 : i32 to vector<256x1xi32>
    %add3A_277 = arith.addi %add3A_276, %iota3A_56 : vector<256x1xi32>
    %broadcast_in_dim3A_278 = vector.shape_cast %add3A_277 : vector<256x1xi32> to vector<256x1xi32>
    %broadcast_in_dim3A_279 = vector.broadcast %broadcast_in_dim3A_278 : vector<256x1xi32> to vector<256x2048xi32>
    %select_n3A_280 = arith.select %lt3A_273, %broadcast_in_dim3A_279, %select_n3A_252 : vector<256x2048xi1>, vector<256x2048xi32>
    %reduce_min3A = arith.constant dense<0x7F800000> : vector<2048xf32>
    %reduce_min3A_281 = vector.multi_reduction <minimumf>, %min3A_274, %reduce_min3A [0] : vector<256x2048xf32> to vector<2048xf32>
    %broadcast_in_dim3A_282 = vector.shape_cast %reduce_min3A_281 : vector<2048xf32> to vector<1x2048xf32>
    %eq3A_283 = vector.broadcast %broadcast_in_dim3A_282 : vector<1x2048xf32> to vector<256x2048xf32>
    %eq3A_284 = arith.cmpf oeq, %min3A_274, %eq3A_283 : vector<256x2048xf32>
    %jit3A_285 = arith.constant 2048 : i32
    %broadcast_in_dim3A_286 = vector.broadcast %jit3A_285 : i32 to vector<256x2048xi32>
    %select_n3A_287 = arith.select %eq3A_284, %select_n3A_280, %broadcast_in_dim3A_286 : vector<256x2048xi1>, vector<256x2048xi32>
    %reduce_min3A_288 = arith.constant dense<2147483647> : vector<2048xi32>
    %reduce_min3A_289 = vector.multi_reduction <minsi>, %select_n3A_287, %reduce_min3A_288 [0] : vector<256x2048xi32> to vector<2048xi32>
    %broadcast_in_dim3A_290 = vector.shape_cast %reduce_min3A_289 : vector<2048xi32> to vector<1x2048xi32>
    %swap3A_291 = arith.index_cast %arg0 : i32 to index
    %swap3A_292 = arith.constant 0 : index
    %swap3A_293 = vector.load %arg3[%swap3A_291, %swap3A_292] : memref<8x2048xf32, #tpu.memory_space<vmem>>, vector<1x2048xf32>
    tpu.vector_store %arg3[%swap3A_291, %swap3A_292], %broadcast_in_dim3A_282 {strides = array<i32>} : memref<8x2048xf32, #tpu.memory_space<vmem>>, vector<1x2048xf32>,
    %swap3A_294 = arith.index_cast %arg0 : i32 to index
    %swap3A_295 = arith.constant 0 : index
    %swap3A_296 = vector.load %arg4[%swap3A_294, %swap3A_295] : memref<8x2048xi32, #tpu.memory_space<vmem>>, vector<1x2048xi32>
    tpu.vector_store %arg4[%swap3A_294, %swap3A_295], %broadcast_in_dim3A_290 {strides = array<i32>} : memref<8x2048xi32, #tpu.memory_space<vmem>>, vector<1x2048xi32>,
    return
  }
  func.func @transform_0(%arg0: i32) -> (i32, i32) {
    %c0_i32 = arith.constant 0 : i32
    %c0_i32_0 = arith.constant 0 : i32
    %c0_i32_1 = arith.constant 0 : i32
    return %c0_i32, %c0_i32_0 : i32, i32
  }
  func.func @transform_1(%arg0: i32) -> (i32, i32) {
    %c0_i32 = arith.constant 0 : i32
    %c0_i32_0 = arith.constant 0 : i32
    %c0_i32_1 = arith.constant 0 : i32
    return %c0_i32, %c0_i32_0 : i32, i32
  }
  func.func @transform_2(%arg0: i32) -> (i32, i32) {
    %c0_i32 = arith.constant 0 : i32
    %c0_i32_0 = arith.constant 0 : i32
    %c0_i32_1 = arith.constant 0 : i32
    return %c0_i32, %c0_i32_0 : i32, i32
  }
  func.func @transform_3(%arg0: i32) -> (i32, i32) {
    %c0_i32 = arith.constant 0 : i32
    %c0_i32_0 = arith.constant 0 : i32
    %c0_i32_1 = arith.constant 0 : i32
    return %c0_i32, %c0_i32_0 : i32, i32
  }
}

</mosaic_0001>

<sc_bundles>
// kernel: kernel.5.cloned.1.call-start
scs
__scs_entry_jumppad:
0x0: {  	(pc) =	sbr.rel $0x88, $3  }
0x1: {  	(tag) =	ssettag $0x0;
	lr =	simm.s32 $0x1  }
0x2: {  	[smem:$0x3F9A] =	sst lr;
	_ =	strace $0xD0000000  }
0x3: {  	_ = 	snop  }
0x4: {  	_ = 	snop  }
0x5: {  	_ = 	snop  }
0x6: {  	_ = 	snop  }
0x7: {  	_ = 	snop  }
__scs_overlays_trampoline_lowered:
0x8: {  	[smem:$0x3FA9] =	sst s0  }
0x9: {  	[smem:$0x3FAA] =	sst s1  }
0xa: {  	[smem:$0x3FAB] =	sst s2  }
0xb: {  	[smem:$0x3FAC] =	sst s3  }
0xc: {  	[smem:$0x3FAD] =	sst s4  }
0xd: {  	[smem:$0x3FAE] =	sst s5  }
0xe: {  	[smem:$0x3FAF] =	sst s6  }
0xf: {  	[smem:$0x3FB0] =	sst s7  }
0x10: {  	[smem:$0x3FB1] =	sst s8  }
0x11: {  	[smem:$0x3FB2] =	sst s9;
	s0 =	simm.s32 @!p0 $0x0  }
0x12: {  	s1 =	sld [smem:$0x3F98];
	s0 =	simm.s32 @p0 $0x1  }
0x13: {  	[smem:$0x3FB3] =	sst s0;
	s0 =	simm.s32 @!p1 $0x0  }
0x14: {  	s2 =	sld [smem:$0x3F97];
	s0 =	simm.s32 @p1 $0x1  }
0x15: {  	[smem:$0x3FB4] =	sst s0;
	s0 =	simm.s32 @!p2 $0x0  }
0x16: {  	s3 =	sld [smem:$0x3FDB];
	s0 =	simm.s32 @p2 $0x1  }
0x17: {  	s4 =	simm.s32 $0x1BF5;
	[smem:$0x3FB6] =	sst s0  }
0x18: {  	s0 =	sld [smem:$0x3F99];
	_ =	swait.ge [sflag:s4], $0x0  }
0x19: {  	s7 =	sld [smem:$0x3F9A]  }
0x1a: {  	s8 =	sadd.s32 $0xFFFFE003, lr  }
0x1b: {  	s9 =	sadd.s32 $0xFFFFFEF7, lr;
	s5 =	simm.s32 $0xFFFFFFFF;
	p2 =	slt.u32 s8, $0xFFFFF086  }
0x1c: {  	p1 =	slt.u32 s9, $0xF7A;
	s5 =	simm.s32 @!p2 $0x0  }
0x1d: {  	s5 =	simm.s32 @p1 $0x1;
	p0 =	seq.s32 s7, s2  }
0x1e: {  	s7 =	smul.u32 @!p0 $0xF7A, s2;
	p2 =	seq.s32 @!p0 s5, $0x0  }
0x1f: {  	s9 =	smul.u32 $0xF7A, s1;
	s8 =	simm.s32 @!p0 $0x1BF5;
	p2 =	por !p2, p0  }
0x20: {  	[sflag:s8] =	ssyncset.s32 @!p0 $0xFFFFF086;
	s6 =	sadd.s32 @!p0 s3, s7;
	s7 =	simm.s32 @!p0 $0x108  }
0x21: {  	s3 =	sadd.s32 s3, s9;
	s6 =	sadd.s32 @!p0 $0x88, s6;
	s7 =	simm.s32 @p2 $0x1082  }
0x22: {  	[simem:s7], [sflag:s8] =	dma.local @!p0 [hbm:s6], $0xF7A  }
0x23: {  	s9 =	sor.u32 $0xD0000000, s2;
	s6 =	simm.s32 $0x108;
	_ =	swait.ge @!p0 [sflag:s8], $0x0  }
0x24: {  	s3 =	sadd.s32 $0x88, s3;
	s6 =	simm.s32 @!p1 $0x1082;
	[sflag:s4] =	ssyncset.s32 $0xFFFFF086  }
0x25: {  	[simem:s6], [sflag:s4] =	dma.local [hbm:s3], $0xF7A  }
0x26: {  	[smem:$0x3F9A] =	sst s1;
	(tag) =	ssettag s2;
	_ =	strace s9  }
0x27: {  	s1 =	sld [smem:$0x3FAA]  }
0x28: {  	s2 =	sld [smem:$0x3FAB]  }
0x29: {  	s4 =	sld [smem:$0x3FAD]  }
0x2a: {  	p0 =	seq.s32 s5, $0x0;
	s5 =	sld [smem:$0x3FAE]  }
0x2b: {  	s6 =	sld [smem:$0x3FAF]  }
0x2c: {  	s7 =	sld [smem:$0x3FB0]  }
0x2d: {  	s3 =	simm.s32 $0x108;
	s8 =	sld [smem:$0x3FB1]  }
0x2e: {  	s3 =	simm.s32 @!p0 $0x1082;
	s9 =	sld [smem:$0x3FB2]  }
0x2f: {  	lr =	sadd.s32 s0, s3;
	s0 =	sld [smem:$0x3FA9]  }
0x30: {  	s3 =	sld [smem:$0x3FAC]  }
0x31: {  	[smem:$0x3FB5] =	sst s10  }
0x32: {  	s10 =	sld [smem:$0x3FB3];
	_ =	sdelay $0x3  }
0x33: {  	p0 =	seq.s32 s10, $0x1;
	s10 =	sld [smem:$0x3FB5];
	_ =	sdelay $0x3  }
0x34: {  	[smem:$0x3FB5] =	sst s10  }
0x35: {  	s10 =	sld [smem:$0x3FB4];
	_ =	sdelay $0x3  }
0x36: {  	p1 =	seq.s32 s10, $0x1;
	s10 =	sld [smem:$0x3FB5];
	_ =	sdelay $0x3  }
0x37: {  	[smem:$0x3FB5] =	sst s10  }
0x38: {  	s10 =	sld [smem:$0x3FB6]  }
0x39: {  	_ = 	snop;
	(pc) =	sbr.ind lr, $3  }
0x3a: {  	_ = 	snop  }
0x3b: {  	_ = 	snop  }
0x3c: {  	p2 =	seq.s32 s10, $0x1;
	s10 =	sld [smem:$0x3FB5]  }
0x3d: {  	_ =	shalt  }
0x3e: {  	_ =	shalt  }
0x3f: {  	_ =	shalt  }
0x40: {  	_ =	shalt  }
0x41: {  	_ =	shalt  }
0x42: {  	_ =	shalt  }
0x43: {  	_ =	shalt  }
0x44: {  	_ =	shalt  }
0x45: {  	_ =	shalt  }
0x46: {  	_ =	shalt  }
0x47: {  	_ =	shalt  }
0x48: {  	_ =	shalt  }
0x49: {  	_ =	shalt  }
0x4a: {  	_ =	shalt  }
0x4b: {  	_ =	shalt  }
0x4c: {  	_ =	shalt  }
0x4d: {  	_ =	shalt  }
0x4e: {  	_ =	shalt  }
0x4f: {  	_ =	shalt  }
0x50: {  	_ =	shalt  }
0x51: {  	_ =	shalt  }
0x52: {  	_ =	shalt  }
0x53: {  	_ =	shalt  }
0x54: {  	_ =	shalt  }
0x55: {  	_ =	shalt  }
0x56: {  	_ =	shalt  }
0x57: {  	_ =	shalt  }
0x58: {  	_ =	shalt  }
0x59: {  	_ =	shalt  }
0x5a: {  	_ =	shalt  }
0x5b: {  	_ =	shalt  }
0x5c: {  	_ =	shalt  }
0x5d: {  	_ =	shalt  }
0x5e: {  	_ =	shalt  }
0x5f: {  	_ =	shalt  }
0x60: {  	_ =	shalt  }
0x61: {  	_ =	shalt  }
0x62: {  	_ =	shalt  }
0x63: {  	_ =	shalt  }
0x64: {  	_ =	shalt  }
0x65: {  	_ =	shalt  }
0x66: {  	_ =	shalt  }
0x67: {  	_ =	shalt  }
0x68: {  	_ =	shalt  }
0x69: {  	_ =	shalt  }
0x6a: {  	_ =	shalt  }
0x6b: {  	_ =	shalt  }
0x6c: {  	_ =	shalt  }
0x6d: {  	_ =	shalt  }
0x6e: {  	_ =	shalt  }
0x6f: {  	_ =	shalt  }
0x70: {  	_ =	shalt  }
0x71: {  	_ =	shalt  }
0x72: {  	_ =	shalt  }
0x73: {  	_ =	shalt  }
0x74: {  	_ =	shalt  }
0x75: {  	_ =	shalt  }
0x76: {  	_ =	shalt  }
0x77: {  	_ =	shalt  }
0x78: {  	_ =	shalt  }
0x79: {  	_ =	shalt  }
0x7a: {  	_ =	shalt  }
0x7b: {  	_ =	shalt  }
0x7c: {  	_ =	shalt  }
0x7d: {  	_ =	shalt  }
0x7e: {  	_ =	shalt  }
0x7f: {  	_ =	shalt  }
0x80: {  	_ =	shalt  }
0x81: {  	_ =	shalt  }
0x82: {  	_ =	shalt  }
0x83: {  	_ =	shalt  }
0x84: {  	_ =	shalt  }
0x85: {  	_ =	shalt  }
0x86: {  	_ =	shalt  }
0x87: {  	_ =	shalt  }
.Lfunc_end0:
.L_simem_size_0:
called_computation_lowered:
.L_overlay_start_0:
0x88: {  	s2 =	sld [smem:$0x3FD9]  }
0x89: {  	s3 =	sld [smem:$0x3FFE];
	_ =	sdelay $0x1  }
0x8a: {  	s1 =	srdreg.scid  }
0x8b: {  	s0 =	sand.u32 $0x1, s1  }
0x8c: {  	s14 =	sshll.u32 s0, $0xA;
	s2 =	sadd.s32 s3, s2  }
0x8d: {  	s2 =	sadd.s32 s2, s14  }
0x8e: {  	[smem:$0x3FC1] =	sst s2  }
0x8f: {  	_ = 	snop  }
0x90: {  	s2 =	sld [smem:$0x3FD0];
	_ =	sdelay $0x2  }
0x91: {  	s15 =	simm.s32 $0xB;
	s4 =	simm.s32 $0x10  }
0x92: {  	[smem:s4], [sflag:s15] =	dma.local [hbm:s2], $0x1  }
0x93: {  	_ =	swait.eq [sflag:s15], $0x1  }
0x94: {  	s16 =	sld [smem:$0x10]  }
0x95: {  	s17 =	sld [smem:$0x11];
	[sflag:s15] =	ssyncset.done $0x0  }
0x96: {  	s5 =	sld [smem:$0x15];
	[sflag:s15] =	ssyncadd.s32 $0xFFFFFFFF  }
0x97: {  	s18 =	sld [smem:$0x17];
	(tm) =	ssettm $0x1  }
0x98: {  	s6 =	sld [smem:$0x3FFB];
	_ =	sdelay $0x3  }
0x99: {  	_ =	strace s6  }
0x9a: {  	s6 =	sld [smem:$0x3FFC];
	_ =	sdelay $0x3  }
0x9b: {  	_ =	strace s6  }
0x9c: {  	s6 =	sld [smem:$0x3FFD];
	_ =	sdelay $0x3  }
0x9d: {  	_ =	strace s6  }
0x9e: {  	_ =	strace $0x8FFFFFFF  }
0x9f: {  	s19 =	sld [smem:$0x3FDB];
	_ =	sdelay $0x1  }
0xa0: {  	s7 =	simm.s32 $_scs_section_size  }
0xa1: {  	s8 =	simm.s32 $_size__tile_overlayer_lowered;
	s9 =	simm.s32 $_tile_overlayer_lowered  }
0xa2: {  	s22 =	simm.s32 $0x1BFF;
	s21 =	sshll.u32 s9, $0x1;
	s6 =	sadd.s32 s7, s19  }
0xa3: {  	s10 =	simm.s32 $0x0;
	s20 =	sshll.u32 s8, $0x1;
	s8 =	sadd.s32 s21, s6  }
0xa4: {  	[timem:s10], [sflag:s22] =	dma.local [hbm:s8], s20  }
0xa5: {  	_ =	swait.ge [sflag:s22], s20  }
0xa6: {  	s7 =	ssub.s32 $0x0, s20;
	[sflag:s22] =	ssyncset.done $0x0  }
0xa7: {  	[sflag:s22] =	ssyncadd.s32 s7;
	_ =	sdelay $0x1  }
0xa8: {  	s23 =	simm.s32 $0x1B8B  }
0xa9: {  	_ =	swait.ge [sflag:s23], $0x1  }
0xaa: {  	[sflag:s23] =	ssyncset.done $0x0  }
0xab: {  	s25 =	simm.s32 $0x1B8E;
	s24 =	sld [smem:$0x3FFE];
	[sflag:s23] =	ssyncadd.s32 $0xFFFFFFFF  }
0xac: {  	s26 =	simm.s32 $execute0_lowered;
	[smem:$0x3FD2] =	sst s25  }
0xad: {  	s8 =	sshll.u32 s26, $0x1;
	_ =	strace $0x80000046;
	[dreg:$0x1] =	wrdreg $0xFFFFFFFF  }
0xae: {  	s28 =	simm.s32 $_size_execute0_lowered;
	s6 =	sadd.s32 s6, s8;
	[dreg:$0x0] =	wrdreg $0x0  }
0xaf: {  	s8 =	sshll.u32 s28, $0x1;
	[dreg:$0x2] =	wrdreg s6  }
0xb0: {  	[dreg:$0x3] =	wrdreg s8  }
0xb1: {  	[dreg:$0x4] =	wrdreg $0xC0  }
0xb2: {  	_ =	task [dreg:s10], $0x5FFFF  }
0xb3: {  	[dreg:$0x1] =	wrdreg $0xFFFFFFFF  }
0xb4: {  	[dreg:$0x0] =	wrdreg $0x60  }
0xb5: {  	[dreg:$0x2] =	wrdreg s17  }
0xb6: {  	[dreg:$0x3] =	wrdreg s16  }
0xb7: {  	[dreg:$0x4] =	wrdreg s24  }
0xb8: {  	[dreg:$0x5] =	wrdreg s18  }
0xb9: {  	[dreg:$0x6] =	wrdreg s5  }
0xba: {  	[dreg:$0x7] =	wrdreg $0x9  }
0xbb: {  	_ =	task.clear_ibuf [dreg:s10], $0x8FFFF;
	_ =	strace $0x90000046  }
0xbc: {  	s29 =	simm.s32 $0x9;
	_ =	strace $0x80000048  }
0xbd: {  	_ =	swait.ge [sflag:s29], $0x1  }
0xbe: {  	[sflag:s29] =	ssyncadd.s32 $0xFFFFFFFF  }
0xbf: {  	_ =	strace $0x90000048  }
0xc0: {  	_ =	sfence  }
0xc1: {  	s30 =	sld [smem:$0x0];
	_ =	sdelay $0x2  }
0xc2: {  	s31 =	sshll.u32 s1, $0xD;
	s1 =	sshrl.u32 s1, $0x2  }
0xc3: {  	s3 =	sand.u32 $0x4000, s31;
	s1 =	sadd.s32 s1, s30  }
0xc4: {  	s0 =	sor.u32 s3, s0;
	s1 =	sshll.u32 s1, $0x11  }
0xc5: {  	s0 =	sor.u32 s1, s0  }
0xc6: {  	s0 =	sadd.s32 $0x8F2B, s0  }
0xc7: {  	[sflag:s0] =	ssyncadd.remote.s32 $0x1  }
0xc8: {  	_ =	sfence.sel $0xFFFF  }
0xc9: {  	[dreg:$0x0] =	wrdreg $0xFFFFFFFF;
	(pc) =	sbr.abs _section_cstart, $3  }
0xca: {  	[dreg:$0x1] =	wrdreg $0xFFFFFFFF  }
0xcb: {  	_ =	task.clear_ibuf [dreg:s10], $0x2FFFF;
	_ =	strace $0x9FFFFFFF  }
0xcc: {  	(tm) =	ssettm $0x7FFFFFFF  }
0xcd: {  	_ =	shalt  }
tec
execute0_lowered:
.L_overlay_start_1:
0x0: {  	(tag) =	ssettag $0x1  }
0x1: {  	v29 =	vlaneseq.u32  }
0x2: {  	v1 =	vor.u32 $0x10, v29;
	v2 =	vor.u32 $0x20, v29;
	v3 =	vor.u32 $0x30, v29  }
0x3: {  	v4 =	vor.u32 $0x40, v29;
	v5 =	vor.u32 $0x50, v29;
	v6 =	vor.u32 $0x60, v29  }
0x4: {  	v7 =	vor.u32 $0x70, v29;
	v8 =	vor.u32 $0x80, v29;
	v9 =	vor.u32 $0x90, v29  }
0x5: {  	v10 =	vor.u32 $0xA0, v29;
	v11 =	vor.u32 $0xB0, v29;
	v12 =	vor.u32 $0xC0, v29  }
0x6: {  	v13 =	vor.u32 $0xD0, v29;
	v14 =	vor.u32 $0xE0, v29;
	v15 =	vor.u32 $0xF0, v29  }
0x7: {  	s0 =	stileid.u32;
	v16 =	vor.u32 $0x100, v29;
	v17 =	vor.u32 $0x110, v29;
	v18 =	vor.u32 $0x120, v29  }
0x8: {  	s1 =	srdreg.scid;
	s2 =	sshll.u32 s0, $0x1;
	v19 =	vor.u32 $0x130, v29;
	v20 =	vor.u32 $0x140, v29;
	v21 =	vor.u32 $0x150, v29  }
0x9: {  	s6 =	rddreg [dreg:$0x0];
	s3 =	sand.u32 $0x1, s1;
	v22 =	vor.u32 $0x160, v29;
	v23 =	vor.u32 $0x170, v29;
	v24 =	vor.u32 $0x180, v29;
	s28 =	sand.u32 $0x2, s2  }
0xa: {  	s7 =	rddreg [dreg:$0x1];
	v25 =	vor.u32 $0x190, v29;
	v26 =	vor.u32 $0x1A0, v29;
	v27 =	vor.u32 $0x1B0, v29;
	s1 =	sor.u32 s3, s28  }
0xb: {  	s4 =	rddreg [dreg:$0x2];
	v28 =	vor.u32 $0x1C0, v29;
	v30 =	vor.u32 $0x1D0, v29;
	v31 =	vor.u32 $0x1E0, v29;
	s16 =	sshll.u32 s1, $0x9  }
0xc: {  	s10 =	rddreg [dreg:$0x3];
	v32 =	vor.u32 $0x1F0, v29;
	v0 =	vor.u32 s16, v29;
	v1 =	vor.u32 s16, v1  }
0xd: {  	s9 =	rddreg [dreg:$0x4];
	s15 =	simm.s32 $0x1600;
	v2 =	vor.u32 s16, v2;
	v3 =	vor.u32 s16, v3;
	v4 =	vor.u32 s16, v4  }
0xe: {  	s17 =	simm.s32 $0x1E00;
	s18 =	simm.s32 $0x2;
	s8 =	sadd.s32 $0x2000, s4;
	v5 =	vor.u32 s16, v5;
	v6 =	vor.u32 s16, v6;
	v7 =	vor.u32 s16, v7  }
0xf: {  	s29 =	sshrl.u32 s0, $0x1;
	p0 =	sgt.u32 s0, $0x7;
	s2 =	simm.s32 $0x0;
	v8 =	vor.u32 s16, v8;
	v9 =	vor.u32 s16, v9;
	v10 =	vor.u32 s16, v10  }
0x10: {  	s11 =	sshll.u32 s29, $0xB;
	s12 =	sadd.s32 $0xFFFFFFFC, s29;
	s13 =	sadd.s32 $0x4, s29;
	v11 =	vor.u32 s16, v11;
	v12 =	vor.u32 s16, v12;
	v13 =	vor.u32 s16, v13  }
0x11: {  	[smem:$0x7FF] =	sst s2;
	s3 =	ssub.s32 $0x2, s3;
	s13 =	smov.u32 @p0 s12;
	v14 =	vor.u32 s16, v14;
	v15 =	vor.u32 s16, v15;
	v16 =	vor.u32 s16, v16  }
0x12: {  	s12 =	sshll.u32 s12, $0xB;
	p0 =	slt.u32 s0, $0x8;
	s1 =	rddreg [dreg:$0x5];
	v17 =	vor.u32 s16, v17;
	v18 =	vor.u32 s16, v18;
	v19 =	vor.u32 s16, v19  }
0x13: {  	_ =	strace $0x80000047;
	s5 =	sshrl.u32 s3, $0x1;
	s13 =	sshll.u32 s13, $0x8;
	v20 =	vor.u32 s16, v20;
	v21 =	vor.u32 s16, v21;
	v22 =	vor.u32 s16, v22  }
0x14: {  	s30 =	sor.u32 s11, s16;
	s31 =	ssub.s32 s3, s5;
	s13 =	sand.u32 $0x1FFFFF00, s13;
	v23 =	vor.u32 s16, v23;
	v24 =	vor.u32 s16, v24;
	v25 =	vor.u32 s16, v25  }
0x15: {  	s12 =	sor.u32 s12, s16;
	v26 =	vor.u32 s16, v26;
	v27 =	vor.u32 s16, v27;
	v28 =	vor.u32 s16, v28;
	s11 =	simm.s32 $0x200;
	s14 =	sshrl.u32 s30, $0x3  }
0x16: {  	v29 =	vor.u32 s16, v30;
	v30 =	vor.u32 s16, v31;
	v31 =	vor.u32 s16, v32;
	s16 =	simm.s32 $0x1;
	s12 =	sshrl.u32 s12, $0x3;
	s3 =	sadd.s32 s6, s14  }
0x17: {  	s4 =	sadd.s32 s7, s14;
	s5 =	sadd.s32 s8, s14;
	s6 =	sadd.s32 s6, s13  }
0x18: {  	s7 =	sadd.s32 s7, s13;
	s8 =	sadd.s32 s8, s13;
	s9 =	sadd.s32 s9, s12  }
0x19: {  	s12 =	sadd.s32 s10, s14;
	s10 =	smax.u32 s31, $0x1;
	s13 =	simm.s32 $0x600  }
0x1a: {  	s14 =	simm.s32 $0xE00;
	s9 =	smov.u32 @p0 s12;
	s12 =	simm.s32 $0x400  }
.LBB2_1:
0x1b: {  	[tilespmem:s2], [sflag:$0x1] =	stream.linear.gather [hbm4b:s3+s2], $0x200, $0x38;
	[tilespmem:$0x2000] =	vst v63  }
0x1c: {  	_ = 	snop  }
0x1d: {  	[tilespmem:s11], [sflag:$0x1] =	stream.linear.gather [hbm4b:s4+s2], $0x200, $0x38;
	[tilespmem:$0x2000] =	vst v63  }
0x1e: {  	_ = 	snop  }
0x1f: {  	[tilespmem:s12], [sflag:$0x1] =	stream.linear.gather [hbm4b:s5+s2], $0x200, $0x38;
	[tilespmem:$0x2000] =	vst v63  }
0x20: {  	_ = 	snop  }
0x21: {  	[tilespmem:s13], [sflag:$0x1] =	stream.linear.gather [hbm4b:s6+s2], $0x800, $0x38;
	[tilespmem:$0x2000] =	vst v63  }
0x22: {  	_ = 	snop  }
0x23: {  	[tilespmem:s14], [sflag:$0x1] =	stream.linear.gather [hbm4b:s7+s2], $0x800, $0x38;
	[tilespmem:$0x2000] =	vst v63  }
0x24: {  	_ = 	snop  }
0x25: {  	[tilespmem:s15], [sflag:$0x1] =	stream.linear.gather [hbm4b:s8+s2], $0x800, $0x38;
	[tilespmem:$0x2000] =	vst v63  }
0x26: {  	_ =	swait.ge [sflag:s16], $0x200  }
0x27: {  	[sflag:s16] =	ssyncset.done $0x0  }
0x28: {  	[sflag:s16] =	ssyncadd.s32 $0xFFFFFE00  }
0x29: {  	_ =	swait.ge [sflag:s16], $0x200  }
0x2a: {  	[sflag:s16] =	ssyncset.done $0x0  }
0x2b: {  	[sflag:s16] =	ssyncadd.s32 $0xFFFFFE00  }
0x2c: {  	_ =	swait.ge [sflag:s16], $0x200  }
0x2d: {  	[sflag:s16] =	ssyncset.done $0x0  }
0x2e: {  	[sflag:s16] =	ssyncadd.s32 $0xFFFFFE00  }
0x2f: {  	_ =	swait.ge [sflag:s16], $0x800  }
0x30: {  	[sflag:s16] =	ssyncset.done $0x0  }
0x31: {  	[sflag:s16] =	ssyncadd.s32 $0xFFFFF800  }
0x32: {  	_ =	swait.ge [sflag:s16], $0x800  }
0x33: {  	[sflag:s16] =	ssyncset.done $0x0  }
0x34: {  	[sflag:s16] =	ssyncadd.s32 $0xFFFFF800  }
0x35: {  	_ =	swait.ge [sflag:s16], $0x800  }
0x36: {  	[sflag:s16] =	ssyncset.done $0x0  }
0x37: {  	[sflag:s16] =	ssyncadd.s32 $0xFFFFF800  }
0x38: {  	v32 =	vld [tilespmem:$0x0];
	_ =	sdelay $0x6  }
0x39: {  	v34 =	vld [tilespmem:$0x200]  }
0x3a: {  	v33 =	vld.idx.msk [tilespmem:v32+s14+$0x0], $0xffff;
	_ =	sdelay $0x3  }
0x3b: {  	v46 =	vld [tilespmem:$0x400]  }
0x3c: {  	v35 =	vld.idx.msk [tilespmem:v32+s13+$0x0], $0xffff;
	v33 =	vadd.f32 v34, v33  }
0x3d: {  	v36 =	vld.idx.msk [tilespmem:v32+s15+$0x0], $0xffff  }
0x3e: {  	v37 =	vld [tilespmem:$0x10];
	v33 =	vmul.f32 $5.000000000e-01, v33;
	_ =	sdelay $0x1  }
0x3f: {  	vm14 =	vgt.f32 v46, $5.000000000e-01;
	vm1 =	vgt.f32 v33, $1.999999960e-02  }
0x40: {  	vm2 =	veq.s32 v35, v0;
	vm0 =	vgt.f32 v33, $9.999999770e-03;
	vm13 =	vmneg vm1  }
0x41: {  	vm15 =	vgt.f32 v36, $5.000000000e-01;
	v32 =	vsel vm0, $0xFFFFFFFE, v32;
	vm0 =	vmand vm2, vm13  }
0x42: {  	vm4 =	vmand vm15, vm14;
	v32 =	vnsel vm0, $0xFFFFFFFF, v32  }
0x43: {  	v32 =	vnsel vm4, $0xFFFFFFFE, v32  }
0x44: {  	v47 =	vld [tilespmem:$0x210];
	[tilespmem:$0x1E00] =	vst v32  }
0x45: {  	v32 =	vld.idx.msk [tilespmem:v37+s14+$0x0], $0xffff;
	_ =	sdelay $0x3  }
0x46: {  	v50 =	vld [tilespmem:$0x410]  }
0x47: {  	v48 =	vld.idx.msk [tilespmem:v37+s13+$0x0], $0xffff;
	v32 =	vadd.f32 v47, v32  }
0x48: {  	v49 =	vld.idx.msk [tilespmem:v37+s15+$0x0], $0xffff  }
0x49: {  	v51 =	vld [tilespmem:$0x20];
	v32 =	vmul.f32 $5.000000000e-01, v32;
	_ =	sdelay $0x1  }
0x4a: {  	vm9 =	vgt.f32 v50, $5.000000000e-01;
	vm6 =	vgt.f32 v32, $1.999999960e-02  }
0x4b: {  	vm7 =	veq.s32 v48, v1;
	vm5 =	vgt.f32 v32, $9.999999770e-03;
	vm8 =	vmneg vm6  }
0x4c: {  	vm10 =	vgt.f32 v49, $5.000000000e-01;
	v52 =	vsel vm5, $0xFFFFFFFE, v37;
	vm0 =	vmand vm7, vm8  }
0x4d: {  	vm11 =	vmand vm10, vm9;
	v32 =	vnsel vm0, $0xFFFFFFFF, v52  }
0x4e: {  	v32 =	vnsel vm11, $0xFFFFFFFE, v32  }
0x4f: {  	v53 =	vld [tilespmem:$0x220];
	[tilespmem:$0x1E10] =	vst v32  }
0x50: {  	v32 =	vld.idx.msk [tilespmem:v51+s14+$0x0], $0xffff;
	_ =	sdelay $0x3  }
0x51: {  	v56 =	vld [tilespmem:$0x420]  }
0x52: {  	v54 =	vld.idx.msk [tilespmem:v51+s13+$0x0], $0xffff;
	v32 =	vadd.f32 v53, v32  }
0x53: {  	v55 =	vld.idx.msk [tilespmem:v51+s15+$0x0], $0xffff  }
0x54: {  	v57 =	vld [tilespmem:$0x30];
	v32 =	vmul.f32 $5.000000000e-01, v32;
	_ =	sdelay $0x1  }
0x55: {  	vm4 =	vgt.f32 v56, $5.000000000e-01;
	vm13 =	vgt.f32 v32, $1.999999960e-02  }
0x56: {  	vm14 =	veq.s32 v54, v2;
	vm12 =	vgt.f32 v32, $9.999999770e-03;
	vm15 =	vmneg vm13  }
0x57: {  	vm5 =	vgt.f32 v55, $5.000000000e-01;
	v58 =	vsel vm12, $0xFFFFFFFE, v51;
	vm0 =	vmand vm14, vm15  }
0x58: {  	vm6 =	vmand vm5, vm4;
	v32 =	vnsel vm0, $0xFFFFFFFF, v58  }
0x59: {  	v32 =	vnsel vm6, $0xFFFFFFFE, v32  }
0x5a: {  	v59 =	vld [tilespmem:$0x230];
	[tilespmem:$0x1E20] =	vst v32  }
0x5b: {  	v32 =	vld.idx.msk [tilespmem:v57+s14+$0x0], $0xffff;
	_ =	sdelay $0x3  }
0x5c: {  	v62 =	vld [tilespmem:$0x430]  }
0x5d: {  	v60 =	vld.idx.msk [tilespmem:v57+s13+$0x0], $0xffff;
	v32 =	vadd.f32 v59, v32  }
0x5e: {  	v61 =	vld.idx.msk [tilespmem:v57+s15+$0x0], $0xffff  }
0x5f: {  	v63 =	vld [tilespmem:$0x40];
	v32 =	vmul.f32 $5.000000000e-01, v32;
	_ =	sdelay $0x1  }
0x60: {  	vm11 =	vgt.f32 v62, $5.000000000e-01;
	vm8 =	vgt.f32 v32, $1.999999960e-02  }
0x61: {  	vm9 =	veq.s32 v60, v3;
	vm7 =	vgt.f32 v32, $9.999999770e-03;
	vm10 =	vmneg vm8  }
0x62: {  	vm12 =	vgt.f32 v61, $5.000000000e-01;
	v40 =	vsel vm7, $0xFFFFFFFE, v57;
	vm0 =	vmand vm9, vm10  }
0x63: {  	vm13 =	vmand vm12, vm11;
	v32 =	vnsel vm0, $0xFFFFFFFF, v40  }
0x64: {  	v32 =	vnsel vm13, $0xFFFFFFFE, v32  }
0x65: {  	v41 =	vld [tilespmem:$0x240];
	[tilespmem:$0x1E30] =	vst v32  }
0x66: {  	v32 =	vld.idx.msk [tilespmem:v63+s14+$0x0], $0xffff;
	_ =	sdelay $0x3  }
0x67: {  	v44 =	vld [tilespmem:$0x440]  }
0x68: {  	v42 =	vld.idx.msk [tilespmem:v63+s13+$0x0], $0xffff;
	v32 =	vadd.f32 v41, v32  }
0x69: {  	v43 =	vld.idx.msk [tilespmem:v63+s15+$0x0], $0xffff  }
0x6a: {  	v45 =	vld [tilespmem:$0x50];
	v32 =	vmul.f32 $5.000000000e-01, v32;
	_ =	sdelay $0x1  }
0x6b: {  	vm6 =	vgt.f32 v44, $5.000000000e-01;
	vm15 =	vgt.f32 v32, $1.999999960e-02  }
0x6c: {  	vm4 =	veq.s32 v42, v4;
	vm14 =	vgt.f32 v32, $9.999999770e-03;
	vm5 =	vmneg vm15  }
0x6d: {  	vm7 =	vgt.f32 v43, $5.000000000e-01;
	v46 =	vsel vm14, $0xFFFFFFFE, v63;
	vm0 =	vmand vm4, vm5  }
0x6e: {  	vm8 =	vmand vm7, vm6;
	v32 =	vnsel vm0, $0xFFFFFFFF, v46  }
0x6f: {  	v32 =	vnsel vm8, $0xFFFFFFFE, v32  }
0x70: {  	v47 =	vld [tilespmem:$0x250];
	[tilespmem:$0x1E40] =	vst v32  }
0x71: {  	v32 =	vld.idx.msk [tilespmem:v45+s14+$0x0], $0xffff;
	_ =	sdelay $0x3  }
0x72: {  	v50 =	vld [tilespmem:$0x450]  }
0x73: {  	v48 =	vld.idx.msk [tilespmem:v45+s13+$0x0], $0xffff;
	v32 =	vadd.f32 v47, v32  }
0x74: {  	v49 =	vld.idx.msk [tilespmem:v45+s15+$0x0], $0xffff  }
0x75: {  	v51 =	vld [tilespmem:$0x60];
	v32 =	vmul.f32 $5.000000000e-01, v32;
	_ =	sdelay $0x1  }
0x76: {  	vm13 =	vgt.f32 v50, $5.000000000e-01;
	vm10 =	vgt.f32 v32, $1.999999960e-02  }
0x77: {  	vm11 =	veq.s32 v48, v5;
	vm9 =	vgt.f32 v32, $9.999999770e-03;
	vm12 =	vmneg vm10  }
0x78: {  	vm14 =	vgt.f32 v49, $5.000000000e-01;
	v52 =	vsel vm9, $0xFFFFFFFE, v45;
	vm0 =	vmand vm11, vm12  }
0x79: {  	vm15 =	vmand vm14, vm13;
	v32 =	vnsel vm0, $0xFFFFFFFF, v52  }
0x7a: {  	v32 =	vnsel vm15, $0xFFFFFFFE, v32  }
0x7b: {  	v53 =	vld [tilespmem:$0x260];
	[tilespmem:$0x1E50] =	vst v32  }
0x7c: {  	v32 =	vld.idx.msk [tilespmem:v51+s14+$0x0], $0xffff;
	_ =	sdelay $0x3  }
0x7d: {  	v56 =	vld [tilespmem:$0x460]  }
0x7e: {  	v54 =	vld.idx.msk [tilespmem:v51+s13+$0x0], $0xffff;
	v32 =	vadd.f32 v53, v32  }
0x7f: {  	v55 =	vld.idx.msk [tilespmem:v51+s15+$0x0], $0xffff  }
0x80: {  	v57 =	vld [tilespmem:$0x70];
	v32 =	vmul.f32 $5.000000000e-01, v32;
	_ =	sdelay $0x1  }
0x81: {  	vm8 =	vgt.f32 v56, $5.000000000e-01;
	vm5 =	vgt.f32 v32, $1.999999960e-02  }
0x82: {  	vm6 =	veq.s32 v54, v6;
	vm4 =	vgt.f32 v32, $9.999999770e-03;
	vm7 =	vmneg vm5  }
0x83: {  	vm9 =	vgt.f32 v55, $5.000000000e-01;
	v58 =	vsel vm4, $0xFFFFFFFE, v51;
	vm0 =	vmand vm6, vm7  }
0x84: {  	vm10 =	vmand vm9, vm8;
	v32 =	vnsel vm0, $0xFFFFFFFF, v58  }
0x85: {  	v32 =	vnsel vm10, $0xFFFFFFFE, v32  }
0x86: {  	v59 =	vld [tilespmem:$0x270];
	[tilespmem:$0x1E60] =	vst v32  }
0x87: {  	v32 =	vld.idx.msk [tilespmem:v57+s14+$0x0], $0xffff;
	_ =	sdelay $0x3  }
0x88: {  	v62 =	vld [tilespmem:$0x470]  }
0x89: {  	v60 =	vld.idx.msk [tilespmem:v57+s13+$0x0], $0xffff;
	v32 =	vadd.f32 v59, v32  }
0x8a: {  	v61 =	vld.idx.msk [tilespmem:v57+s15+$0x0], $0xffff  }
0x8b: {  	v63 =	vld [tilespmem:$0x80];
	v32 =	vmul.f32 $5.000000000e-01, v32;
	_ =	sdelay $0x1  }
0x8c: {  	vm15 =	vgt.f32 v62, $5.000000000e-01;
	vm12 =	vgt.f32 v32, $1.999999960e-02  }
0x8d: {  	vm13 =	veq.s32 v60, v7;
	vm11 =	vgt.f32 v32, $9.999999770e-03;
	vm14 =	vmneg vm12  }
0x8e: {  	vm4 =	vgt.f32 v61, $5.000000000e-01;
	v40 =	vsel vm11, $0xFFFFFFFE, v57;
	vm0 =	vmand vm13, vm14  }
0x8f: {  	vm5 =	vmand vm4, vm15;
	v32 =	vnsel vm0, $0xFFFFFFFF, v40  }
0x90: {  	v32 =	vnsel vm5, $0xFFFFFFFE, v32  }
0x91: {  	v41 =	vld [tilespmem:$0x280];
	[tilespmem:$0x1E70] =	vst v32  }
0x92: {  	v32 =	vld.idx.msk [tilespmem:v63+s14+$0x0], $0xffff;
	_ =	sdelay $0x3  }
0x93: {  	v44 =	vld [tilespmem:$0x480]  }
0x94: {  	v42 =	vld.idx.msk [tilespmem:v63+s13+$0x0], $0xffff;
	v32 =	vadd.f32 v41, v32  }
0x95: {  	v43 =	vld.idx.msk [tilespmem:v63+s15+$0x0], $0xffff  }
0x96: {  	v45 =	vld [tilespmem:$0x90];
	v32 =	vmul.f32 $5.000000000e-01, v32;
	_ =	sdelay $0x1  }
0x97: {  	vm10 =	vgt.f32 v44, $5.000000000e-01;
	vm7 =	vgt.f32 v32, $1.999999960e-02  }
0x98: {  	vm8 =	veq.s32 v42, v8;
	vm6 =	vgt.f32 v32, $9.999999770e-03;
	vm9 =	vmneg vm7  }
0x99: {  	vm11 =	vgt.f32 v43, $5.000000000e-01;
	v46 =	vsel vm6, $0xFFFFFFFE, v63;
	vm0 =	vmand vm8, vm9  }
0x9a: {  	vm12 =	vmand vm11, vm10;
	v32 =	vnsel vm0, $0xFFFFFFFF, v46  }
0x9b: {  	v32 =	vnsel vm12, $0xFFFFFFFE, v32  }
0x9c: {  	v47 =	vld [tilespmem:$0x290];
	[tilespmem:$0x1E80] =	vst v32  }
0x9d: {  	v32 =	vld.idx.msk [tilespmem:v45+s14+$0x0], $0xffff;
	_ =	sdelay $0x3  }
0x9e: {  	v50 =	vld [tilespmem:$0x490]  }
0x9f: {  	v48 =	vld.idx.msk [tilespmem:v45+s13+$0x0], $0xffff;
	v32 =	vadd.f32 v47, v32  }
0xa0: {  	v49 =	vld.idx.msk [tilespmem:v45+s15+$0x0], $0xffff  }
0xa1: {  	v51 =	vld [tilespmem:$0xA0];
	v32 =	vmul.f32 $5.000000000e-01, v32;
	_ =	sdelay $0x1  }
0xa2: {  	vm5 =	vgt.f32 v50, $5.000000000e-01;
	vm14 =	vgt.f32 v32, $1.999999960e-02  }
0xa3: {  	vm15 =	veq.s32 v48, v9;
	vm13 =	vgt.f32 v32, $9.999999770e-03;
	vm4 =	vmneg vm14  }
0xa4: {  	vm6 =	vgt.f32 v49, $5.000000000e-01;
	v52 =	vsel vm13, $0xFFFFFFFE, v45;
	vm0 =	vmand vm15, vm4  }
0xa5: {  	vm7 =	vmand vm6, vm5;
	v32 =	vnsel vm0, $0xFFFFFFFF, v52  }
0xa6: {  	v32 =	vnsel vm7, $0xFFFFFFFE, v32  }
0xa7: {  	v53 =	vld [tilespmem:$0x2A0];
	[tilespmem:$0x1E90] =	vst v32  }
0xa8: {  	v32 =	vld.idx.msk [tilespmem:v51+s14+$0x0], $0xffff;
	_ =	sdelay $0x3  }
0xa9: {  	v56 =	vld [tilespmem:$0x4A0]  }
0xaa: {  	v54 =	vld.idx.msk [tilespmem:v51+s13+$0x0], $0xffff;
	v32 =	vadd.f32 v53, v32  }
0xab: {  	v55 =	vld.idx.msk [tilespmem:v51+s15+$0x0], $0xffff  }
0xac: {  	v57 =	vld [tilespmem:$0xB0];
	v32 =	vmul.f32 $5.000000000e-01, v32;
	_ =	sdelay $0x1  }
0xad: {  	vm12 =	vgt.f32 v56, $5.000000000e-01;
	vm9 =	vgt.f32 v32, $1.999999960e-02  }
0xae: {  	vm10 =	veq.s32 v54, v10;
	vm8 =	vgt.f32 v32, $9.999999770e-03;
	vm11 =	vmneg vm9  }
0xaf: {  	vm13 =	vgt.f32 v55, $5.000000000e-01;
	v58 =	vsel vm8, $0xFFFFFFFE, v51;
	vm0 =	vmand vm10, vm11  }
0xb0: {  	vm14 =	vmand vm13, vm12;
	v32 =	vnsel vm0, $0xFFFFFFFF, v58  }
0xb1: {  	v32 =	vnsel vm14, $0xFFFFFFFE, v32  }
0xb2: {  	v59 =	vld [tilespmem:$0x2B0];
	[tilespmem:$0x1EA0] =	vst v32  }
0xb3: {  	v32 =	vld.idx.msk [tilespmem:v57+s14+$0x0], $0xffff;
	_ =	sdelay $0x3  }
0xb4: {  	v62 =	vld [tilespmem:$0x4B0]  }
0xb5: {  	v60 =	vld.idx.msk [tilespmem:v57+s13+$0x0], $0xffff;
	v32 =	vadd.f32 v59, v32  }
0xb6: {  	v61 =	vld.idx.msk [tilespmem:v57+s15+$0x0], $0xffff  }
0xb7: {  	v63 =	vld [tilespmem:$0xC0];
	v32 =	vmul.f32 $5.000000000e-01, v32;
	_ =	sdelay $0x1  }
0xb8: {  	vm7 =	vgt.f32 v62, $5.000000000e-01;
	vm4 =	vgt.f32 v32, $1.999999960e-02  }
0xb9: {  	vm5 =	veq.s32 v60, v11;
	vm15 =	vgt.f32 v32, $9.999999770e-03;
	vm6 =	vmneg vm4  }
0xba: {  	vm8 =	vgt.f32 v61, $5.000000000e-01;
	v40 =	vsel vm15, $0xFFFFFFFE, v57;
	vm0 =	vmand vm5, vm6  }
0xbb: {  	vm9 =	vmand vm8, vm7;
	v32 =	vnsel vm0, $0xFFFFFFFF, v40  }
0xbc: {  	v32 =	vnsel vm9, $0xFFFFFFFE, v32  }
0xbd: {  	v41 =	vld [tilespmem:$0x2C0];
	[tilespmem:$0x1EB0] =	vst v32  }
0xbe: {  	v32 =	vld.idx.msk [tilespmem:v63+s14+$0x0], $0xffff;
	_ =	sdelay $0x3  }
0xbf: {  	v44 =	vld [tilespmem:$0x4C0]  }
0xc0: {  	v42 =	vld.idx.msk [tilespmem:v63+s13+$0x0], $0xffff;
	v32 =	vadd.f32 v41, v32  }
0xc1: {  	v43 =	vld.idx.msk [tilespmem:v63+s15+$0x0], $0xffff  }
0xc2: {  	v45 =	vld [tilespmem:$0xD0];
	v32 =	vmul.f32 $5.000000000e-01, v32;
	_ =	sdelay $0x1  }
0xc3: {  	vm14 =	vgt.f32 v44, $5.000000000e-01;
	vm11 =	vgt.f32 v32, $1.999999960e-02  }
0xc4: {  	vm12 =	veq.s32 v42, v12;
	vm10 =	vgt.f32 v32, $9.999999770e-03;
	vm13 =	vmneg vm11  }
0xc5: {  	vm15 =	vgt.f32 v43, $5.000000000e-01;
	v46 =	vsel vm10, $0xFFFFFFFE, v63;
	vm0 =	vmand vm12, vm13  }
0xc6: {  	vm4 =	vmand vm15, vm14;
	v32 =	vnsel vm0, $0xFFFFFFFF, v46  }
0xc7: {  	v32 =	vnsel vm4, $0xFFFFFFFE, v32  }
0xc8: {  	v47 =	vld [tilespmem:$0x2D0];
	[tilespmem:$0x1EC0] =	vst v32  }
0xc9: {  	v32 =	vld.idx.msk [tilespmem:v45+s14+$0x0], $0xffff;
	_ =	sdelay $0x3  }
0xca: {  	v50 =	vld [tilespmem:$0x4D0]  }
0xcb: {  	v48 =	vld.idx.msk [tilespmem:v45+s13+$0x0], $0xffff;
	v32 =	vadd.f32 v47, v32  }
0xcc: {  	v49 =	vld.idx.msk [tilespmem:v45+s15+$0x0], $0xffff  }
0xcd: {  	v51 =	vld [tilespmem:$0xE0];
	v32 =	vmul.f32 $5.000000000e-01, v32;
	_ =	sdelay $0x1  }
0xce: {  	vm9 =	vgt.f32 v50, $5.000000000e-01;
	vm6 =	vgt.f32 v32, $1.999999960e-02  }
0xcf: {  	vm7 =	veq.s32 v48, v13;
	vm5 =	vgt.f32 v32, $9.999999770e-03;
	vm8 =	vmneg vm6  }
0xd0: {  	vm10 =	vgt.f32 v49, $5.000000000e-01;
	v52 =	vsel vm5, $0xFFFFFFFE, v45;
	vm0 =	vmand vm7, vm8  }
0xd1: {  	vm11 =	vmand vm10, vm9;
	v32 =	vnsel vm0, $0xFFFFFFFF, v52  }
0xd2: {  	v32 =	vnsel vm11, $0xFFFFFFFE, v32  }
0xd3: {  	v53 =	vld [tilespmem:$0x2E0];
	[tilespmem:$0x1ED0] =	vst v32  }
0xd4: {  	v32 =	vld.idx.msk [tilespmem:v51+s14+$0x0], $0xffff;
	_ =	sdelay $0x3  }
0xd5: {  	v56 =	vld [tilespmem:$0x4E0]  }
0xd6: {  	v54 =	vld.idx.msk [tilespmem:v51+s13+$0x0], $0xffff;
	v32 =	vadd.f32 v53, v32  }
0xd7: {  	v55 =	vld.idx.msk [tilespmem:v51+s15+$0x0], $0xffff  }
0xd8: {  	v57 =	vld [tilespmem:$0xF0];
	v32 =	vmul.f32 $5.000000000e-01, v32;
	_ =	sdelay $0x1  }
0xd9: {  	vm4 =	vgt.f32 v56, $5.000000000e-01;
	vm13 =	vgt.f32 v32, $1.999999960e-02  }
0xda: {  	vm14 =	veq.s32 v54, v14;
	vm12 =	vgt.f32 v32, $9.999999770e-03;
	vm15 =	vmneg vm13  }
0xdb: {  	vm5 =	vgt.f32 v55, $5.000000000e-01;
	v58 =	vsel vm12, $0xFFFFFFFE, v51;
	vm0 =	vmand vm14, vm15  }
0xdc: {  	vm6 =	vmand vm5, vm4;
	v32 =	vnsel vm0, $0xFFFFFFFF, v58  }
0xdd: {  	v32 =	vnsel vm6, $0xFFFFFFFE, v32  }
0xde: {  	v59 =	vld [tilespmem:$0x2F0];
	[tilespmem:$0x1EE0] =	vst v32  }
0xdf: {  	v32 =	vld.idx.msk [tilespmem:v57+s14+$0x0], $0xffff;
	_ =	sdelay $0x3  }
0xe0: {  	v62 =	vld [tilespmem:$0x4F0]  }
0xe1: {  	v60 =	vld.idx.msk [tilespmem:v57+s13+$0x0], $0xffff;
	v32 =	vadd.f32 v59, v32  }
0xe2: {  	v61 =	vld.idx.msk [tilespmem:v57+s15+$0x0], $0xffff  }
0xe3: {  	v63 =	vld [tilespmem:$0x100];
	v32 =	vmul.f32 $5.000000000e-01, v32;
	_ =	sdelay $0x1  }
0xe4: {  	vm11 =	vgt.f32 v62, $5.000000000e-01;
	vm8 =	vgt.f32 v32, $1.999999960e-02  }
0xe5: {  	vm9 =	veq.s32 v60, v15;
	vm7 =	vgt.f32 v32, $9.999999770e-03;
	vm10 =	vmneg vm8  }
0xe6: {  	vm12 =	vgt.f32 v61, $5.000000000e-01;
	v40 =	vsel vm7, $0xFFFFFFFE, v57;
	vm0 =	vmand vm9, vm10  }
0xe7: {  	vm13 =	vmand vm12, vm11;
	v32 =	vnsel vm0, $0xFFFFFFFF, v40  }
0xe8: {  	v32 =	vnsel vm13, $0xFFFFFFFE, v32  }
0xe9: {  	v41 =	vld [tilespmem:$0x300];
	[tilespmem:$0x1EF0] =	vst v32  }
0xea: {  	v32 =	vld.idx.msk [tilespmem:v63+s14+$0x0], $0xffff;
	_ =	sdelay $0x3  }
0xeb: {  	v44 =	vld [tilespmem:$0x500]  }
0xec: {  	v42 =	vld.idx.msk [tilespmem:v63+s13+$0x0], $0xffff;
	v32 =	vadd.f32 v41, v32  }
0xed: {  	v43 =	vld.idx.msk [tilespmem:v63+s15+$0x0], $0xffff  }
0xee: {  	v45 =	vld [tilespmem:$0x110];
	v32 =	vmul.f32 $5.000000000e-01, v32;
	_ =	sdelay $0x1  }
0xef: {  	vm6 =	vgt.f32 v44, $5.000000000e-01;
	vm15 =	vgt.f32 v32, $1.999999960e-02  }
0xf0: {  	vm4 =	veq.s32 v42, v16;
	vm14 =	vgt.f32 v32, $9.999999770e-03;
	vm5 =	vmneg vm15  }
0xf1: {  	vm7 =	vgt.f32 v43, $5.000000000e-01;
	v46 =	vsel vm14, $0xFFFFFFFE, v63;
	vm0 =	vmand vm4, vm5  }
0xf2: {  	vm8 =	vmand vm7, vm6;
	v32 =	vnsel vm0, $0xFFFFFFFF, v46  }
0xf3: {  	v32 =	vnsel vm8, $0xFFFFFFFE, v32  }
0xf4: {  	v47 =	vld [tilespmem:$0x310];
	[tilespmem:$0x1F00] =	vst v32  }
0xf5: {  	v32 =	vld.idx.msk [tilespmem:v45+s14+$0x0], $0xffff;
	_ =	sdelay $0x3  }
0xf6: {  	v50 =	vld [tilespmem:$0x510]  }
0xf7: {  	v48 =	vld.idx.msk [tilespmem:v45+s13+$0x0], $0xffff;
	v32 =	vadd.f32 v47, v32  }
0xf8: {  	v49 =	vld.idx.msk [tilespmem:v45+s15+$0x0], $0xffff  }
0xf9: {  	v51 =	vld [tilespmem:$0x120];
	v32 =	vmul.f32 $5.000000000e-01, v32;
	_ =	sdelay $0x1  }
0xfa: {  	vm13 =	vgt.f32 v50, $5.000000000e-01;
	vm10 =	vgt.f32 v32, $1.999999960e-02  }
0xfb: {  	vm11 =	veq.s32 v48, v17;
	vm9 =	vgt.f32 v32, $9.999999770e-03;
	vm12 =	vmneg vm10  }
0xfc: {  	vm14 =	vgt.f32 v49, $5.000000000e-01;
	v52 =	vsel vm9, $0xFFFFFFFE, v45;
	vm0 =	vmand vm11, vm12  }
0xfd: {  	vm15 =	vmand vm14, vm13;
	v32 =	vnsel vm0, $0xFFFFFFFF, v52  }
0xfe: {  	v32 =	vnsel vm15, $0xFFFFFFFE, v32  }
0xff: {  	v53 =	vld [tilespmem:$0x320];
	[tilespmem:$0x1F10] =	vst v32  }
0x100: {  	v32 =	vld.idx.msk [tilespmem:v51+s14+$0x0], $0xffff;
	_ =	sdelay $0x3  }
0x101: {  	v56 =	vld [tilespmem:$0x520]  }
0x102: {  	v54 =	vld.idx.msk [tilespmem:v51+s13+$0x0], $0xffff;
	v32 =	vadd.f32 v53, v32  }
0x103: {  	v55 =	vld.idx.msk [tilespmem:v51+s15+$0x0], $0xffff  }
0x104: {  	v57 =	vld [tilespmem:$0x130];
	v32 =	vmul.f32 $5.000000000e-01, v32;
	_ =	sdelay $0x1  }
0x105: {  	vm8 =	vgt.f32 v56, $5.000000000e-01;
	vm5 =	vgt.f32 v32, $1.999999960e-02  }
0x106: {  	vm6 =	veq.s32 v54, v18;
	vm4 =	vgt.f32 v32, $9.999999770e-03;
	vm7 =	vmneg vm5  }
0x107: {  	vm9 =	vgt.f32 v55, $5.000000000e-01;
	v58 =	vsel vm4, $0xFFFFFFFE, v51;
	vm0 =	vmand vm6, vm7  }
0x108: {  	vm10 =	vmand vm9, vm8;
	v32 =	vnsel vm0, $0xFFFFFFFF, v58  }
0x109: {  	v32 =	vnsel vm10, $0xFFFFFFFE, v32  }
0x10a: {  	v59 =	vld [tilespmem:$0x330];
	[tilespmem:$0x1F20] =	vst v32  }
0x10b: {  	v32 =	vld.idx.msk [tilespmem:v57+s14+$0x0], $0xffff;
	_ =	sdelay $0x3  }
0x10c: {  	v62 =	vld [tilespmem:$0x530]  }
0x10d: {  	v60 =	vld.idx.msk [tilespmem:v57+s13+$0x0], $0xffff;
	v32 =	vadd.f32 v59, v32  }
0x10e: {  	v61 =	vld.idx.msk [tilespmem:v57+s15+$0x0], $0xffff  }
0x10f: {  	v63 =	vld [tilespmem:$0x140];
	v32 =	vmul.f32 $5.000000000e-01, v32;
	_ =	sdelay $0x1  }
0x110: {  	vm15 =	vgt.f32 v62, $5.000000000e-01;
	vm12 =	vgt.f32 v32, $1.999999960e-02  }
0x111: {  	vm13 =	veq.s32 v60, v19;
	vm11 =	vgt.f32 v32, $9.999999770e-03;
	vm14 =	vmneg vm12  }
0x112: {  	vm4 =	vgt.f32 v61, $5.000000000e-01;
	v40 =	vsel vm11, $0xFFFFFFFE, v57;
	vm0 =	vmand vm13, vm14  }
0x113: {  	vm5 =	vmand vm4, vm15;
	v32 =	vnsel vm0, $0xFFFFFFFF, v40  }
0x114: {  	v32 =	vnsel vm5, $0xFFFFFFFE, v32  }
0x115: {  	v41 =	vld [tilespmem:$0x340];
	[tilespmem:$0x1F30] =	vst v32  }
0x116: {  	v32 =	vld.idx.msk [tilespmem:v63+s14+$0x0], $0xffff;
	_ =	sdelay $0x3  }
0x117: {  	v44 =	vld [tilespmem:$0x540]  }
0x118: {  	v42 =	vld.idx.msk [tilespmem:v63+s13+$0x0], $0xffff;
	v32 =	vadd.f32 v41, v32  }
0x119: {  	v43 =	vld.idx.msk [tilespmem:v63+s15+$0x0], $0xffff  }
0x11a: {  	v45 =	vld [tilespmem:$0x150];
	v32 =	vmul.f32 $5.000000000e-01, v32;
	_ =	sdelay $0x1  }
0x11b: {  	vm10 =	vgt.f32 v44, $5.000000000e-01;
	vm7 =	vgt.f32 v32, $1.999999960e-02  }
0x11c: {  	vm8 =	veq.s32 v42, v20;
	vm6 =	vgt.f32 v32, $9.999999770e-03;
	vm9 =	vmneg vm7  }
0x11d: {  	vm11 =	vgt.f32 v43, $5.000000000e-01;
	v46 =	vsel vm6, $0xFFFFFFFE, v63;
	vm0 =	vmand vm8, vm9  }
0x11e: {  	vm12 =	vmand vm11, vm10;
	v32 =	vnsel vm0, $0xFFFFFFFF, v46  }
0x11f: {  	v32 =	vnsel vm12, $0xFFFFFFFE, v32  }
0x120: {  	v47 =	vld [tilespmem:$0x350];
	[tilespmem:$0x1F40] =	vst v32  }
0x121: {  	v32 =	vld.idx.msk [tilespmem:v45+s14+$0x0], $0xffff;
	_ =	sdelay $0x3  }
0x122: {  	v50 =	vld [tilespmem:$0x550]  }
0x123: {  	v48 =	vld.idx.msk [tilespmem:v45+s13+$0x0], $0xffff;
	v32 =	vadd.f32 v47, v32  }
0x124: {  	v49 =	vld.idx.msk [tilespmem:v45+s15+$0x0], $0xffff  }
0x125: {  	v51 =	vld [tilespmem:$0x160];
	v32 =	vmul.f32 $5.000000000e-01, v32;
	_ =	sdelay $0x1  }
0x126: {  	vm5 =	vgt.f32 v50, $5.000000000e-01;
	vm14 =	vgt.f32 v32, $1.999999960e-02  }
0x127: {  	vm15 =	veq.s32 v48, v21;
	vm13 =	vgt.f32 v32, $9.999999770e-03;
	vm4 =	vmneg vm14  }
0x128: {  	vm6 =	vgt.f32 v49, $5.000000000e-01;
	v52 =	vsel vm13, $0xFFFFFFFE, v45;
	vm0 =	vmand vm15, vm4  }
0x129: {  	vm7 =	vmand vm6, vm5;
	v32 =	vnsel vm0, $0xFFFFFFFF, v52  }
0x12a: {  	v32 =	vnsel vm7, $0xFFFFFFFE, v32  }
0x12b: {  	v53 =	vld [tilespmem:$0x360];
	[tilespmem:$0x1F50] =	vst v32  }
0x12c: {  	v32 =	vld.idx.msk [tilespmem:v51+s14+$0x0], $0xffff;
	_ =	sdelay $0x3  }
0x12d: {  	v56 =	vld [tilespmem:$0x560]  }
0x12e: {  	v54 =	vld.idx.msk [tilespmem:v51+s13+$0x0], $0xffff;
	v32 =	vadd.f32 v53, v32  }
0x12f: {  	v55 =	vld.idx.msk [tilespmem:v51+s15+$0x0], $0xffff  }
0x130: {  	v57 =	vld [tilespmem:$0x170];
	v32 =	vmul.f32 $5.000000000e-01, v32;
	_ =	sdelay $0x1  }
0x131: {  	vm12 =	vgt.f32 v56, $5.000000000e-01;
	vm9 =	vgt.f32 v32, $1.999999960e-02  }
0x132: {  	vm10 =	veq.s32 v54, v22;
	vm8 =	vgt.f32 v32, $9.999999770e-03;
	vm11 =	vmneg vm9  }
0x133: {  	vm13 =	vgt.f32 v55, $5.000000000e-01;
	v58 =	vsel vm8, $0xFFFFFFFE, v51;
	vm0 =	vmand vm10, vm11  }
0x134: {  	vm14 =	vmand vm13, vm12;
	v32 =	vnsel vm0, $0xFFFFFFFF, v58  }
0x135: {  	v32 =	vnsel vm14, $0xFFFFFFFE, v32  }
0x136: {  	v59 =	vld [tilespmem:$0x370];
	[tilespmem:$0x1F60] =	vst v32  }
0x137: {  	v32 =	vld.idx.msk [tilespmem:v57+s14+$0x0], $0xffff;
	_ =	sdelay $0x3  }
0x138: {  	v62 =	vld [tilespmem:$0x570]  }
0x139: {  	v60 =	vld.idx.msk [tilespmem:v57+s13+$0x0], $0xffff;
	v32 =	vadd.f32 v59, v32  }
0x13a: {  	v61 =	vld.idx.msk [tilespmem:v57+s15+$0x0], $0xffff  }
0x13b: {  	v63 =	vld [tilespmem:$0x180];
	v32 =	vmul.f32 $5.000000000e-01, v32;
	_ =	sdelay $0x1  }
0x13c: {  	vm7 =	vgt.f32 v62, $5.000000000e-01;
	vm4 =	vgt.f32 v32, $1.999999960e-02  }
0x13d: {  	vm5 =	veq.s32 v60, v23;
	vm15 =	vgt.f32 v32, $9.999999770e-03;
	vm6 =	vmneg vm4  }
0x13e: {  	vm8 =	vgt.f32 v61, $5.000000000e-01;
	v40 =	vsel vm15, $0xFFFFFFFE, v57;
	vm0 =	vmand vm5, vm6  }
0x13f: {  	vm9 =	vmand vm8, vm7;
	v32 =	vnsel vm0, $0xFFFFFFFF, v40  }
0x140: {  	v32 =	vnsel vm9, $0xFFFFFFFE, v32  }
0x141: {  	v41 =	vld [tilespmem:$0x380];
	[tilespmem:$0x1F70] =	vst v32  }
0x142: {  	v32 =	vld.idx.msk [tilespmem:v63+s14+$0x0], $0xffff;
	_ =	sdelay $0x3  }
0x143: {  	v44 =	vld [tilespmem:$0x580]  }
0x144: {  	v42 =	vld.idx.msk [tilespmem:v63+s13+$0x0], $0xffff;
	v32 =	vadd.f32 v41, v32  }
0x145: {  	v43 =	vld.idx.msk [tilespmem:v63+s15+$0x0], $0xffff  }
0x146: {  	v45 =	vld [tilespmem:$0x190];
	v32 =	vmul.f32 $5.000000000e-01, v32;
	_ =	sdelay $0x1  }
0x147: {  	vm14 =	vgt.f32 v44, $5.000000000e-01;
	vm11 =	vgt.f32 v32, $1.999999960e-02  }
0x148: {  	vm12 =	veq.s32 v42, v24;
	vm10 =	vgt.f32 v32, $9.999999770e-03;
	vm13 =	vmneg vm11  }
0x149: {  	vm15 =	vgt.f32 v43, $5.000000000e-01;
	v46 =	vsel vm10, $0xFFFFFFFE, v63;
	vm0 =	vmand vm12, vm13  }
0x14a: {  	vm4 =	vmand vm15, vm14;
	v32 =	vnsel vm0, $0xFFFFFFFF, v46  }
0x14b: {  	v32 =	vnsel vm4, $0xFFFFFFFE, v32  }
0x14c: {  	v47 =	vld [tilespmem:$0x390];
	[tilespmem:$0x1F80] =	vst v32  }
0x14d: {  	v32 =	vld.idx.msk [tilespmem:v45+s14+$0x0], $0xffff;
	_ =	sdelay $0x3  }
0x14e: {  	v50 =	vld [tilespmem:$0x590]  }
0x14f: {  	v48 =	vld.idx.msk [tilespmem:v45+s13+$0x0], $0xffff;
	v32 =	vadd.f32 v47, v32  }
0x150: {  	v49 =	vld.idx.msk [tilespmem:v45+s15+$0x0], $0xffff  }
0x151: {  	v51 =	vld [tilespmem:$0x1A0];
	v32 =	vmul.f32 $5.000000000e-01, v32;
	_ =	sdelay $0x1  }
0x152: {  	vm9 =	vgt.f32 v50, $5.000000000e-01;
	vm6 =	vgt.f32 v32, $1.999999960e-02  }
0x153: {  	vm7 =	veq.s32 v48, v25;
	vm5 =	vgt.f32 v32, $9.999999770e-03;
	vm8 =	vmneg vm6  }
0x154: {  	vm10 =	vgt.f32 v49, $5.000000000e-01;
	v52 =	vsel vm5, $0xFFFFFFFE, v45;
	vm0 =	vmand vm7, vm8  }
0x155: {  	vm11 =	vmand vm10, vm9;
	v32 =	vnsel vm0, $0xFFFFFFFF, v52  }
0x156: {  	v32 =	vnsel vm11, $0xFFFFFFFE, v32  }
0x157: {  	v53 =	vld [tilespmem:$0x3A0];
	[tilespmem:$0x1F90] =	vst v32  }
0x158: {  	v32 =	vld.idx.msk [tilespmem:v51+s14+$0x0], $0xffff;
	_ =	sdelay $0x3  }
0x159: {  	v56 =	vld [tilespmem:$0x5A0]  }
0x15a: {  	v54 =	vld.idx.msk [tilespmem:v51+s13+$0x0], $0xffff;
	v32 =	vadd.f32 v53, v32  }
0x15b: {  	v55 =	vld.idx.msk [tilespmem:v51+s15+$0x0], $0xffff  }
0x15c: {  	v57 =	vld [tilespmem:$0x1B0];
	v32 =	vmul.f32 $5.000000000e-01, v32;
	_ =	sdelay $0x1  }
0x15d: {  	vm4 =	vgt.f32 v56, $5.000000000e-01;
	vm13 =	vgt.f32 v32, $1.999999960e-02  }
0x15e: {  	vm14 =	veq.s32 v54, v26;
	vm12 =	vgt.f32 v32, $9.999999770e-03;
	vm15 =	vmneg vm13  }
0x15f: {  	vm5 =	vgt.f32 v55, $5.000000000e-01;
	v58 =	vsel vm12, $0xFFFFFFFE, v51;
	vm0 =	vmand vm14, vm15  }
0x160: {  	vm6 =	vmand vm5, vm4;
	v32 =	vnsel vm0, $0xFFFFFFFF, v58  }
0x161: {  	v32 =	vnsel vm6, $0xFFFFFFFE, v32  }
0x162: {  	v59 =	vld [tilespmem:$0x3B0];
	[tilespmem:$0x1FA0] =	vst v32  }
0x163: {  	v32 =	vld.idx.msk [tilespmem:v57+s14+$0x0], $0xffff;
	_ =	sdelay $0x3  }
0x164: {  	v62 =	vld [tilespmem:$0x5B0]  }
0x165: {  	v60 =	vld.idx.msk [tilespmem:v57+s13+$0x0], $0xffff;
	v32 =	vadd.f32 v59, v32  }
0x166: {  	v61 =	vld.idx.msk [tilespmem:v57+s15+$0x0], $0xffff  }
0x167: {  	v63 =	vld [tilespmem:$0x1C0];
	v32 =	vmul.f32 $5.000000000e-01, v32;
	_ =	sdelay $0x1  }
0x168: {  	vm11 =	vgt.f32 v62, $5.000000000e-01;
	vm8 =	vgt.f32 v32, $1.999999960e-02  }
0x169: {  	vm9 =	veq.s32 v60, v27;
	vm7 =	vgt.f32 v32, $9.999999770e-03;
	vm10 =	vmneg vm8  }
0x16a: {  	vm12 =	vgt.f32 v61, $5.000000000e-01;
	v40 =	vsel vm7, $0xFFFFFFFE, v57;
	vm0 =	vmand vm9, vm10  }
0x16b: {  	vm13 =	vmand vm12, vm11;
	v32 =	vnsel vm0, $0xFFFFFFFF, v40  }
0x16c: {  	v32 =	vnsel vm13, $0xFFFFFFFE, v32  }
0x16d: {  	v41 =	vld [tilespmem:$0x3C0];
	[tilespmem:$0x1FB0] =	vst v32  }
0x16e: {  	v32 =	vld.idx.msk [tilespmem:v63+s14+$0x0], $0xffff;
	_ =	sdelay $0x3  }
0x16f: {  	v44 =	vld [tilespmem:$0x5C0]  }
0x170: {  	v42 =	vld.idx.msk [tilespmem:v63+s13+$0x0], $0xffff;
	v32 =	vadd.f32 v41, v32  }
0x171: {  	v43 =	vld.idx.msk [tilespmem:v63+s15+$0x0], $0xffff  }
0x172: {  	v45 =	vld [tilespmem:$0x1D0];
	v32 =	vmul.f32 $5.000000000e-01, v32;
	_ =	sdelay $0x1  }
0x173: {  	vm6 =	vgt.f32 v44, $5.000000000e-01;
	vm15 =	vgt.f32 v32, $1.999999960e-02  }
0x174: {  	vm4 =	veq.s32 v42, v28;
	vm14 =	vgt.f32 v32, $9.999999770e-03;
	vm5 =	vmneg vm15  }
0x175: {  	vm7 =	vgt.f32 v43, $5.000000000e-01;
	v46 =	vsel vm14, $0xFFFFFFFE, v63;
	vm0 =	vmand vm4, vm5  }
0x176: {  	vm8 =	vmand vm7, vm6;
	v32 =	vnsel vm0, $0xFFFFFFFF, v46  }
0x177: {  	v32 =	vnsel vm8, $0xFFFFFFFE, v32  }
0x178: {  	v47 =	vld [tilespmem:$0x3D0];
	[tilespmem:$0x1FC0] =	vst v32  }
0x179: {  	v32 =	vld.idx.msk [tilespmem:v45+s14+$0x0], $0xffff;
	_ =	sdelay $0x3  }
0x17a: {  	v50 =	vld [tilespmem:$0x5D0]  }
0x17b: {  	v48 =	vld.idx.msk [tilespmem:v45+s13+$0x0], $0xffff;
	v32 =	vadd.f32 v47, v32  }
0x17c: {  	v49 =	vld.idx.msk [tilespmem:v45+s15+$0x0], $0xffff  }
0x17d: {  	v51 =	vld [tilespmem:$0x1E0];
	v32 =	vmul.f32 $5.000000000e-01, v32;
	_ =	sdelay $0x1  }
0x17e: {  	vm13 =	vgt.f32 v50, $5.000000000e-01;
	vm10 =	vgt.f32 v32, $1.999999960e-02  }
0x17f: {  	vm11 =	veq.s32 v48, v29;
	vm9 =	vgt.f32 v32, $9.999999770e-03;
	vm12 =	vmneg vm10  }
0x180: {  	vm14 =	vgt.f32 v49, $5.000000000e-01;
	v52 =	vsel vm9, $0xFFFFFFFE, v45;
	vm0 =	vmand vm11, vm12  }
0x181: {  	vm15 =	vmand vm14, vm13;
	v32 =	vnsel vm0, $0xFFFFFFFF, v52  }
0x182: {  	v32 =	vnsel vm15, $0xFFFFFFFE, v32  }
0x183: {  	v53 =	vld [tilespmem:$0x3E0];
	[tilespmem:$0x1FD0] =	vst v32  }
0x184: {  	v32 =	vld.idx.msk [tilespmem:v51+s14+$0x0], $0xffff;
	_ =	sdelay $0x3  }
0x185: {  	v56 =	vld [tilespmem:$0x5E0]  }
0x186: {  	v54 =	vld.idx.msk [tilespmem:v51+s13+$0x0], $0xffff;
	v32 =	vadd.f32 v53, v32  }
0x187: {  	v55 =	vld.idx.msk [tilespmem:v51+s15+$0x0], $0xffff  }
0x188: {  	v57 =	vld [tilespmem:$0x1F0];
	v32 =	vmul.f32 $5.000000000e-01, v32;
	_ =	sdelay $0x1  }
0x189: {  	vm7 =	vgt.f32 v56, $5.000000000e-01;
	vm5 =	vgt.f32 v32, $1.999999960e-02  }
0x18a: {  	vm6 =	veq.s32 v54, v30;
	vm4 =	vgt.f32 v32, $9.999999770e-03;
	vm1 =	vmneg vm5  }
0x18b: {  	vm8 =	vgt.f32 v55, $5.000000000e-01;
	v58 =	vsel vm4, $0xFFFFFFFE, v51;
	vm0 =	vmand vm6, vm1  }
0x18c: {  	vm9 =	vmand vm8, vm7;
	v32 =	vnsel vm0, $0xFFFFFFFF, v58  }
0x18d: {  	v32 =	vnsel vm9, $0xFFFFFFFE, v32  }
0x18e: {  	v59 =	vld [tilespmem:$0x3F0];
	[tilespmem:$0x1FE0] =	vst v32  }
0x18f: {  	v32 =	vld.idx.msk [tilespmem:v57+s14+$0x0], $0xffff;
	_ =	sdelay $0x3  }
0x190: {  	v62 =	vld [tilespmem:$0x5F0]  }
0x191: {  	v60 =	vld.idx.msk [tilespmem:v57+s13+$0x0], $0xffff;
	v32 =	vadd.f32 v59, v32  }
0x192: {  	v61 =	vld.idx.msk [tilespmem:v57+s15+$0x0], $0xffff  }
0x193: {  	v32 =	vmul.f32 $5.000000000e-01, v32;
	_ =	sdelay $0x1  }
0x194: {  	vm13 =	vgt.f32 v62, $5.000000000e-01;
	vm11 =	vgt.f32 v32, $1.999999960e-02  }
0x195: {  	vm12 =	veq.s32 v60, v31;
	vm10 =	vgt.f32 v32, $9.999999770e-03;
	vm1 =	vmneg vm11  }
0x196: {  	vm14 =	vgt.f32 v61, $5.000000000e-01;
	v63 =	vsel vm10, $0xFFFFFFFE, v57;
	vm0 =	vmand vm12, vm1  }
0x197: {  	vm15 =	vmand vm14, vm13;
	v32 =	vnsel vm0, $0xFFFFFFFF, v63  }
0x198: {  	p0 =	sne.s32 s10, $0x1;
	v32 =	vnsel vm15, $0xFFFFFFFE, v32  }
.Ltmp0:
0x199: {  	[tilespmem:$0x1FF0] =	vst v32;
	(pc) =	sbr.rel @p0 .LBB2_1-.Ltmp0, $4  }
0x19a: {  	[hbm4b:s9+s2] =	stream.linear.scatter [tilespmem:s17], [sflag:$0x2], $0x200, $0x38;
	[tilespmem:$0x2000] =	vst v63  }
0x19b: {  	_ =	swait.ge [sflag:s18], $0x200  }
0x19c: {  	[sflag:s18] =	ssyncset.done $0x0  }
0x19d: {  	s10 =	sadd.s32 $0xFFFFFFFF, s10;
	[sflag:s18] =	ssyncadd.s32 $0xFFFFFE00  }
0x19e: {  	_ =	sfence.sel $0x180000  }
0x19f: {  	[bflag:$0x0] =	sbarrier.arrive $0xFFFF  }
0x1a0: {  	p0 =	sne.s32 s0, $0x0;
	_ =	strace $0x90000047  }
0x1a1: {  	s0 =	sadd.s32 @!p0 $0x100000, s1;
	[bflag:$0x2] =	sbarrier.arrive $0xFFFF  }
0x1a2: {  	[sflag:s0] =	ssyncadd.tile.s32 @!p0 $0x1;
	_ =	shalt  }
.Lfunc_end2:
_tile_overlayer_lowered:
.L_overlay_start_2:
0x1a3: {  	(tag) =	ssettag $0x2  }
0x1a4: {  	s0 =	rddreg [dreg:$0x0];
	s2 =	stileid.u32  }
0x1a5: {  	s1 =	rddreg [dreg:$0x1];
	p0 =	sne.s32 s2, $0x0  }
0x1a6: {  	s3 =	rddreg [dreg:$0x2];
	[bflag:$0x3] =	sbarrier.arrive $0xFFFF;
	s2 =	simm.s32 @!p0 $0x1C02  }
0x1a7: {  	[timem:s3], [sflag:s2] =	dma.local @!p0 [hbm:s0], s1  }
0x1a8: {  	s0 =	simm.s32 @!p0 $0x2  }
0x1a9: {  	_ =	swait.ge @!p0 [sflag:s0], s1  }
0x1aa: {  	s1 =	ssub.s32 @!p0 $0x0, s1;
	[sflag:s0] =	ssyncset.done @!p0 $0x0  }
0x1ab: {  	[sflag:s0] =	ssyncadd.s32 @!p0 s1  }
0x1ac: {  	[bflag:$0x3] =	sbarrier.arrive $0xFFFF  }
0x1ad: {  	_ =	shalt  }

// kernel: kernel.8.cloned.1.call-start
scs
__scs_entry_jumppad:
0x0: {  	(pc) =	sbr.rel $0x88, $3  }
0x1: {  	(tag) =	ssettag $0x0;
	lr =	simm.s32 $0x1  }
0x2: {  	[smem:$0x3F9A] =	sst lr;
	_ =	strace $0xD0000000  }
0x3: {  	_ = 	snop  }
0x4: {  	_ = 	snop  }
0x5: {  	_ = 	snop  }
0x6: {  	_ = 	snop  }
0x7: {  	_ = 	snop  }
__scs_overlays_trampoline_lowered:
0x8: {  	[smem:$0x3FA9] =	sst s0  }
0x9: {  	[smem:$0x3FAA] =	sst s1  }
0xa: {  	[smem:$0x3FAB] =	sst s2  }
0xb: {  	[smem:$0x3FAC] =	sst s3  }
0xc: {  	[smem:$0x3FAD] =	sst s4  }
0xd: {  	[smem:$0x3FAE] =	sst s5  }
0xe: {  	[smem:$0x3FAF] =	sst s6  }
0xf: {  	[smem:$0x3FB0] =	sst s7  }
0x10: {  	[smem:$0x3FB1] =	sst s8  }
0x11: {  	[smem:$0x3FB2] =	sst s9;
	s0 =	simm.s32 @!p0 $0x0  }
0x12: {  	s1 =	sld [smem:$0x3F98];
	s0 =	simm.s32 @p0 $0x1  }
0x13: {  	[smem:$0x3FB3] =	sst s0;
	s0 =	simm.s32 @!p1 $0x0  }
0x14: {  	s2 =	sld [smem:$0x3F97];
	s0 =	simm.s32 @p1 $0x1  }
0x15: {  	[smem:$0x3FB4] =	sst s0;
	s0 =	simm.s32 @!p2 $0x0  }
0x16: {  	s3 =	sld [smem:$0x3FDB];
	s0 =	simm.s32 @p2 $0x1  }
0x17: {  	s4 =	simm.s32 $0x1BF5;
	[smem:$0x3FB6] =	sst s0  }
0x18: {  	s0 =	sld [smem:$0x3F99];
	_ =	swait.ge [sflag:s4], $0x0  }
0x19: {  	s7 =	sld [smem:$0x3F9A]  }
0x1a: {  	s8 =	sadd.s32 $0xFFFFE003, lr  }
0x1b: {  	s9 =	sadd.s32 $0xFFFFFEF7, lr;
	s5 =	simm.s32 $0xFFFFFFFF;
	p2 =	slt.u32 s8, $0xFFFFF086  }
0x1c: {  	p1 =	slt.u32 s9, $0xF7A;
	s5 =	simm.s32 @!p2 $0x0  }
0x1d: {  	s5 =	simm.s32 @p1 $0x1;
	p0 =	seq.s32 s7, s2  }
0x1e: {  	s7 =	smul.u32 @!p0 $0xF7A, s2;
	p2 =	seq.s32 @!p0 s5, $0x0  }
0x1f: {  	s9 =	smul.u32 $0xF7A, s1;
	s8 =	simm.s32 @!p0 $0x1BF5;
	p2 =	por !p2, p0  }
0x20: {  	[sflag:s8] =	ssyncset.s32 @!p0 $0xFFFFF086;
	s6 =	sadd.s32 @!p0 s3, s7;
	s7 =	simm.s32 @!p0 $0x108  }
0x21: {  	s3 =	sadd.s32 s3, s9;
	s6 =	sadd.s32 @!p0 $0x88, s6;
	s7 =	simm.s32 @p2 $0x1082  }
0x22: {  	[simem:s7], [sflag:s8] =	dma.local @!p0 [hbm:s6], $0xF7A  }
0x23: {  	s9 =	sor.u32 $0xD0000000, s2;
	s6 =	simm.s32 $0x108;
	_ =	swait.ge @!p0 [sflag:s8], $0x0  }
0x24: {  	s3 =	sadd.s32 $0x88, s3;
	s6 =	simm.s32 @!p1 $0x1082;
	[sflag:s4] =	ssyncset.s32 $0xFFFFF086  }
0x25: {  	[simem:s6], [sflag:s4] =	dma.local [hbm:s3], $0xF7A  }
0x26: {  	[smem:$0x3F9A] =	sst s1;
	(tag) =	ssettag s2;
	_ =	strace s9  }
0x27: {  	s1 =	sld [smem:$0x3FAA]  }
0x28: {  	s2 =	sld [smem:$0x3FAB]  }
0x29: {  	s4 =	sld [smem:$0x3FAD]  }
0x2a: {  	p0 =	seq.s32 s5, $0x0;
	s5 =	sld [smem:$0x3FAE]  }
0x2b: {  	s6 =	sld [smem:$0x3FAF]  }
0x2c: {  	s7 =	sld [smem:$0x3FB0]  }
0x2d: {  	s3 =	simm.s32 $0x108;
	s8 =	sld [smem:$0x3FB1]  }
0x2e: {  	s3 =	simm.s32 @!p0 $0x1082;
	s9 =	sld [smem:$0x3FB2]  }
0x2f: {  	lr =	sadd.s32 s0, s3;
	s0 =	sld [smem:$0x3FA9]  }
0x30: {  	s3 =	sld [smem:$0x3FAC]  }
0x31: {  	[smem:$0x3FB5] =	sst s10  }
0x32: {  	s10 =	sld [smem:$0x3FB3];
	_ =	sdelay $0x3  }
0x33: {  	p0 =	seq.s32 s10, $0x1;
	s10 =	sld [smem:$0x3FB5];
	_ =	sdelay $0x3  }
0x34: {  	[smem:$0x3FB5] =	sst s10  }
0x35: {  	s10 =	sld [smem:$0x3FB4];
	_ =	sdelay $0x3  }
0x36: {  	p1 =	seq.s32 s10, $0x1;
	s10 =	sld [smem:$0x3FB5];
	_ =	sdelay $0x3  }
0x37: {  	[smem:$0x3FB5] =	sst s10  }
0x38: {  	s10 =	sld [smem:$0x3FB6]  }
0x39: {  	_ = 	snop;
	(pc) =	sbr.ind lr, $3  }
0x3a: {  	_ = 	snop  }
0x3b: {  	_ = 	snop  }
0x3c: {  	p2 =	seq.s32 s10, $0x1;
	s10 =	sld [smem:$0x3FB5]  }
0x3d: {  	_ =	shalt  }
0x3e: {  	_ =	shalt  }
0x3f: {  	_ =	shalt  }
0x40: {  	_ =	shalt  }
0x41: {  	_ =	shalt  }
0x42: {  	_ =	shalt  }
0x43: {  	_ =	shalt  }
0x44: {  	_ =	shalt  }
0x45: {  	_ =	shalt  }
0x46: {  	_ =	shalt  }
0x47: {  	_ =	shalt  }
0x48: {  	_ =	shalt  }
0x49: {  	_ =	shalt  }
0x4a: {  	_ =	shalt  }
0x4b: {  	_ =	shalt  }
0x4c: {  	_ =	shalt  }
0x4d: {  	_ =	shalt  }
0x4e: {  	_ =	shalt  }
0x4f: {  	_ =	shalt  }
0x50: {  	_ =	shalt  }
0x51: {  	_ =	shalt  }
0x52: {  	_ =	shalt  }
0x53: {  	_ =	shalt  }
0x54: {  	_ =	shalt  }
0x55: {  	_ =	shalt  }
0x56: {  	_ =	shalt  }
0x57: {  	_ =	shalt  }
0x58: {  	_ =	shalt  }
0x59: {  	_ =	shalt  }
0x5a: {  	_ =	shalt  }
0x5b: {  	_ =	shalt  }
0x5c: {  	_ =	shalt  }
0x5d: {  	_ =	shalt  }
0x5e: {  	_ =	shalt  }
0x5f: {  	_ =	shalt  }
0x60: {  	_ =	shalt  }
0x61: {  	_ =	shalt  }
0x62: {  	_ =	shalt  }
0x63: {  	_ =	shalt  }
0x64: {  	_ =	shalt  }
0x65: {  	_ =	shalt  }
0x66: {  	_ =	shalt  }
0x67: {  	_ =	shalt  }
0x68: {  	_ =	shalt  }
0x69: {  	_ =	shalt  }
0x6a: {  	_ =	shalt  }
0x6b: {  	_ =	shalt  }
0x6c: {  	_ =	shalt  }
0x6d: {  	_ =	shalt  }
0x6e: {  	_ =	shalt  }
0x6f: {  	_ =	shalt  }
0x70: {  	_ =	shalt  }
0x71: {  	_ =	shalt  }
0x72: {  	_ =	shalt  }
0x73: {  	_ =	shalt  }
0x74: {  	_ =	shalt  }
0x75: {  	_ =	shalt  }
0x76: {  	_ =	shalt  }
0x77: {  	_ =	shalt  }
0x78: {  	_ =	shalt  }
0x79: {  	_ =	shalt  }
0x7a: {  	_ =	shalt  }
0x7b: {  	_ =	shalt  }
0x7c: {  	_ =	shalt  }
0x7d: {  	_ =	shalt  }
0x7e: {  	_ =	shalt  }
0x7f: {  	_ =	shalt  }
0x80: {  	_ =	shalt  }
0x81: {  	_ =	shalt  }
0x82: {  	_ =	shalt  }
0x83: {  	_ =	shalt  }
0x84: {  	_ =	shalt  }
0x85: {  	_ =	shalt  }
0x86: {  	_ =	shalt  }
0x87: {  	_ =	shalt  }
.Lfunc_end0:
.L_simem_size_0:
called_computation.1_lowered:
.L_overlay_start_0:
0x88: {  	s2 =	sld [smem:$0x3FD9]  }
0x89: {  	s3 =	sld [smem:$0x3FFE];
	_ =	sdelay $0x1  }
0x8a: {  	s1 =	srdreg.scid  }
0x8b: {  	s0 =	sand.u32 $0x1, s1  }
0x8c: {  	s16 =	sshll.u32 s0, $0xA;
	s2 =	sadd.s32 s3, s2  }
0x8d: {  	s2 =	sadd.s32 s2, s16  }
0x8e: {  	[smem:$0x3FC1] =	sst s2  }
0x8f: {  	_ = 	snop  }
0x90: {  	s4 =	sld [smem:$0x3FD0];
	_ =	sdelay $0x1  }
0x91: {  	s2 =	sld [smem:$0x3FC7]  }
0x92: {  	s6 =	simm.s32 $0xB;
	s5 =	simm.s32 $0x10;
	s17 =	sld [smem:$0x3FC6]  }
0x93: {  	[smem:s5], [sflag:s6] =	dma.local [hbm:s4], $0x1  }
0x94: {  	_ =	swait.eq [sflag:s6], $0x1  }
0x95: {  	[sflag:s6] =	ssyncset.done $0x0  }
0x96: {  	s18 =	sld [smem:$0x12];
	[sflag:s6] =	ssyncadd.s32 $0xFFFFFFFF  }
0x97: {  	s19 =	sld [smem:$0x13];
	(tm) =	ssettm $0x1  }
0x98: {  	s20 =	sld [smem:$0x3FFB];
	_ =	sdelay $0x3  }
0x99: {  	_ =	strace s20  }
0x9a: {  	s4 =	sld [smem:$0x3FFC];
	_ =	sdelay $0x3  }
0x9b: {  	_ =	strace s4  }
0x9c: {  	s4 =	sld [smem:$0x3FFD];
	_ =	sdelay $0x3  }
0x9d: {  	_ =	strace s4  }
0x9e: {  	_ =	strace $0x8FFFFFFF  }
0x9f: {  	s21 =	sld [smem:$0x3FDB];
	_ =	sdelay $0x1  }
0xa0: {  	s7 =	simm.s32 $_scs_section_size  }
0xa1: {  	s8 =	simm.s32 $_size__tile_overlayer_lowered;
	s9 =	simm.s32 $_tile_overlayer_lowered  }
0xa2: {  	s10 =	simm.s32 $0x1BFF;
	s22 =	sshll.u32 s9, $0x1;
	s7 =	sadd.s32 s7, s21  }
0xa3: {  	s23 =	simm.s32 $0x0;
	s8 =	sshll.u32 s8, $0x1;
	s9 =	sadd.s32 s22, s7  }
0xa4: {  	[timem:s23], [sflag:s10] =	dma.local [hbm:s9], s8  }
0xa5: {  	_ =	swait.ge [sflag:s10], s8  }
0xa6: {  	s8 =	ssub.s32 $0x0, s8;
	[sflag:s10] =	ssyncset.done $0x0  }
0xa7: {  	[sflag:s10] =	ssyncadd.s32 s8;
	_ =	sdelay $0x1  }
0xa8: {  	s24 =	simm.s32 $0x1B8B  }
0xa9: {  	_ =	swait.ge [sflag:s24], $0x1  }
0xaa: {  	[sflag:s24] =	ssyncset.done $0x0  }
0xab: {  	[sflag:s24] =	ssyncadd.s32 $0xFFFFFFFF  }
0xac: {  	s8 =	sld [smem:$0x0]  }
0xad: {  	s9 =	sand.u32 $0xFFFFFFFE, s1  }
0xae: {  	p0 =	sne.s32 s1, s9  }
0xaf: {  	s9 =	sshll.u32 @p0 s9, $0xE  }
0xb0: {  	s9 =	sadd.s32 @p0 $0x11B8D, s9;
	s10 =	sshll.u32 @p0 s8, $0x11  }
0xb1: {  	s9 =	sor.u32 @p0 s10, s9  }
0xb2: {  	[sflag:s9] =	ssyncadd.remote.s32 @p0 $0x1;
	_ =	sdelay $0x1  }
0xb3: {  	s9 =	simm.s32 @p0 $0x1B8D  }
0xb4: {  	_ =	swait.eq @p0 [sflag:s9], $0x1  }
0xb5: {  	[sflag:s9] =	ssyncadd.s32 @p0 $0xFFFFFFFF  }
0xb6: {  	s10 =	sshll.u32 @!p0 s1, $0xE  }
0xb7: {  	s10 =	sor.u32 @!p0 $0x4000, s10;
	s9 =	simm.s32 @!p0 $0x1B8D  }
0xb8: {  	s8 =	sshll.u32 @!p0 s8, $0x11;
	s10 =	sadd.s32 @!p0 $0x11B8D, s10;
	_ =	swait.eq @!p0 [sflag:s9], $0x1  }
0xb9: {  	s8 =	sor.u32 @!p0 s8, s10;
	[sflag:s9] =	ssyncadd.s32 @!p0 $0xFFFFFFFF  }
0xba: {  	s25 =	simm.s32 $0x1B8E;
	[sflag:s8] =	ssyncadd.remote.s32 @!p0 $0x1  }
0xbb: {  	s26 =	simm.s32 $execute0_lowered;
	[smem:$0x3FD2] =	sst s25  }
0xbc: {  	s8 =	sshll.u32 s26, $0x1;
	_ =	strace $0x80000049;
	[dreg:$0x1] =	wrdreg $0xFFFFFFFF  }
0xbd: {  	s28 =	simm.s32 $_size_execute0_lowered;
	s7 =	sadd.s32 s7, s8;
	[dreg:$0x0] =	wrdreg $0x0  }
0xbe: {  	s8 =	sshll.u32 s28, $0x1;
	[dreg:$0x2] =	wrdreg s7  }
0xbf: {  	[dreg:$0x3] =	wrdreg s8  }
0xc0: {  	[dreg:$0x4] =	wrdreg $0xC0  }
0xc1: {  	_ =	task [dreg:s23], $0x5FFFF  }
0xc2: {  	[dreg:$0x1] =	wrdreg $0xFFFFFFFF  }
0xc3: {  	[dreg:$0x0] =	wrdreg $0x60  }
0xc4: {  	[dreg:$0x2] =	wrdreg s2  }
0xc5: {  	[dreg:$0x3] =	wrdreg s17  }
0xc6: {  	[dreg:$0x4] =	wrdreg s18  }
0xc7: {  	[dreg:$0x5] =	wrdreg s19  }
0xc8: {  	[dreg:$0x6] =	wrdreg $0xA  }
0xc9: {  	_ =	task.clear_ibuf [dreg:s23], $0x7FFFF;
	_ =	strace $0x90000049  }
0xca: {  	s29 =	simm.s32 $0xA;
	_ =	strace $0x8000004B  }
0xcb: {  	_ =	swait.ge [sflag:s29], $0x1  }
0xcc: {  	[sflag:s29] =	ssyncadd.s32 $0xFFFFFFFF  }
0xcd: {  	_ =	strace $0x9000004B  }
0xce: {  	_ =	sfence  }
0xcf: {  	s30 =	sld [smem:$0x0];
	_ =	sdelay $0x2  }
0xd0: {  	s31 =	sshll.u32 s1, $0xD;
	s1 =	sshrl.u32 s1, $0x2  }
0xd1: {  	s3 =	sand.u32 $0x4000, s31;
	s1 =	sadd.s32 s1, s30  }
0xd2: {  	s0 =	sor.u32 s3, s0;
	s1 =	sshll.u32 s1, $0x11  }
0xd3: {  	s0 =	sor.u32 s1, s0  }
0xd4: {  	s0 =	sadd.s32 $0x8F2B, s0  }
0xd5: {  	[sflag:s0] =	ssyncadd.remote.s32 $0x1  }
0xd6: {  	_ =	sfence.sel $0xFFFF  }
0xd7: {  	[dreg:$0x0] =	wrdreg $0xFFFFFFFF;
	(pc) =	sbr.abs _section_cstart, $3  }
0xd8: {  	[dreg:$0x1] =	wrdreg $0xFFFFFFFF  }
0xd9: {  	_ =	task.clear_ibuf [dreg:s23], $0x2FFFF;
	_ =	strace $0x9FFFFFFF  }
0xda: {  	(tm) =	ssettm $0x7FFFFFFF  }
0xdb: {  	_ =	shalt  }
tec
execute0_lowered:
.L_overlay_start_1:
0x0: {  	(tag) =	ssettag $0x1  }
0x1: {  	s3 =	rddreg [dreg:$0x0]  }
0x2: {  	s6 =	rddreg [dreg:$0x1];
	s0 =	stileid.u32  }
0x3: {  	s5 =	rddreg [dreg:$0x2];
	s1 =	srdreg.scid;
	s2 =	sshll.u32 s0, $0x1  }
0x4: {  	s7 =	rddreg [dreg:$0x3];
	s8 =	sand.u32 $0x1, s1;
	s2 =	sand.u32 $0x6, s2  }
0x5: {  	s1 =	rddreg [dreg:$0x4];
	s9 =	sshll.u32 s0, $0xE;
	s4 =	sor.u32 s8, s2  }
0x6: {  	s9 =	sand.u32 $0x30000, s9;
	s2 =	simm.s32 $0x0;
	s4 =	sshll.u32 s4, $0xD  }
0x7: {  	[smem:$0x7FF] =	sst s2;
	s9 =	sor.u32 s9, s4  }
0x8: {  	_ =	strace $0x8000004A;
	s4 =	sadd.s32 s3, s9;
	s3 =	simm.s32 $0x1  }
0x9: {  	[tilespmem:s2], [sflag:$0x1] =	stream.linear.gather [hbm4b:s4+s2], $0x10000, $0x38;
	[tilespmem:$0x10000] =	vst v63  }
0xa: {  	_ =	swait.ge [sflag:s3], $0x10000  }
0xb: {  	[sflag:s3] =	ssyncset.done $0x0  }
0xc: {  	s8 =	ssub.s32 $0x2, s8;
	s5 =	sadd.s32 s5, s9;
	[sflag:s3] =	ssyncadd.s32 $0xFFFF0000  }
0xd: {  	[hbm4b:s5+s2] =	stream.linear.scatter [tilespmem:s2], [sflag:$0x1], $0x10000, $0x38;
	[tilespmem:$0x10000] =	vst v63  }
0xe: {  	s10 =	sshrl.u32 s8, $0x1;
	_ =	swait.ge [sflag:s3], $0x10000  }
0xf: {  	s8 =	ssub.s32 s8, s10;
	[sflag:s3] =	ssyncset.done $0x0  }
0x10: {  	s6 =	sadd.s32 s6, s9;
	s8 =	smax.u32 s8, $0x1;
	[sflag:s3] =	ssyncadd.s32 $0xFFFF0000  }
0x11: {  	[tilespmem:s2], [sflag:$0x1] =	stream.linear.gather [hbm4b:s6+s2], $0x10000, $0x38;
	[tilespmem:$0x10000] =	vst v63  }
0x12: {  	p0 =	sne.s32 s8, $0x1;
	_ =	swait.ge [sflag:s3], $0x10000  }
.Ltmp0:
0x13: {  	[sflag:s3] =	ssyncset.done $0x0;
	(pc) =	sbr.rel @!p0 .LBB2_2-.Ltmp0, $4  }
0x14: {  	s7 =	sadd.s32 s7, s9;
	[sflag:s3] =	ssyncadd.s32 $0xFFFF0000  }
0x15: {  	[hbm4b:s7+s2] =	stream.linear.scatter [tilespmem:s2], [sflag:$0x1], $0x10000, $0x38;
	[tilespmem:$0x10000] =	vst v63  }
0x16: {  	_ =	swait.ge [sflag:s3], $0x10000  }
0x17: {  	s8 =	sadd.s32 $0xFFFFFFFF, s8;
	[sflag:s3] =	ssyncset.done $0x0  }
.LBB2_1:
0x18: {  	p0 =	sne.s32 s8, $0x1;
	s8 =	sadd.s32 $0xFFFFFFFF, s8;
	[sflag:s3] =	ssyncadd.s32 $0xFFFF0000  }
0x19: {  	[tilespmem:s2], [sflag:$0x1] =	stream.linear.gather [hbm4b:s4+s2], $0x10000, $0x38;
	[tilespmem:$0x10000] =	vst v63  }
0x1a: {  	_ =	swait.ge [sflag:s3], $0x10000  }
0x1b: {  	[sflag:s3] =	ssyncset.done $0x0  }
0x1c: {  	[sflag:s3] =	ssyncadd.s32 $0xFFFF0000  }
0x1d: {  	[hbm4b:s5+s2] =	stream.linear.scatter [tilespmem:s2], [sflag:$0x1], $0x10000, $0x38;
	[tilespmem:$0x10000] =	vst v63  }
0x1e: {  	_ =	swait.ge [sflag:s3], $0x10000  }
0x1f: {  	[sflag:s3] =	ssyncset.done $0x0  }
0x20: {  	[sflag:s3] =	ssyncadd.s32 $0xFFFF0000  }
0x21: {  	[tilespmem:s2], [sflag:$0x1] =	stream.linear.gather [hbm4b:s6+s2], $0x10000, $0x38;
	[tilespmem:$0x10000] =	vst v63  }
0x22: {  	_ =	swait.ge [sflag:s3], $0x10000  }
.Ltmp1:
0x23: {  	[sflag:s3] =	ssyncset.done $0x0;
	(pc) =	sbr.rel @p0 .LBB2_1-.Ltmp1, $4  }
0x24: {  	[sflag:s3] =	ssyncadd.s32 $0xFFFF0000  }
0x25: {  	[hbm4b:s7+s2] =	stream.linear.scatter [tilespmem:s2], [sflag:$0x1], $0x10000, $0x38;
	[tilespmem:$0x10000] =	vst v63  }
0x26: {  	_ =	swait.ge [sflag:s3], $0x10000  }
0x27: {  	[sflag:s3] =	ssyncset.done $0x0  }
.LBB2_2:
0x28: {  	[sflag:s3] =	ssyncadd.s32 $0xFFFF0000  }
0x29: {  	_ =	sfence.sel $0x180000  }
0x2a: {  	[bflag:$0x0] =	sbarrier.arrive $0xFFFF  }
0x2b: {  	p0 =	sne.s32 s0, $0x0;
	_ =	strace $0x9000004A  }
0x2c: {  	s0 =	sadd.s32 @!p0 $0x100000, s1;
	[bflag:$0x2] =	sbarrier.arrive $0xFFFF  }
0x2d: {  	[sflag:s0] =	ssyncadd.tile.s32 @!p0 $0x1;
	_ =	shalt  }
.Lfunc_end2:
_tile_overlayer_lowered:
.L_overlay_start_2:
0x2e: {  	(tag) =	ssettag $0x2  }
0x2f: {  	s0 =	rddreg [dreg:$0x0];
	s2 =	stileid.u32  }
0x30: {  	s1 =	rddreg [dreg:$0x1];
	p0 =	sne.s32 s2, $0x0  }
0x31: {  	s3 =	rddreg [dreg:$0x2];
	[bflag:$0x3] =	sbarrier.arrive $0xFFFF;
	s2 =	simm.s32 @!p0 $0x1C01  }
0x32: {  	[timem:s3], [sflag:s2] =	dma.local @!p0 [hbm:s0], s1  }
0x33: {  	s0 =	simm.s32 @!p0 $0x1  }
0x34: {  	_ =	swait.ge @!p0 [sflag:s0], s1  }
0x35: {  	s1 =	ssub.s32 @!p0 $0x0, s1;
	[sflag:s0] =	ssyncset.done @!p0 $0x0  }
0x36: {  	[sflag:s0] =	ssyncadd.s32 @!p0 s1  }
0x37: {  	[bflag:$0x3] =	sbarrier.arrive $0xFFFF  }
0x38: {  	_ =	shalt  }

</sc_bundles>
